<compile_context>
chip_gen: v7x
topology: tpu7x:2x2x1
jax: 0.10.2.dev20260603
libtpu: 0.0.44.dev20260713+nightly
codegen_flags: <defaults>
</compile_context>

<pallas_src>
import functools

import jax
import jax.numpy as jnp
import numpy as np
from jax import lax
from jax.experimental import pallas as pl
from jax.experimental.pallas import tpu as pltpu
from jax.experimental.pallas import tpu_sc as plsc

B, T, N, DIM = 2, 4, 4096, 256
HEADS, DIM_HEAD, POOL = 8, 64, 8
M = N // POOL
KK = POOL + 1
INNER = HEADS * DIM_HEAD
RD = DIM_HEAD // 2
SCALE = DIM_HEAD ** -0.5
G = B * T * M
ROWS = KK * G
MB = 256

f32 = jnp.float32
bf16 = jnp.bfloat16


_FR = N // 128


def _fps_body(px_ref, py_ref, pivx_ref, pivy_ref):
    px = px_ref[...].reshape(B, _FR, 128)
    py = py_ref[...].reshape(B, _FR, 128)
    r32 = lax.broadcasted_iota(jnp.int32, (B, _FR, 128), 1)
    lane = lax.broadcasted_iota(jnp.int32, (B, _FR, 128), 2)
    gid = r32 * 128 + lane
    col = lax.broadcasted_iota(jnp.int32, (B, M), 1)
    x0 = px[:, 0:1, 0:1]
    y0 = py[:, 0:1, 0:1]
    dx = px - x0
    dy = py - y0
    mind0 = dx * dx + dy * dy
    pivx_ref[...] = jnp.where(col == 0, x0[:, 0], 0.0)
    pivy_ref[...] = jnp.where(col == 0, y0[:, 0], 0.0)

    def step(i, mind):
        am = jnp.max(jnp.max(mind, axis=1), axis=1)[:, None, None]
        idx = jnp.where(mind == am, gid, N)
        idx = jnp.min(jnp.min(idx, axis=1), axis=1)[:, None, None]
        sel = gid == idx
        nx = jnp.sum(jnp.sum(jnp.where(sel, px, 0.0), axis=1), axis=1)
        ny = jnp.sum(jnp.sum(jnp.where(sel, py, 0.0), axis=1), axis=1)
        nxb = nx[:, None, None]
        nyb = ny[:, None, None]
        ddx = px - nxb
        ddy = py - nyb
        nd = ddx * ddx + ddy * ddy
        pivx_ref[...] = jnp.where(col == i, nx[:, None], pivx_ref[...])
        pivy_ref[...] = jnp.where(col == i, ny[:, None], pivy_ref[...])
        return jnp.minimum(mind, nd)

    lax.fori_loop(1, M, step, mind0)


def _fps(px, py):
    return pl.pallas_call(
        _fps_body,
        out_shape=[jax.ShapeDtypeStruct((B, M), f32),
                   jax.ShapeDtypeStruct((B, M), f32)],
    )(px.reshape(B * _FR, 128), py.reshape(B * _FR, 128))


def _knn_body(pxc_ref, pyc_ref, pivx_ref, pivy_ref,
              nbr_ref, relx_ref, rely_ref, pd_ref):
    pxc = pxc_ref[0]
    pyc = pyc_ref[0]
    pivx = pivx_ref[0]
    pivy = pivy_ref[0]
    pxb = pxc.astype(bf16).astype(f32)
    pyb = pyc.astype(bf16).astype(f32)
    pvxb = pivx.astype(bf16).astype(f32)
    pvyb = pivy.astype(bf16).astype(f32)
    t = pvxb * pxb + pvyb * pyb
    inner = -2.0 * t
    xx = pivx * pivx + pivy * pivy
    yy = pxc * pxc + pyc * pyc
    pd_ref[...] = (-xx) - inner - yy
    rows = lax.broadcasted_iota(jnp.int32, (N, M), 0)
    for j in range(KK):
        pdv = pd_ref[...]
        amax = jnp.max(pdv, axis=0, keepdims=True)
        idx = jnp.min(jnp.where(pdv == amax, rows, N), axis=0, keepdims=True)
        sel = rows == idx
        gx = jnp.sum(jnp.where(sel, pxc, 0.0), axis=0, keepdims=True)
        gy = jnp.sum(jnp.where(sel, pyc, 0.0), axis=0, keepdims=True)
        nbr_ref[0, j] = idx[0]
        relx_ref[0, j] = (gx - pivx)[0]
        rely_ref[0, j] = (gy - pivy)[0]
        pd_ref[...] = jnp.where(sel, -jnp.inf, pdv)


def _knn(pxc, pyc, pivx, pivy):
    return pl.pallas_call(
        _knn_body,
        grid=(B,),
        in_specs=[
            pl.BlockSpec((1, N, 1), lambda b: (b, 0, 0)),
            pl.BlockSpec((1, N, 1), lambda b: (b, 0, 0)),
            pl.BlockSpec((1, 1, M), lambda b: (b, 0, 0)),
            pl.BlockSpec((1, 1, M), lambda b: (b, 0, 0)),
        ],
        out_specs=[
            pl.BlockSpec((1, KK, M), lambda b: (b, 0, 0)),
            pl.BlockSpec((1, KK, M), lambda b: (b, 0, 0)),
            pl.BlockSpec((1, KK, M), lambda b: (b, 0, 0)),
        ],
        out_shape=[jax.ShapeDtypeStruct((B, KK, M), jnp.int32),
                   jax.ShapeDtypeStruct((B, KK, M), f32),
                   jax.ShapeDtypeStruct((B, KK, M), f32)],
        scratch_shapes=[pltpu.VMEM((N, M), f32)],
    )(pxc, pyc, pivx.reshape(B, 1, M), pivy.reshape(B, 1, M))


_NWRK = 32
_ROWS_W = ROWS // _NWRK
_CH = 128
_NCH = _ROWS_W // _CH


def _gather_body(xf_hbm, idx_hbm, out_hbm, idx_v, rows_a, rows_b, sem_a, sem_b):
    c = lax.axis_index("c")
    s = lax.axis_index("s")
    wid = s * 2 + c
    base = wid * _ROWS_W
    pltpu.sync_copy(idx_hbm.at[pl.ds(base, _ROWS_W)], idx_v)
    bufs = (rows_a, rows_b)
    sems = (sem_a, sem_b)
    cps = [None, None]
    cps[0] = pltpu.async_copy(xf_hbm.at[idx_v.at[pl.ds(0, _CH)]], rows_a, sem_a)
    for ch in range(_NCH):
        nxt = ch + 1
        if nxt < _NCH:
            cps[nxt % 2] = pltpu.async_copy(
                xf_hbm.at[idx_v.at[pl.ds(nxt * _CH, _CH)]],
                bufs[nxt % 2], sems[nxt % 2])
        cps[ch % 2].wait()
        pltpu.sync_copy(bufs[ch % 2], out_hbm.at[pl.ds(base + ch * _CH, _CH)])


def _gather(xf, flat_idx):
    mesh = plsc.VectorSubcoreMesh(core_axis_name="c", subcore_axis_name="s")
    k = functools.partial(
        pl.kernel,
        mesh=mesh,
        out_type=jax.ShapeDtypeStruct((ROWS, DIM), f32),
        scratch_types=[
            pltpu.VMEM((_ROWS_W,), jnp.int32),
            pltpu.VMEM((_CH, DIM), f32),
            pltpu.VMEM((_CH, DIM), f32),
            pltpu.SemaphoreType.DMA,
            pltpu.SemaphoreType.DMA,
        ],
    )(_gather_body)
    return k(xf, flat_idx)


def _dense_body(xg_ref, rxc_ref, ryc_ref, wc_ref, w2_ref, axay_ref,
                sbig_ref, tmat_ref, tmatT_ref, ub_ref, wout_ref, bout_ref,
                out_ref):
    rxc = rxc_ref[0].reshape(KK * MB, 1)
    ryc = ryc_ref[0].reshape(KK * MB, 1)
    ax = axay_ref[0:1, :]
    ay = axay_ref[1:2, :]
    w2q = w2_ref[0:1, :]
    w2r = w2_ref[1:2, :]
    xall = xg_ref[...].reshape(KK * MB, DIM).astype(bf16)
    qkv = jnp.dot(xall, wc_ref[...], preferred_element_type=f32)
    qkv = qkv + rxc * w2q + ryc * w2r
    f64 = rxc * ax + ryc * ay
    c64 = jnp.cos(f64)
    s64 = jnp.sin(f64)
    cT = jnp.concatenate([c64] * HEADS, axis=1)
    sT = jnp.concatenate([s64] * HEADS, axis=1)
    q = qkv[:, 0:INNER]
    qP = qkv[:, INNER:2 * INNER]
    kq = qkv[:, 2 * INNER:3 * INNER]
    kP = qkv[:, 3 * INNER:4 * INNER]
    qr = ((q * cT + qP * sT) * SCALE).astype(bf16)
    kr = (kq * cT + kP * sT).astype(bf16)
    krcat = jnp.concatenate(
        [kr[j * MB:(j + 1) * MB] for j in range(KK)], axis=1)
    aacc = jnp.zeros((MB, HEADS * KK), dtype=f32)
    for i in range(KK):
        qi = qr[i * MB:(i + 1) * MB]
        zi = jnp.concatenate([qi] * KK, axis=1) * krcat
        di = jnp.dot(zi, sbig_ref[...], preferred_element_type=f32)
        ei = jnp.exp(di)
        si = ei[:, 0:HEADS]
        for j in range(1, KK):
            si = si + ei[:, j * HEADS:(j + 1) * HEADS]
        ri = 1.0 / si
        rexp = jnp.concatenate([ri] * KK, axis=1)
        aacc = aacc + ei * rexp
    abar = (aacc * (1.0 / KK)).astype(bf16)
    pooled = jnp.zeros((MB, INNER), dtype=f32)
    for j in range(KK):
        aexp = jnp.dot(abar, ub_ref[j], preferred_element_type=f32)
        pooled = pooled + aexp * qkv[:, 4 * INNER:5 * INNER][j * MB:(j + 1) * MB]
    out = jnp.dot(pooled.astype(bf16), wout_ref[...], preferred_element_type=f32)
    out_ref[0, 0] = out + bout_ref[...]


def _dense(xg, rxc, ryc, wc, w2, axay, sbig, tmat, tmatT, ub, wout, bout):
    nj = M // MB
    return pl.pallas_call(
        _dense_body,
        grid=(B, T, nj),
        in_specs=[
            pl.BlockSpec((KK, MB, DIM),
                         lambda b, t, j: (0, (b * T + t) * nj + j, 0)),
            pl.BlockSpec((1, KK, MB, 1), lambda b, t, j: (b, 0, j, 0)),
            pl.BlockSpec((1, KK, MB, 1), lambda b, t, j: (b, 0, j, 0)),
            pl.BlockSpec((DIM, 5 * INNER), lambda b, t, j: (0, 0)),
            pl.BlockSpec((2, 5 * INNER), lambda b, t, j: (0, 0)),
            pl.BlockSpec((2, DIM_HEAD), lambda b, t, j: (0, 0)),
            pl.BlockSpec((KK * INNER, HEADS * KK), lambda b, t, j: (0, 0)),
            pl.BlockSpec((HEADS * KK, HEADS), lambda b, t, j: (0, 0)),
            pl.BlockSpec((HEADS, HEADS * KK), lambda b, t, j: (0, 0)),
            pl.BlockSpec((KK, HEADS * KK, INNER), lambda b, t, j: (0, 0, 0)),
            pl.BlockSpec((INNER, DIM), lambda b, t, j: (0, 0)),
            pl.BlockSpec((1, DIM), lambda b, t, j: (0, 0)),
        ],
        out_specs=pl.BlockSpec((1, 1, MB, DIM), lambda b, t, j: (b, t, j, 0)),
        out_shape=jax.ShapeDtypeStruct((B, T, M, DIM), f32),
    )(xg.reshape(KK, G, DIM), rxc, ryc, wc, w2, axay, sbig, tmat, tmatT,
      ub, wout, bout)


def _structure_mats():
    sbig = np.zeros((KK * INNER, HEADS * KK), dtype=np.float32)
    for j in range(KK):
        for h in range(HEADS):
            sbig[j * INNER + h * DIM_HEAD:(j * INNER + (h + 1) * DIM_HEAD),
                 j * HEADS + h] = 1.0
    tmat = np.zeros((HEADS * KK, HEADS), dtype=np.float32)
    for h in range(HEADS):
        tmat[h * KK:(h + 1) * KK, h] = 1.0
    ub = np.zeros((KK, HEADS * KK, INNER), dtype=np.float32)
    for j in range(KK):
        for h in range(HEADS):
            ub[j, j * HEADS + h, h * DIM_HEAD:(h + 1) * DIM_HEAD] = 1.0
    return sbig, tmat, tmat.T, ub


_SBIG_NP, _TMAT_NP, _TMATT_NP, _UB_NP = _structure_mats()


def _rot_cols(w):
    wh = w.reshape(-1, HEADS, 4, RD // 2)
    a, b2, c, d = wh[:, :, 0], wh[:, :, 1], wh[:, :, 2], wh[:, :, 3]
    return jnp.stack([-b2, a, -d, c], axis=2).reshape(-1, INNER)


def kernel(x, pos_embedding, W_qkv, W_out, b_out):
    px = pos_embedding[:, :, 0]
    py = pos_embedding[:, :, 1]
    pivx, pivy = _fps(px, py)
    nbr, relx, rely = _knn(px[..., None], py[..., None], pivx, pivy)

    bt_base = (jnp.arange(B * T, dtype=jnp.int32) * N).reshape(B, 1, T, 1)
    flat = (nbr[:, :, None, :] + bt_base)
    flat = jnp.transpose(flat, (1, 0, 2, 3)).reshape(ROWS)
    xg = _gather(x.reshape(B * T * N, DIM), flat)

    wq = W_qkv[:, 0:INNER]
    wk = W_qkv[:, INNER:2 * INNER]
    wv = W_qkv[:, 2 * INNER:3 * INNER]
    wcat = jnp.concatenate(
        [wq, _rot_cols(wq), wk, _rot_cols(wk), wv], axis=1)
    wc = wcat[:DIM].astype(bf16)
    w2 = wcat[DIM:DIM + 2]
    invf = 1.0 / (10000.0 ** (jnp.arange(0, RD, 2, dtype=f32) / RD))
    base = jnp.concatenate([invf, invf]) * 2048.0
    zeros = jnp.zeros((RD,), dtype=f32)
    axay = jnp.stack([jnp.concatenate([base, zeros]),
                      jnp.concatenate([zeros, base])])

    out = _dense(xg, relx[..., None], rely[..., None],
                 wc, w2, axay,
                 jnp.asarray(_SBIG_NP, dtype=bf16),
                 jnp.asarray(_TMAT_NP, dtype=bf16),
                 jnp.asarray(_TMATT_NP, dtype=bf16),
                 jnp.asarray(_UB_NP, dtype=bf16),
                 W_out.astype(bf16), b_out.reshape(1, DIM))
    pivot_pos = jnp.stack([pivx, pivy], axis=-1)
    return out, pivot_pos

# --- scband reference (transcript-rebuilt; emitter-appended) ---
"""Pipeline reference for scband-attentive-pooling-49203145343717 (READ-ONLY COPY).

The authoritative reference and input builder live on the scoring server;
editing this copy changes nothing except your own understanding.
"""

import jax, jax.numpy as jnp
import numpy as np

B, T, N, DIM = 2, 4, 4096, 256
HEADS, DIM_HEAD, POOL = 8, 64, 8
MIN_FREQ, SCALE = 1.0 / 64.0, 32.0
INNER = HEADS * DIM_HEAD


def rotate_half(x):
    d = x.shape[-1] // 2
    x1, x2 = x[..., :d], x[..., d:]
    return jnp.concatenate([-x2, x1], axis=-1)


def apply_rotary_pos_emb(t, freqs):
    return t * jnp.cos(freqs) + rotate_half(t) * jnp.sin(freqs)


def apply_2d_rotary_pos_emb(t, fx, fy):
    d = t.shape[-1]
    tx, ty = t[..., : d // 2], t[..., d // 2 :]
    return jnp.concatenate([apply_rotary_pos_emb(tx, fx), apply_rotary_pos_emb(ty, fy)], axis=-1)


def rotary_freqs(coords, inv_freq):
    t = coords * (SCALE / MIN_FREQ)
    freqs = jnp.einsum('...i,j->...ij', t, inv_freq)
    return jnp.concatenate([freqs, freqs], axis=-1)


def knn_idx(x1, x2, k):
    inner = -2.0 * jnp.einsum('bnc,bmc->bnm', x1, x2)
    xx = jnp.sum(x1 ** 2, axis=-1, keepdims=True)
    yy = jnp.sum(x2 ** 2, axis=-1, keepdims=True)
    pd = -xx - inner - jnp.swapaxes(yy, 1, 2)
    return jax.lax.top_k(pd, k)[1]


def fps(pos, m):
    b, n, _ = pos.shape
    d2 = jnp.sum((pos - pos[:, :1]) ** 2, axis=-1)
    def step(carry, _):
        nxt = jnp.argmax(carry, axis=1)
        newp = jnp.take_along_axis(pos, nxt[:, None, None], axis=1)
        nd = jnp.sum((pos - newp) ** 2, axis=-1)
        return jnp.minimum(carry, nd), nxt.astype(jnp.int32)
    _, rest = jax.lax.scan(step, d2, None, length=m - 1)
    idxs = jnp.concatenate([jnp.zeros((1, b), jnp.int32), rest], axis=0)
    return idxs.T


def setup_inputs(seed: int = 0) -> dict:
    key = jax.random.key(seed)
    k1, k2, k3, k4 = jax.random.split(key, 4)
    x = jax.random.normal(k1, (B, T, N, DIM), dtype=jnp.float32)
    pos_embedding = jax.random.uniform(k2, (B, N, 2), dtype=jnp.float32)
    W_qkv = jax.random.normal(k3, (DIM + 2, INNER * 3), dtype=jnp.float32) * 0.02
    W_out = jax.random.normal(k4, (INNER, DIM), dtype=jnp.float32) * 0.02
    b_out = jnp.zeros((DIM,), dtype=jnp.float32)
    return {'x': x, 'pos_embedding': pos_embedding, 'W_qkv': W_qkv, 'W_out': W_out, 'b_out': b_out}


def reference(x, pos_embedding, W_qkv, W_out, b_out):
    b, t, n, c = x.shape
    m = n // POOL
    kk = POOL + 1
    scale = DIM_HEAD ** -0.5
    rd = DIM_HEAD // 2
    inv_freq = 1.0 / (10000.0 ** (jnp.arange(0, rd, 2, dtype=jnp.float32) / rd))
    piv_idx = fps(jax.lax.stop_gradient(pos_embedding), m)
    pivot_pos = jnp.take_along_axis(pos_embedding, piv_idx[..., None], axis=1)
    nbr = knn_idx(jax.lax.stop_gradient(pivot_pos), jax.lax.stop_gradient(pos_embedding), kk)
    pos_rep = jnp.repeat(pos_embedding, t, axis=0)
    nbr_rep = jnp.repeat(nbr, t, axis=0)
    idx_base = jnp.arange(b * t, dtype=jnp.int32)[:, None, None] * n
    flat = (nbr_rep + idx_base).reshape(-1)
    xg = x.reshape(b * t * n, c)[flat].reshape(b * t * m, kk, c)
    posg = pos_rep.reshape(b * t * n, 2)[flat].reshape(b * t, m, kk, 2)
    piv_rep = jnp.repeat(pivot_pos, t, axis=0)
    posg = (posg - piv_rep[:, :, None, :]).reshape(b * t * m, kk, 2)
    xcat = jnp.concatenate([xg, posg], axis=-1)
    fx = rotary_freqs(posg[..., 0], inv_freq)[:, None]
    fy = rotary_freqs(posg[..., 1], inv_freq)[:, None]
    qkv = xcat @ W_qkv
    q, k_, v = jnp.split(qkv, 3, axis=-1)
    def split_heads(z):
        return z.reshape(b * t * m, kk, HEADS, DIM_HEAD).transpose(0, 2, 1, 3)
    q, k_, v = split_heads(q), split_heads(k_), split_heads(v)
    q = apply_2d_rotary_pos_emb(q, fx, fy)
    k_ = apply_2d_rotary_pos_emb(k_, fx, fy)
    dots = jnp.einsum('bhid,bhjd->bhij', q, k_) * scale
    attn = jax.nn.softmax(dots, axis=-1)
    out = jnp.einsum('bhij,bhjd->bhid', attn, v)
    out = out.transpose(0, 2, 1, 3).reshape(b * t * m, kk, INNER)
    out = out @ W_out + b_out
    out = out.mean(axis=1)
    return out.reshape(b, t, m, c), pivot_pos

if __name__ == "__main__":
    import jax
    _d = setup_inputs()
    print(jax.jit(kernel)(*tuple(_d.values())))

</pallas_src>

<mosaic_0001>
#map = affine_map<(d0, d1) -> (0, 0)>
#map1 = affine_map<(d0, d1) -> (0)>
module attributes {stable_mosaic.version = 14 : i64} {
  func.func @_gather_body(%arg0: i32, %arg1: i32, %arg2: memref<32768x256xf32, #tpu.memory_space<hbm>>, %arg3: memref<36864xi32, #tpu.memory_space<hbm>>, %arg4: memref<36864x256xf32, #tpu.memory_space<hbm>>, %arg5: memref<1152xi32, #tpu.memory_space<vmem>>, %arg6: memref<128x256xf32, #tpu.memory_space<vmem>>, %arg7: memref<128x256xf32, #tpu.memory_space<vmem>>, %arg8: memref<!tpu.dma_semaphore, #tpu.memory_space<semaphore_mem>>, %arg9: memref<!tpu.dma_semaphore, #tpu.memory_space<semaphore_mem>>) attributes {dimension_semantics = [#tpu.dimension_semantics<core_parallel>, #tpu.dimension_semantics<subcore_parallel>], iteration_bounds = array<i64: 2, 16>, scalar_prefetch = 0 : i64, scratch_operands = 5 : i64, tpu.core_type = #tpu.core_type<sc_vector_subcore>, window_params = [{transform_indices = #map}, {transform_indices = #map1}, {transform_indices = #map}]} {
    %mul3A = arith.constant 2 : i32
    %mul3A_0 = arith.muli %arg1, %mul3A : i32
    %add3A = arith.addi %mul3A_0, %arg0 : i32
    %mul3A_1 = arith.constant 1152 : i32
    %mul3A_2 = arith.muli %add3A, %mul3A_1 : i32
    "tpu.region"() ({
      %run_scoped3A = tpu.sem_alloc : memref<!tpu.dma_semaphore, #tpu.memory_space<semaphore_mem>>
      %dma_start3A_109 = tpu.memref_slice %arg3[%mul3A_2] : memref<36864xi32, #tpu.memory_space<hbm>> -> memref<1152xi32, #tpu.memory_space<hbm>>
      %dma_start3A_110 = tpu.memref_slice %arg3[%mul3A_2] : memref<36864xi32, #tpu.memory_space<hbm>> -> memref<1152xi32, #tpu.memory_space<hbm>>
      tpu.enqueue_dma source(%dma_start3A_110 : memref<1152xi32, #tpu.memory_space<hbm>>) target(%arg5 : memref<1152xi32, #tpu.memory_space<vmem>>) target_semaphore(%run_scoped3A : memref<!tpu.dma_semaphore, #tpu.memory_space<semaphore_mem>>)
      %dma_wait3A_111 = tpu.memref_slice %arg3[%mul3A_2] : memref<36864xi32, #tpu.memory_space<hbm>> -> memref<1152xi32, #tpu.memory_space<hbm>>
      %dma_wait3A_112 = tpu.memref_slice %arg3[%mul3A_2] : memref<36864xi32, #tpu.memory_space<hbm>> -> memref<1152xi32, #tpu.memory_space<hbm>>
      tpu.wait_dma2 semaphore(%run_scoped3A : memref<!tpu.dma_semaphore, #tpu.memory_space<semaphore_mem>>) src(%dma_wait3A_112 : memref<1152xi32, #tpu.memory_space<hbm>>) dst(%arg5 : memref<1152xi32, #tpu.memory_space<vmem>>)
      tpu.yield
    }) : () -> ()
    %dma_start3A = arith.constant 0 : i32
    %dma_start3A_3 = tpu.memref_slice %arg5[%dma_start3A] : memref<1152xi32, #tpu.memory_space<vmem>> -> memref<128xi32, #tpu.memory_space<vmem>>
    %dma_start3A_4 = arith.constant 0 : i32
    %dma_start3A_5 = arith.constant 0 : i32
    %dma_start3A_6 = tpu.memref_slice %arg2[%dma_start3A_4, %dma_start3A_5] : memref<32768x256xf32, #tpu.memory_space<hbm>> -> memref<32768x256xf32, #tpu.memory_space<hbm>>
    tpu.enqueue_indirect_dma source(%dma_start3A_6 : memref<32768x256xf32, #tpu.memory_space<hbm>>) target(%arg6 : memref<128x256xf32, #tpu.memory_space<vmem>>) offsets(%dma_start3A_3 : memref<128xi32, #tpu.memory_space<vmem>>) semaphore(%arg8 : memref<!tpu.dma_semaphore, #tpu.memory_space<semaphore_mem>>)
    %dma_start3A_7 = arith.constant 128 : i32
    %dma_start3A_8 = tpu.memref_slice %arg5[%dma_start3A_7] : memref<1152xi32, #tpu.memory_space<vmem>> -> memref<128xi32, #tpu.memory_space<vmem>>
    %dma_start3A_9 = arith.constant 0 : i32
    %dma_start3A_10 = arith.constant 0 : i32
    %dma_start3A_11 = tpu.memref_slice %arg2[%dma_start3A_9, %dma_start3A_10] : memref<32768x256xf32, #tpu.memory_space<hbm>> -> memref<32768x256xf32, #tpu.memory_space<hbm>>
    tpu.enqueue_indirect_dma source(%dma_start3A_11 : memref<32768x256xf32, #tpu.memory_space<hbm>>) target(%arg7 : memref<128x256xf32, #tpu.memory_space<vmem>>) offsets(%dma_start3A_8 : memref<128xi32, #tpu.memory_space<vmem>>) semaphore(%arg9 : memref<!tpu.dma_semaphore, #tpu.memory_space<semaphore_mem>>)
    %dma_wait3A = arith.constant 0 : i32
    %dma_wait3A_12 = tpu.memref_slice %arg5[%dma_wait3A] : memref<1152xi32, #tpu.memory_space<vmem>> -> memref<128xi32, #tpu.memory_space<vmem>>
    %dma_wait3A_13 = arith.constant 0 : i32
    %dma_wait3A_14 = arith.constant 0 : i32
    %dma_wait3A_15 = tpu.memref_slice %arg2[%dma_wait3A_13, %dma_wait3A_14] : memref<32768x256xf32, #tpu.memory_space<hbm>> -> memref<32768x256xf32, #tpu.memory_space<hbm>>
    tpu.wait_indirect_dma semaphore(%arg8 : memref<!tpu.dma_semaphore, #tpu.memory_space<semaphore_mem>>) src(%dma_wait3A_15 : memref<32768x256xf32, #tpu.memory_space<hbm>>) dst(%arg6 : memref<128x256xf32, #tpu.memory_space<vmem>>)
    %add3A_16 = arith.constant 0 : i32
    %add3A_17 = arith.addi %mul3A_2, %add3A_16 : i32
    "tpu.region"() ({
      %run_scoped3A = tpu.sem_alloc : memref<!tpu.dma_semaphore, #tpu.memory_space<semaphore_mem>>
      %dma_start3A_109 = arith.constant 0 : i32
      %dma_start3A_110 = tpu.memref_slice %arg4[%add3A_17, %dma_start3A_109] : memref<36864x256xf32, #tpu.memory_space<hbm>> -> memref<128x256xf32, #tpu.memory_space<hbm>>
      %dma_start3A_111 = arith.constant 0 : i32
      %dma_start3A_112 = tpu.memref_slice %arg4[%add3A_17, %dma_start3A_111] : memref<36864x256xf32, #tpu.memory_space<hbm>> -> memref<128x256xf32, #tpu.memory_space<hbm>>
      tpu.enqueue_dma source(%arg6 : memref<128x256xf32, #tpu.memory_space<vmem>>) target(%dma_start3A_112 : memref<128x256xf32, #tpu.memory_space<hbm>>) target_semaphore(%run_scoped3A : memref<!tpu.dma_semaphore, #tpu.memory_space<semaphore_mem>>)
      %dma_wait3A_113 = arith.constant 0 : i32
      %dma_wait3A_114 = tpu.memref_slice %arg4[%add3A_17, %dma_wait3A_113] : memref<36864x256xf32, #tpu.memory_space<hbm>> -> memref<128x256xf32, #tpu.memory_space<hbm>>
      %dma_wait3A_115 = arith.constant 0 : i32
      %dma_wait3A_116 = tpu.memref_slice %arg4[%add3A_17, %dma_wait3A_115] : memref<36864x256xf32, #tpu.memory_space<hbm>> -> memref<128x256xf32, #tpu.memory_space<hbm>>
      tpu.wait_dma2 semaphore(%run_scoped3A : memref<!tpu.dma_semaphore, #tpu.memory_space<semaphore_mem>>) src(%arg6 : memref<128x256xf32, #tpu.memory_space<vmem>>) dst(%dma_wait3A_116 : memref<128x256xf32, #tpu.memory_space<hbm>>)
      tpu.yield
    }) : () -> ()
    %dma_start3A_18 = arith.constant 256 : i32
    %dma_start3A_19 = tpu.memref_slice %arg5[%dma_start3A_18] : memref<1152xi32, #tpu.memory_space<vmem>> -> memref<128xi32, #tpu.memory_space<vmem>>
    %dma_start3A_20 = arith.constant 0 : i32
    %dma_start3A_21 = arith.constant 0 : i32
    %dma_start3A_22 = tpu.memref_slice %arg2[%dma_start3A_20, %dma_start3A_21] : memref<32768x256xf32, #tpu.memory_space<hbm>> -> memref<32768x256xf32, #tpu.memory_space<hbm>>
    tpu.enqueue_indirect_dma source(%dma_start3A_22 : memref<32768x256xf32, #tpu.memory_space<hbm>>) target(%arg6 : memref<128x256xf32, #tpu.memory_space<vmem>>) offsets(%dma_start3A_19 : memref<128xi32, #tpu.memory_space<vmem>>) semaphore(%arg8 : memref<!tpu.dma_semaphore, #tpu.memory_space<semaphore_mem>>)
    %dma_wait3A_23 = arith.constant 128 : i32
    %dma_wait3A_24 = tpu.memref_slice %arg5[%dma_wait3A_23] : memref<1152xi32, #tpu.memory_space<vmem>> -> memref<128xi32, #tpu.memory_space<vmem>>
    %dma_wait3A_25 = arith.constant 0 : i32
    %dma_wait3A_26 = arith.constant 0 : i32
    %dma_wait3A_27 = tpu.memref_slice %arg2[%dma_wait3A_25, %dma_wait3A_26] : memref<32768x256xf32, #tpu.memory_space<hbm>> -> memref<32768x256xf32, #tpu.memory_space<hbm>>
    tpu.wait_indirect_dma semaphore(%arg9 : memref<!tpu.dma_semaphore, #tpu.memory_space<semaphore_mem>>) src(%dma_wait3A_27 : memref<32768x256xf32, #tpu.memory_space<hbm>>) dst(%arg7 : memref<128x256xf32, #tpu.memory_space<vmem>>)
    %add3A_28 = arith.constant 128 : i32
    %add3A_29 = arith.addi %mul3A_2, %add3A_28 : i32
    "tpu.region"() ({
      %run_scoped3A = tpu.sem_alloc : memref<!tpu.dma_semaphore, #tpu.memory_space<semaphore_mem>>
      %dma_start3A_109 = arith.constant 0 : i32
      %dma_start3A_110 = tpu.memref_slice %arg4[%add3A_29, %dma_start3A_109] : memref<36864x256xf32, #tpu.memory_space<hbm>> -> memref<128x256xf32, #tpu.memory_space<hbm>>
      %dma_start3A_111 = arith.constant 0 : i32
      %dma_start3A_112 = tpu.memref_slice %arg4[%add3A_29, %dma_start3A_111] : memref<36864x256xf32, #tpu.memory_space<hbm>> -> memref<128x256xf32, #tpu.memory_space<hbm>>
      tpu.enqueue_dma source(%arg7 : memref<128x256xf32, #tpu.memory_space<vmem>>) target(%dma_start3A_112 : memref<128x256xf32, #tpu.memory_space<hbm>>) target_semaphore(%run_scoped3A : memref<!tpu.dma_semaphore, #tpu.memory_space<semaphore_mem>>)
      %dma_wait3A_113 = arith.constant 0 : i32
      %dma_wait3A_114 = tpu.memref_slice %arg4[%add3A_29, %dma_wait3A_113] : memref<36864x256xf32, #tpu.memory_space<hbm>> -> memref<128x256xf32, #tpu.memory_space<hbm>>
      %dma_wait3A_115 = arith.constant 0 : i32
      %dma_wait3A_116 = tpu.memref_slice %arg4[%add3A_29, %dma_wait3A_115] : memref<36864x256xf32, #tpu.memory_space<hbm>> -> memref<128x256xf32, #tpu.memory_space<hbm>>
      tpu.wait_dma2 semaphore(%run_scoped3A : memref<!tpu.dma_semaphore, #tpu.memory_space<semaphore_mem>>) src(%arg7 : memref<128x256xf32, #tpu.memory_space<vmem>>) dst(%dma_wait3A_116 : memref<128x256xf32, #tpu.memory_space<hbm>>)
      tpu.yield
    }) : () -> ()
    %dma_start3A_30 = arith.constant 384 : i32
    %dma_start3A_31 = tpu.memref_slice %arg5[%dma_start3A_30] : memref<1152xi32, #tpu.memory_space<vmem>> -> memref<128xi32, #tpu.memory_space<vmem>>
    %dma_start3A_32 = arith.constant 0 : i32
    %dma_start3A_33 = arith.constant 0 : i32
    %dma_start3A_34 = tpu.memref_slice %arg2[%dma_start3A_32, %dma_start3A_33] : memref<32768x256xf32, #tpu.memory_space<hbm>> -> memref<32768x256xf32, #tpu.memory_space<hbm>>
    tpu.enqueue_indirect_dma source(%dma_start3A_34 : memref<32768x256xf32, #tpu.memory_space<hbm>>) target(%arg7 : memref<128x256xf32, #tpu.memory_space<vmem>>) offsets(%dma_start3A_31 : memref<128xi32, #tpu.memory_space<vmem>>) semaphore(%arg9 : memref<!tpu.dma_semaphore, #tpu.memory_space<semaphore_mem>>)
    %dma_wait3A_35 = arith.constant 256 : i32
    %dma_wait3A_36 = tpu.memref_slice %arg5[%dma_wait3A_35] : memref<1152xi32, #tpu.memory_space<vmem>> -> memref<128xi32, #tpu.memory_space<vmem>>
    %dma_wait3A_37 = arith.constant 0 : i32
    %dma_wait3A_38 = arith.constant 0 : i32
    %dma_wait3A_39 = tpu.memref_slice %arg2[%dma_wait3A_37, %dma_wait3A_38] : memref<32768x256xf32, #tpu.memory_space<hbm>> -> memref<32768x256xf32, #tpu.memory_space<hbm>>
    tpu.wait_indirect_dma semaphore(%arg8 : memref<!tpu.dma_semaphore, #tpu.memory_space<semaphore_mem>>) src(%dma_wait3A_39 : memref<32768x256xf32, #tpu.memory_space<hbm>>) dst(%arg6 : memref<128x256xf32, #tpu.memory_space<vmem>>)
    %add3A_40 = arith.constant 256 : i32
    %add3A_41 = arith.addi %mul3A_2, %add3A_40 : i32
    "tpu.region"() ({
      %run_scoped3A = tpu.sem_alloc : memref<!tpu.dma_semaphore, #tpu.memory_space<semaphore_mem>>
      %dma_start3A_109 = arith.constant 0 : i32
      %dma_start3A_110 = tpu.memref_slice %arg4[%add3A_41, %dma_start3A_109] : memref<36864x256xf32, #tpu.memory_space<hbm>> -> memref<128x256xf32, #tpu.memory_space<hbm>>
      %dma_start3A_111 = arith.constant 0 : i32
      %dma_start3A_112 = tpu.memref_slice %arg4[%add3A_41, %dma_start3A_111] : memref<36864x256xf32, #tpu.memory_space<hbm>> -> memref<128x256xf32, #tpu.memory_space<hbm>>
      tpu.enqueue_dma source(%arg6 : memref<128x256xf32, #tpu.memory_space<vmem>>) target(%dma_start3A_112 : memref<128x256xf32, #tpu.memory_space<hbm>>) target_semaphore(%run_scoped3A : memref<!tpu.dma_semaphore, #tpu.memory_space<semaphore_mem>>)
      %dma_wait3A_113 = arith.constant 0 : i32
      %dma_wait3A_114 = tpu.memref_slice %arg4[%add3A_41, %dma_wait3A_113] : memref<36864x256xf32, #tpu.memory_space<hbm>> -> memref<128x256xf32, #tpu.memory_space<hbm>>
      %dma_wait3A_115 = arith.constant 0 : i32
      %dma_wait3A_116 = tpu.memref_slice %arg4[%add3A_41, %dma_wait3A_115] : memref<36864x256xf32, #tpu.memory_space<hbm>> -> memref<128x256xf32, #tpu.memory_space<hbm>>
      tpu.wait_dma2 semaphore(%run_scoped3A : memref<!tpu.dma_semaphore, #tpu.memory_space<semaphore_mem>>) src(%arg6 : memref<128x256xf32, #tpu.memory_space<vmem>>) dst(%dma_wait3A_116 : memref<128x256xf32, #tpu.memory_space<hbm>>)
      tpu.yield
    }) : () -> ()
    %dma_start3A_42 = arith.constant 512 : i32
    %dma_start3A_43 = tpu.memref_slice %arg5[%dma_start3A_42] : memref<1152xi32, #tpu.memory_space<vmem>> -> memref<128xi32, #tpu.memory_space<vmem>>
    %dma_start3A_44 = arith.constant 0 : i32
    %dma_start3A_45 = arith.constant 0 : i32
    %dma_start3A_46 = tpu.memref_slice %arg2[%dma_start3A_44, %dma_start3A_45] : memref<32768x256xf32, #tpu.memory_space<hbm>> -> memref<32768x256xf32, #tpu.memory_space<hbm>>
    tpu.enqueue_indirect_dma source(%dma_start3A_46 : memref<32768x256xf32, #tpu.memory_space<hbm>>) target(%arg6 : memref<128x256xf32, #tpu.memory_space<vmem>>) offsets(%dma_start3A_43 : memref<128xi32, #tpu.memory_space<vmem>>) semaphore(%arg8 : memref<!tpu.dma_semaphore, #tpu.memory_space<semaphore_mem>>)
    %dma_wait3A_47 = arith.constant 384 : i32
    %dma_wait3A_48 = tpu.memref_slice %arg5[%dma_wait3A_47] : memref<1152xi32, #tpu.memory_space<vmem>> -> memref<128xi32, #tpu.memory_space<vmem>>
    %dma_wait3A_49 = arith.constant 0 : i32
    %dma_wait3A_50 = arith.constant 0 : i32
    %dma_wait3A_51 = tpu.memref_slice %arg2[%dma_wait3A_49, %dma_wait3A_50] : memref<32768x256xf32, #tpu.memory_space<hbm>> -> memref<32768x256xf32, #tpu.memory_space<hbm>>
    tpu.wait_indirect_dma semaphore(%arg9 : memref<!tpu.dma_semaphore, #tpu.memory_space<semaphore_mem>>) src(%dma_wait3A_51 : memref<32768x256xf32, #tpu.memory_space<hbm>>) dst(%arg7 : memref<128x256xf32, #tpu.memory_space<vmem>>)
    %add3A_52 = arith.constant 384 : i32
    %add3A_53 = arith.addi %mul3A_2, %add3A_52 : i32
    "tpu.region"() ({
      %run_scoped3A = tpu.sem_alloc : memref<!tpu.dma_semaphore, #tpu.memory_space<semaphore_mem>>
      %dma_start3A_109 = arith.constant 0 : i32
      %dma_start3A_110 = tpu.memref_slice %arg4[%add3A_53, %dma_start3A_109] : memref<36864x256xf32, #tpu.memory_space<hbm>> -> memref<128x256xf32, #tpu.memory_space<hbm>>
      %dma_start3A_111 = arith.constant 0 : i32
      %dma_start3A_112 = tpu.memref_slice %arg4[%add3A_53, %dma_start3A_111] : memref<36864x256xf32, #tpu.memory_space<hbm>> -> memref<128x256xf32, #tpu.memory_space<hbm>>
      tpu.enqueue_dma source(%arg7 : memref<128x256xf32, #tpu.memory_space<vmem>>) target(%dma_start3A_112 : memref<128x256xf32, #tpu.memory_space<hbm>>) target_semaphore(%run_scoped3A : memref<!tpu.dma_semaphore, #tpu.memory_space<semaphore_mem>>)
      %dma_wait3A_113 = arith.constant 0 : i32
      %dma_wait3A_114 = tpu.memref_slice %arg4[%add3A_53, %dma_wait3A_113] : memref<36864x256xf32, #tpu.memory_space<hbm>> -> memref<128x256xf32, #tpu.memory_space<hbm>>
      %dma_wait3A_115 = arith.constant 0 : i32
      %dma_wait3A_116 = tpu.memref_slice %arg4[%add3A_53, %dma_wait3A_115] : memref<36864x256xf32, #tpu.memory_space<hbm>> -> memref<128x256xf32, #tpu.memory_space<hbm>>
      tpu.wait_dma2 semaphore(%run_scoped3A : memref<!tpu.dma_semaphore, #tpu.memory_space<semaphore_mem>>) src(%arg7 : memref<128x256xf32, #tpu.memory_space<vmem>>) dst(%dma_wait3A_116 : memref<128x256xf32, #tpu.memory_space<hbm>>)
      tpu.yield
    }) : () -> ()
    %dma_start3A_54 = arith.constant 640 : i32
    %dma_start3A_55 = tpu.memref_slice %arg5[%dma_start3A_54] : memref<1152xi32, #tpu.memory_space<vmem>> -> memref<128xi32, #tpu.memory_space<vmem>>
    %dma_start3A_56 = arith.constant 0 : i32
    %dma_start3A_57 = arith.constant 0 : i32
    %dma_start3A_58 = tpu.memref_slice %arg2[%dma_start3A_56, %dma_start3A_57] : memref<32768x256xf32, #tpu.memory_space<hbm>> -> memref<32768x256xf32, #tpu.memory_space<hbm>>
    tpu.enqueue_indirect_dma source(%dma_start3A_58 : memref<32768x256xf32, #tpu.memory_space<hbm>>) target(%arg7 : memref<128x256xf32, #tpu.memory_space<vmem>>) offsets(%dma_start3A_55 : memref<128xi32, #tpu.memory_space<vmem>>) semaphore(%arg9 : memref<!tpu.dma_semaphore, #tpu.memory_space<semaphore_mem>>)
    %dma_wait3A_59 = arith.constant 512 : i32
    %dma_wait3A_60 = tpu.memref_slice %arg5[%dma_wait3A_59] : memref<1152xi32, #tpu.memory_space<vmem>> -> memref<128xi32, #tpu.memory_space<vmem>>
    %dma_wait3A_61 = arith.constant 0 : i32
    %dma_wait3A_62 = arith.constant 0 : i32
    %dma_wait3A_63 = tpu.memref_slice %arg2[%dma_wait3A_61, %dma_wait3A_62] : memref<32768x256xf32, #tpu.memory_space<hbm>> -> memref<32768x256xf32, #tpu.memory_space<hbm>>
    tpu.wait_indirect_dma semaphore(%arg8 : memref<!tpu.dma_semaphore, #tpu.memory_space<semaphore_mem>>) src(%dma_wait3A_63 : memref<32768x256xf32, #tpu.memory_space<hbm>>) dst(%arg6 : memref<128x256xf32, #tpu.memory_space<vmem>>)
    %add3A_64 = arith.constant 512 : i32
    %add3A_65 = arith.addi %mul3A_2, %add3A_64 : i32
    "tpu.region"() ({
      %run_scoped3A = tpu.sem_alloc : memref<!tpu.dma_semaphore, #tpu.memory_space<semaphore_mem>>
      %dma_start3A_109 = arith.constant 0 : i32
      %dma_start3A_110 = tpu.memref_slice %arg4[%add3A_65, %dma_start3A_109] : memref<36864x256xf32, #tpu.memory_space<hbm>> -> memref<128x256xf32, #tpu.memory_space<hbm>>
      %dma_start3A_111 = arith.constant 0 : i32
      %dma_start3A_112 = tpu.memref_slice %arg4[%add3A_65, %dma_start3A_111] : memref<36864x256xf32, #tpu.memory_space<hbm>> -> memref<128x256xf32, #tpu.memory_space<hbm>>
      tpu.enqueue_dma source(%arg6 : memref<128x256xf32, #tpu.memory_space<vmem>>) target(%dma_start3A_112 : memref<128x256xf32, #tpu.memory_space<hbm>>) target_semaphore(%run_scoped3A : memref<!tpu.dma_semaphore, #tpu.memory_space<semaphore_mem>>)
      %dma_wait3A_113 = arith.constant 0 : i32
      %dma_wait3A_114 = tpu.memref_slice %arg4[%add3A_65, %dma_wait3A_113] : memref<36864x256xf32, #tpu.memory_space<hbm>> -> memref<128x256xf32, #tpu.memory_space<hbm>>
      %dma_wait3A_115 = arith.constant 0 : i32
      %dma_wait3A_116 = tpu.memref_slice %arg4[%add3A_65, %dma_wait3A_115] : memref<36864x256xf32, #tpu.memory_space<hbm>> -> memref<128x256xf32, #tpu.memory_space<hbm>>
      tpu.wait_dma2 semaphore(%run_scoped3A : memref<!tpu.dma_semaphore, #tpu.memory_space<semaphore_mem>>) src(%arg6 : memref<128x256xf32, #tpu.memory_space<vmem>>) dst(%dma_wait3A_116 : memref<128x256xf32, #tpu.memory_space<hbm>>)
      tpu.yield
    }) : () -> ()
    %dma_start3A_66 = arith.constant 768 : i32
    %dma_start3A_67 = tpu.memref_slice %arg5[%dma_start3A_66] : memref<1152xi32, #tpu.memory_space<vmem>> -> memref<128xi32, #tpu.memory_space<vmem>>
    %dma_start3A_68 = arith.constant 0 : i32
    %dma_start3A_69 = arith.constant 0 : i32
    %dma_start3A_70 = tpu.memref_slice %arg2[%dma_start3A_68, %dma_start3A_69] : memref<32768x256xf32, #tpu.memory_space<hbm>> -> memref<32768x256xf32, #tpu.memory_space<hbm>>
    tpu.enqueue_indirect_dma source(%dma_start3A_70 : memref<32768x256xf32, #tpu.memory_space<hbm>>) target(%arg6 : memref<128x256xf32, #tpu.memory_space<vmem>>) offsets(%dma_start3A_67 : memref<128xi32, #tpu.memory_space<vmem>>) semaphore(%arg8 : memref<!tpu.dma_semaphore, #tpu.memory_space<semaphore_mem>>)
    %dma_wait3A_71 = arith.constant 640 : i32
    %dma_wait3A_72 = tpu.memref_slice %arg5[%dma_wait3A_71] : memref<1152xi32, #tpu.memory_space<vmem>> -> memref<128xi32, #tpu.memory_space<vmem>>
    %dma_wait3A_73 = arith.constant 0 : i32
    %dma_wait3A_74 = arith.constant 0 : i32
    %dma_wait3A_75 = tpu.memref_slice %arg2[%dma_wait3A_73, %dma_wait3A_74] : memref<32768x256xf32, #tpu.memory_space<hbm>> -> memref<32768x256xf32, #tpu.memory_space<hbm>>
    tpu.wait_indirect_dma semaphore(%arg9 : memref<!tpu.dma_semaphore, #tpu.memory_space<semaphore_mem>>) src(%dma_wait3A_75 : memref<32768x256xf32, #tpu.memory_space<hbm>>) dst(%arg7 : memref<128x256xf32, #tpu.memory_space<vmem>>)
    %add3A_76 = arith.constant 640 : i32
    %add3A_77 = arith.addi %mul3A_2, %add3A_76 : i32
    "tpu.region"() ({
      %run_scoped3A = tpu.sem_alloc : memref<!tpu.dma_semaphore, #tpu.memory_space<semaphore_mem>>
      %dma_start3A_109 = arith.constant 0 : i32
      %dma_start3A_110 = tpu.memref_slice %arg4[%add3A_77, %dma_start3A_109] : memref<36864x256xf32, #tpu.memory_space<hbm>> -> memref<128x256xf32, #tpu.memory_space<hbm>>
      %dma_start3A_111 = arith.constant 0 : i32
      %dma_start3A_112 = tpu.memref_slice %arg4[%add3A_77, %dma_start3A_111] : memref<36864x256xf32, #tpu.memory_space<hbm>> -> memref<128x256xf32, #tpu.memory_space<hbm>>
      tpu.enqueue_dma source(%arg7 : memref<128x256xf32, #tpu.memory_space<vmem>>) target(%dma_start3A_112 : memref<128x256xf32, #tpu.memory_space<hbm>>) target_semaphore(%run_scoped3A : memref<!tpu.dma_semaphore, #tpu.memory_space<semaphore_mem>>)
      %dma_wait3A_113 = arith.constant 0 : i32
      %dma_wait3A_114 = tpu.memref_slice %arg4[%add3A_77, %dma_wait3A_113] : memref<36864x256xf32, #tpu.memory_space<hbm>> -> memref<128x256xf32, #tpu.memory_space<hbm>>
      %dma_wait3A_115 = arith.constant 0 : i32
      %dma_wait3A_116 = tpu.memref_slice %arg4[%add3A_77, %dma_wait3A_115] : memref<36864x256xf32, #tpu.memory_space<hbm>> -> memref<128x256xf32, #tpu.memory_space<hbm>>
      tpu.wait_dma2 semaphore(%run_scoped3A : memref<!tpu.dma_semaphore, #tpu.memory_space<semaphore_mem>>) src(%arg7 : memref<128x256xf32, #tpu.memory_space<vmem>>) dst(%dma_wait3A_116 : memref<128x256xf32, #tpu.memory_space<hbm>>)
      tpu.yield
    }) : () -> ()
    %dma_start3A_78 = arith.constant 896 : i32
    %dma_start3A_79 = tpu.memref_slice %arg5[%dma_start3A_78] : memref<1152xi32, #tpu.memory_space<vmem>> -> memref<128xi32, #tpu.memory_space<vmem>>
    %dma_start3A_80 = arith.constant 0 : i32
    %dma_start3A_81 = arith.constant 0 : i32
    %dma_start3A_82 = tpu.memref_slice %arg2[%dma_start3A_80, %dma_start3A_81] : memref<32768x256xf32, #tpu.memory_space<hbm>> -> memref<32768x256xf32, #tpu.memory_space<hbm>>
    tpu.enqueue_indirect_dma source(%dma_start3A_82 : memref<32768x256xf32, #tpu.memory_space<hbm>>) target(%arg7 : memref<128x256xf32, #tpu.memory_space<vmem>>) offsets(%dma_start3A_79 : memref<128xi32, #tpu.memory_space<vmem>>) semaphore(%arg9 : memref<!tpu.dma_semaphore, #tpu.memory_space<semaphore_mem>>)
    %dma_wait3A_83 = arith.constant 768 : i32
    %dma_wait3A_84 = tpu.memref_slice %arg5[%dma_wait3A_83] : memref<1152xi32, #tpu.memory_space<vmem>> -> memref<128xi32, #tpu.memory_space<vmem>>
    %dma_wait3A_85 = arith.constant 0 : i32
    %dma_wait3A_86 = arith.constant 0 : i32
    %dma_wait3A_87 = tpu.memref_slice %arg2[%dma_wait3A_85, %dma_wait3A_86] : memref<32768x256xf32, #tpu.memory_space<hbm>> -> memref<32768x256xf32, #tpu.memory_space<hbm>>
    tpu.wait_indirect_dma semaphore(%arg8 : memref<!tpu.dma_semaphore, #tpu.memory_space<semaphore_mem>>) src(%dma_wait3A_87 : memref<32768x256xf32, #tpu.memory_space<hbm>>) dst(%arg6 : memref<128x256xf32, #tpu.memory_space<vmem>>)
    %add3A_88 = arith.constant 768 : i32
    %add3A_89 = arith.addi %mul3A_2, %add3A_88 : i32
    "tpu.region"() ({
      %run_scoped3A = tpu.sem_alloc : memref<!tpu.dma_semaphore, #tpu.memory_space<semaphore_mem>>
      %dma_start3A_109 = arith.constant 0 : i32
      %dma_start3A_110 = tpu.memref_slice %arg4[%add3A_89, %dma_start3A_109] : memref<36864x256xf32, #tpu.memory_space<hbm>> -> memref<128x256xf32, #tpu.memory_space<hbm>>
      %dma_start3A_111 = arith.constant 0 : i32
      %dma_start3A_112 = tpu.memref_slice %arg4[%add3A_89, %dma_start3A_111] : memref<36864x256xf32, #tpu.memory_space<hbm>> -> memref<128x256xf32, #tpu.memory_space<hbm>>
      tpu.enqueue_dma source(%arg6 : memref<128x256xf32, #tpu.memory_space<vmem>>) target(%dma_start3A_112 : memref<128x256xf32, #tpu.memory_space<hbm>>) target_semaphore(%run_scoped3A : memref<!tpu.dma_semaphore, #tpu.memory_space<semaphore_mem>>)
      %dma_wait3A_113 = arith.constant 0 : i32
      %dma_wait3A_114 = tpu.memref_slice %arg4[%add3A_89, %dma_wait3A_113] : memref<36864x256xf32, #tpu.memory_space<hbm>> -> memref<128x256xf32, #tpu.memory_space<hbm>>
      %dma_wait3A_115 = arith.constant 0 : i32
      %dma_wait3A_116 = tpu.memref_slice %arg4[%add3A_89, %dma_wait3A_115] : memref<36864x256xf32, #tpu.memory_space<hbm>> -> memref<128x256xf32, #tpu.memory_space<hbm>>
      tpu.wait_dma2 semaphore(%run_scoped3A : memref<!tpu.dma_semaphore, #tpu.memory_space<semaphore_mem>>) src(%arg6 : memref<128x256xf32, #tpu.memory_space<vmem>>) dst(%dma_wait3A_116 : memref<128x256xf32, #tpu.memory_space<hbm>>)
      tpu.yield
    }) : () -> ()
    %dma_start3A_90 = arith.constant 1024 : i32
    %dma_start3A_91 = tpu.memref_slice %arg5[%dma_start3A_90] : memref<1152xi32, #tpu.memory_space<vmem>> -> memref<128xi32, #tpu.memory_space<vmem>>
    %dma_start3A_92 = arith.constant 0 : i32
    %dma_start3A_93 = arith.constant 0 : i32
    %dma_start3A_94 = tpu.memref_slice %arg2[%dma_start3A_92, %dma_start3A_93] : memref<32768x256xf32, #tpu.memory_space<hbm>> -> memref<32768x256xf32, #tpu.memory_space<hbm>>
    tpu.enqueue_indirect_dma source(%dma_start3A_94 : memref<32768x256xf32, #tpu.memory_space<hbm>>) target(%arg6 : memref<128x256xf32, #tpu.memory_space<vmem>>) offsets(%dma_start3A_91 : memref<128xi32, #tpu.memory_space<vmem>>) semaphore(%arg8 : memref<!tpu.dma_semaphore, #tpu.memory_space<semaphore_mem>>)
    %dma_wait3A_95 = arith.constant 896 : i32
    %dma_wait3A_96 = tpu.memref_slice %arg5[%dma_wait3A_95] : memref<1152xi32, #tpu.memory_space<vmem>> -> memref<128xi32, #tpu.memory_space<vmem>>
    %dma_wait3A_97 = arith.constant 0 : i32
    %dma_wait3A_98 = arith.constant 0 : i32
    %dma_wait3A_99 = tpu.memref_slice %arg2[%dma_wait3A_97, %dma_wait3A_98] : memref<32768x256xf32, #tpu.memory_space<hbm>> -> memref<32768x256xf32, #tpu.memory_space<hbm>>
    tpu.wait_indirect_dma semaphore(%arg9 : memref<!tpu.dma_semaphore, #tpu.memory_space<semaphore_mem>>) src(%dma_wait3A_99 : memref<32768x256xf32, #tpu.memory_space<hbm>>) dst(%arg7 : memref<128x256xf32, #tpu.memory_space<vmem>>)
    %add3A_100 = arith.constant 896 : i32
    %add3A_101 = arith.addi %mul3A_2, %add3A_100 : i32
    "tpu.region"() ({
      %run_scoped3A = tpu.sem_alloc : memref<!tpu.dma_semaphore, #tpu.memory_space<semaphore_mem>>
      %dma_start3A_109 = arith.constant 0 : i32
      %dma_start3A_110 = tpu.memref_slice %arg4[%add3A_101, %dma_start3A_109] : memref<36864x256xf32, #tpu.memory_space<hbm>> -> memref<128x256xf32, #tpu.memory_space<hbm>>
      %dma_start3A_111 = arith.constant 0 : i32
      %dma_start3A_112 = tpu.memref_slice %arg4[%add3A_101, %dma_start3A_111] : memref<36864x256xf32, #tpu.memory_space<hbm>> -> memref<128x256xf32, #tpu.memory_space<hbm>>
      tpu.enqueue_dma source(%arg7 : memref<128x256xf32, #tpu.memory_space<vmem>>) target(%dma_start3A_112 : memref<128x256xf32, #tpu.memory_space<hbm>>) target_semaphore(%run_scoped3A : memref<!tpu.dma_semaphore, #tpu.memory_space<semaphore_mem>>)
      %dma_wait3A_113 = arith.constant 0 : i32
      %dma_wait3A_114 = tpu.memref_slice %arg4[%add3A_101, %dma_wait3A_113] : memref<36864x256xf32, #tpu.memory_space<hbm>> -> memref<128x256xf32, #tpu.memory_space<hbm>>
      %dma_wait3A_115 = arith.constant 0 : i32
      %dma_wait3A_116 = tpu.memref_slice %arg4[%add3A_101, %dma_wait3A_115] : memref<36864x256xf32, #tpu.memory_space<hbm>> -> memref<128x256xf32, #tpu.memory_space<hbm>>
      tpu.wait_dma2 semaphore(%run_scoped3A : memref<!tpu.dma_semaphore, #tpu.memory_space<semaphore_mem>>) src(%arg7 : memref<128x256xf32, #tpu.memory_space<vmem>>) dst(%dma_wait3A_116 : memref<128x256xf32, #tpu.memory_space<hbm>>)
      tpu.yield
    }) : () -> ()
    %dma_wait3A_102 = arith.constant 1024 : i32
    %dma_wait3A_103 = tpu.memref_slice %arg5[%dma_wait3A_102] : memref<1152xi32, #tpu.memory_space<vmem>> -> memref<128xi32, #tpu.memory_space<vmem>>
    %dma_wait3A_104 = arith.constant 0 : i32
    %dma_wait3A_105 = arith.constant 0 : i32
    %dma_wait3A_106 = tpu.memref_slice %arg2[%dma_wait3A_104, %dma_wait3A_105] : memref<32768x256xf32, #tpu.memory_space<hbm>> -> memref<32768x256xf32, #tpu.memory_space<hbm>>
    tpu.wait_indirect_dma semaphore(%arg8 : memref<!tpu.dma_semaphore, #tpu.memory_space<semaphore_mem>>) src(%dma_wait3A_106 : memref<32768x256xf32, #tpu.memory_space<hbm>>) dst(%arg6 : memref<128x256xf32, #tpu.memory_space<vmem>>)
    %add3A_107 = arith.constant 1024 : i32
    %add3A_108 = arith.addi %mul3A_2, %add3A_107 : i32
    "tpu.region"() ({
      %run_scoped3A = tpu.sem_alloc : memref<!tpu.dma_semaphore, #tpu.memory_space<semaphore_mem>>
      %dma_start3A_109 = arith.constant 0 : i32
      %dma_start3A_110 = tpu.memref_slice %arg4[%add3A_108, %dma_start3A_109] : memref<36864x256xf32, #tpu.memory_space<hbm>> -> memref<128x256xf32, #tpu.memory_space<hbm>>
      %dma_start3A_111 = arith.constant 0 : i32
      %dma_start3A_112 = tpu.memref_slice %arg4[%add3A_108, %dma_start3A_111] : memref<36864x256xf32, #tpu.memory_space<hbm>> -> memref<128x256xf32, #tpu.memory_space<hbm>>
      tpu.enqueue_dma source(%arg6 : memref<128x256xf32, #tpu.memory_space<vmem>>) target(%dma_start3A_112 : memref<128x256xf32, #tpu.memory_space<hbm>>) target_semaphore(%run_scoped3A : memref<!tpu.dma_semaphore, #tpu.memory_space<semaphore_mem>>)
      %dma_wait3A_113 = arith.constant 0 : i32
      %dma_wait3A_114 = tpu.memref_slice %arg4[%add3A_108, %dma_wait3A_113] : memref<36864x256xf32, #tpu.memory_space<hbm>> -> memref<128x256xf32, #tpu.memory_space<hbm>>
      %dma_wait3A_115 = arith.constant 0 : i32
      %dma_wait3A_116 = tpu.memref_slice %arg4[%add3A_108, %dma_wait3A_115] : memref<36864x256xf32, #tpu.memory_space<hbm>> -> memref<128x256xf32, #tpu.memory_space<hbm>>
      tpu.wait_dma2 semaphore(%run_scoped3A : memref<!tpu.dma_semaphore, #tpu.memory_space<semaphore_mem>>) src(%arg6 : memref<128x256xf32, #tpu.memory_space<vmem>>) dst(%dma_wait3A_116 : memref<128x256xf32, #tpu.memory_space<hbm>>)
      tpu.yield
    }) : () -> ()
    return
  }
}

module attributes {stable_mosaic.version = 14 : i64} {
  func.func @_fps_body(%arg0: memref<64x128xf32, #tpu.memory_space<vmem>>, %arg1: memref<64x128xf32, #tpu.memory_space<vmem>>, %arg2: memref<2x512xf32, #tpu.memory_space<vmem>>, %arg3: memref<2x512xf32, #tpu.memory_space<vmem>>) attributes {dimension_semantics = [], scalar_prefetch = 0 : i64, scratch_operands = 0 : i64, tpu.core_type = #tpu.core_type<tc>} {
    %get3A = arith.constant 0 : index
    %get3A_0 = arith.constant 0 : index
    %get3A_1 = vector.load %arg0[%get3A, %get3A_0] : memref<64x128xf32, #tpu.memory_space<vmem>>, vector<64x128xf32>
    %reshape3A = vector.shape_cast %get3A_1 : vector<64x128xf32> to vector<2x32x128xf32>
    %get3A_2 = arith.constant 0 : index
    %get3A_3 = arith.constant 0 : index
    %get3A_4 = vector.load %arg1[%get3A_2, %get3A_3] : memref<64x128xf32, #tpu.memory_space<vmem>>, vector<64x128xf32>
    %reshape3A_5 = vector.shape_cast %get3A_4 : vector<64x128xf32> to vector<2x32x128xf32>
    %iota3A = tpu.iota {dimensions = array<i32: 1>} : vector<2x32x128xi32>
    %iota3A_6 = tpu.iota {dimensions = array<i32: 2>} : vector<2x32x128xi32>
    %mul3A = arith.constant 128 : i32
    %mul3A_7 = vector.broadcast %mul3A : i32 to vector<2x32x128xi32>
    %mul3A_8 = arith.muli %iota3A, %mul3A_7 : vector<2x32x128xi32>
    %add3A = arith.addi %mul3A_8, %iota3A_6 : vector<2x32x128xi32>
    %iota3A_9 = tpu.iota {dimensions = array<i32: 1>} : vector<2x512xi32>
    %slice3A = vector.extract_strided_slice %reshape3A {offsets = [0, 0, 0], sizes = [2, 1, 1], strides = [1, 1, 1]} : vector<2x32x128xf32> to vector<2x1x1xf32>
    %slice3A_10 = vector.extract_strided_slice %reshape3A_5 {offsets = [0, 0, 0], sizes = [2, 1, 1], strides = [1, 1, 1]} : vector<2x32x128xf32> to vector<2x1x1xf32>
    %sub3A = vector.broadcast %slice3A : vector<2x1x1xf32> to vector<2x32x128xf32>
    %sub3A_11 = arith.subf %reshape3A, %sub3A : vector<2x32x128xf32>
    %sub3A_12 = vector.broadcast %slice3A_10 : vector<2x1x1xf32> to vector<2x32x128xf32>
    %sub3A_13 = arith.subf %reshape3A_5, %sub3A_12 : vector<2x32x128xf32>
    %mul3A_14 = arith.mulf %sub3A_11, %sub3A_11 : vector<2x32x128xf32>
    %mul3A_15 = arith.mulf %sub3A_13, %sub3A_13 : vector<2x32x128xf32>
    %add3A_16 = arith.addf %mul3A_14, %mul3A_15 : vector<2x32x128xf32>
    %eq3A = arith.constant 0 : i32
    %eq3A_17 = vector.broadcast %eq3A : i32 to vector<2x512xi32>
    %eq3A_18 = arith.cmpi eq, %iota3A_9, %eq3A_17 : vector<2x512xi32>
    %squeeze3A = vector.shape_cast %slice3A : vector<2x1x1xf32> to vector<2x1xf32>
    %jit3A = arith.constant 0.000000e+00 : f32
    %broadcast_in_dim3A = vector.shape_cast %squeeze3A : vector<2x1xf32> to vector<2x1xf32>
    %broadcast_in_dim3A_19 = vector.broadcast %broadcast_in_dim3A : vector<2x1xf32> to vector<2x512xf32>
    %broadcast_in_dim3A_20 = vector.broadcast %jit3A : f32 to vector<2x512xf32>
    %select_n3A = arith.select %eq3A_18, %broadcast_in_dim3A_19, %broadcast_in_dim3A_20 : vector<2x512xi1>, vector<2x512xf32>
    %swap3A = arith.constant 0 : index
    %swap3A_21 = arith.constant 0 : index
    %swap3A_22 = vector.load %arg2[%swap3A, %swap3A_21] : memref<2x512xf32, #tpu.memory_space<vmem>>, vector<2x512xf32>
    tpu.vector_store %arg2[%swap3A, %swap3A_21], %select_n3A {strides = array<i32>} : memref<2x512xf32, #tpu.memory_space<vmem>>, vector<2x512xf32>,
    %eq3A_23 = arith.constant 0 : i32
    %eq3A_24 = vector.broadcast %eq3A_23 : i32 to vector<2x512xi32>
    %eq3A_25 = arith.cmpi eq, %iota3A_9, %eq3A_24 : vector<2x512xi32>
    %squeeze3A_26 = vector.shape_cast %slice3A_10 : vector<2x1x1xf32> to vector<2x1xf32>
    %jit3A_27 = arith.constant 0.000000e+00 : f32
    %broadcast_in_dim3A_28 = vector.shape_cast %squeeze3A_26 : vector<2x1xf32> to vector<2x1xf32>
    %broadcast_in_dim3A_29 = vector.broadcast %broadcast_in_dim3A_28 : vector<2x1xf32> to vector<2x512xf32>
    %broadcast_in_dim3A_30 = vector.broadcast %jit3A_27 : f32 to vector<2x512xf32>
    %select_n3A_31 = arith.select %eq3A_25, %broadcast_in_dim3A_29, %broadcast_in_dim3A_30 : vector<2x512xi1>, vector<2x512xf32>
    %swap3A_32 = arith.constant 0 : index
    %swap3A_33 = arith.constant 0 : index
    %swap3A_34 = vector.load %arg3[%swap3A_32, %swap3A_33] : memref<2x512xf32, #tpu.memory_space<vmem>>, vector<2x512xf32>
    tpu.vector_store %arg3[%swap3A_32, %swap3A_33], %select_n3A_31 {strides = array<i32>} : memref<2x512xf32, #tpu.memory_space<vmem>>, vector<2x512xf32>,
    %scan3A = arith.constant 1 : i32
    %scan3A_35 = arith.constant 511 : i32
    %scan3A_36 = arith.addi %scan3A, %scan3A_35 : i32
    %scan3A_37 = arith.constant 1 : i32
    %scan3A_38 = scf.for %scan3A_40 = %scan3A to %scan3A_36 step %scan3A_37 iter_args(%scan3A_41 = %add3A_16) -> (vector<2x32x128xf32>)  : i32 {
      %reduce_max3A = arith.constant dense<0xFF800000> : vector<2x128xf32>
      %reduce_max3A_42 = vector.multi_reduction <maximumf>, %scan3A_41, %reduce_max3A [1] : vector<2x32x128xf32> to vector<2x128xf32>
      %reduce_max3A_43 = arith.constant dense<0xFF800000> : vector<2xf32>
      %reduce_max3A_44 = vector.multi_reduction <maximumf>, %reduce_max3A_42, %reduce_max3A_43 [1] : vector<2x128xf32> to vector<2xf32>
      %broadcast_in_dim3A_45 = vector.shape_cast %reduce_max3A_44 : vector<2xf32> to vector<2x1x1xf32>
      %eq3A_46 = vector.broadcast %broadcast_in_dim3A_45 : vector<2x1x1xf32> to vector<2x32x128xf32>
      %eq3A_47 = arith.cmpf oeq, %scan3A_41, %eq3A_46 : vector<2x32x128xf32>
      %jit3A_48 = arith.constant 4096 : i32
      %broadcast_in_dim3A_49 = vector.broadcast %jit3A_48 : i32 to vector<2x32x128xi32>
      %select_n3A_50 = arith.select %eq3A_47, %add3A, %broadcast_in_dim3A_49 : vector<2x32x128xi1>, vector<2x32x128xi32>
      %reduce_min3A = arith.constant dense<2147483647> : vector<2x128xi32>
      %reduce_min3A_51 = vector.multi_reduction <minsi>, %select_n3A_50, %reduce_min3A [1] : vector<2x32x128xi32> to vector<2x128xi32>
      %reduce_min3A_52 = arith.constant dense<2147483647> : vector<2xi32>
      %reduce_min3A_53 = vector.multi_reduction <minsi>, %reduce_min3A_51, %reduce_min3A_52 [1] : vector<2x128xi32> to vector<2xi32>
      %broadcast_in_dim3A_54 = vector.shape_cast %reduce_min3A_53 : vector<2xi32> to vector<2x1x1xi32>
      %eq3A_55 = vector.broadcast %broadcast_in_dim3A_54 : vector<2x1x1xi32> to vector<2x32x128xi32>
      %eq3A_56 = arith.cmpi eq, %add3A, %eq3A_55 : vector<2x32x128xi32>
      %jit3A_57 = arith.constant 0.000000e+00 : f32
      %broadcast_in_dim3A_58 = vector.broadcast %jit3A_57 : f32 to vector<2x32x128xf32>
      %select_n3A_59 = arith.select %eq3A_56, %reshape3A, %broadcast_in_dim3A_58 : vector<2x32x128xi1>, vector<2x32x128xf32>
      %reduce_sum3A = arith.constant dense<0.000000e+00> : vector<2x128xf32>
      %reduce_sum3A_60 = vector.multi_reduction <add>, %select_n3A_59, %reduce_sum3A [1] : vector<2x32x128xf32> to vector<2x128xf32>
      %reduce_sum3A_61 = arith.constant dense<0.000000e+00> : vector<2xf32>
      %reduce_sum3A_62 = vector.multi_reduction <add>, %reduce_sum3A_60, %reduce_sum3A_61 [1] : vector<2x128xf32> to vector<2xf32>
      %jit3A_63 = arith.constant 0.000000e+00 : f32
      %broadcast_in_dim3A_64 = vector.broadcast %jit3A_63 : f32 to vector<2x32x128xf32>
      %select_n3A_65 = arith.select %eq3A_56, %reshape3A_5, %broadcast_in_dim3A_64 : vector<2x32x128xi1>, vector<2x32x128xf32>
      %reduce_sum3A_66 = arith.constant dense<0.000000e+00> : vector<2x128xf32>
      %reduce_sum3A_67 = vector.multi_reduction <add>, %select_n3A_65, %reduce_sum3A_66 [1] : vector<2x32x128xf32> to vector<2x128xf32>
      %reduce_sum3A_68 = arith.constant dense<0.000000e+00> : vector<2xf32>
      %reduce_sum3A_69 = vector.multi_reduction <add>, %reduce_sum3A_67, %reduce_sum3A_68 [1] : vector<2x128xf32> to vector<2xf32>
      %broadcast_in_dim3A_70 = vector.shape_cast %reduce_sum3A_62 : vector<2xf32> to vector<2x1x1xf32>
      %broadcast_in_dim3A_71 = vector.shape_cast %reduce_sum3A_69 : vector<2xf32> to vector<2x1x1xf32>
      %sub3A_72 = vector.broadcast %broadcast_in_dim3A_70 : vector<2x1x1xf32> to vector<2x32x128xf32>
      %sub3A_73 = arith.subf %reshape3A, %sub3A_72 : vector<2x32x128xf32>
      %sub3A_74 = vector.broadcast %broadcast_in_dim3A_71 : vector<2x1x1xf32> to vector<2x32x128xf32>
      %sub3A_75 = arith.subf %reshape3A_5, %sub3A_74 : vector<2x32x128xf32>
      %mul3A_76 = arith.mulf %sub3A_73, %sub3A_73 : vector<2x32x128xf32>
      %mul3A_77 = arith.mulf %sub3A_75, %sub3A_75 : vector<2x32x128xf32>
      %add3A_78 = arith.addf %mul3A_76, %mul3A_77 : vector<2x32x128xf32>
      %eq3A_79 = vector.broadcast %scan3A_40 : i32 to vector<2x512xi32>
      %eq3A_80 = arith.cmpi eq, %iota3A_9, %eq3A_79 : vector<2x512xi32>
      %broadcast_in_dim3A_81 = vector.shape_cast %reduce_sum3A_62 : vector<2xf32> to vector<2x1xf32>
      %get3A_82 = arith.constant 0 : index
      %get3A_83 = arith.constant 0 : index
      %get3A_84 = vector.load %arg2[%get3A_82, %get3A_83] : memref<2x512xf32, #tpu.memory_space<vmem>>, vector<2x512xf32>
      %broadcast_in_dim3A_85 = vector.shape_cast %broadcast_in_dim3A_81 : vector<2x1xf32> to vector<2x1xf32>
      %broadcast_in_dim3A_86 = vector.broadcast %broadcast_in_dim3A_85 : vector<2x1xf32> to vector<2x512xf32>
      %select_n3A_87 = arith.select %eq3A_80, %broadcast_in_dim3A_86, %get3A_84 : vector<2x512xi1>, vector<2x512xf32>
      %swap3A_88 = arith.constant 0 : index
      %swap3A_89 = arith.constant 0 : index
      %swap3A_90 = vector.load %arg2[%swap3A_88, %swap3A_89] : memref<2x512xf32, #tpu.memory_space<vmem>>, vector<2x512xf32>
      tpu.vector_store %arg2[%swap3A_88, %swap3A_89], %select_n3A_87 {strides = array<i32>} : memref<2x512xf32, #tpu.memory_space<vmem>>, vector<2x512xf32>,
      %eq3A_91 = vector.broadcast %scan3A_40 : i32 to vector<2x512xi32>
      %eq3A_92 = arith.cmpi eq, %iota3A_9, %eq3A_91 : vector<2x512xi32>
      %broadcast_in_dim3A_93 = vector.shape_cast %reduce_sum3A_69 : vector<2xf32> to vector<2x1xf32>
      %get3A_94 = arith.constant 0 : index
      %get3A_95 = arith.constant 0 : index
      %get3A_96 = vector.load %arg3[%get3A_94, %get3A_95] : memref<2x512xf32, #tpu.memory_space<vmem>>, vector<2x512xf32>
      %broadcast_in_dim3A_97 = vector.shape_cast %broadcast_in_dim3A_93 : vector<2x1xf32> to vector<2x1xf32>
      %broadcast_in_dim3A_98 = vector.broadcast %broadcast_in_dim3A_97 : vector<2x1xf32> to vector<2x512xf32>
      %select_n3A_99 = arith.select %eq3A_92, %broadcast_in_dim3A_98, %get3A_96 : vector<2x512xi1>, vector<2x512xf32>
      %swap3A_100 = arith.constant 0 : index
      %swap3A_101 = arith.constant 0 : index
      %swap3A_102 = vector.load %arg3[%swap3A_100, %swap3A_101] : memref<2x512xf32, #tpu.memory_space<vmem>>, vector<2x512xf32>
      tpu.vector_store %arg3[%swap3A_100, %swap3A_101], %select_n3A_99 {strides = array<i32>} : memref<2x512xf32, #tpu.memory_space<vmem>>, vector<2x512xf32>,
      %min3A = arith.minimumf %scan3A_41, %add3A_78 : vector<2x32x128xf32>
      scf.yield %min3A : vector<2x32x128xf32>
    }
    %scan3A_39 = arith.constant 511 : i32
    return
  }
}

module attributes {stable_mosaic.version = 14 : i64} {
  func.func @_knn_body(%arg0: i32, %arg1: memref<1x4096x1xf32, #tpu.memory_space<vmem>>, %arg2: memref<1x4096x1xf32, #tpu.memory_space<vmem>>, %arg3: memref<1x1x512xf32, #tpu.memory_space<vmem>>, %arg4: memref<1x1x512xf32, #tpu.memory_space<vmem>>, %arg5: memref<1x9x512xi32, #tpu.memory_space<vmem>>, %arg6: memref<1x9x512xf32, #tpu.memory_space<vmem>>, %arg7: memref<1x9x512xf32, #tpu.memory_space<vmem>>, %arg8: memref<4096x512xf32, #tpu.memory_space<vmem>>) attributes {dimension_semantics = [#tpu.dimension_semantics<arbitrary>], iteration_bounds = array<i64: 2>, scalar_prefetch = 0 : i64, scratch_operands = 1 : i64, tpu.core_type = #tpu.core_type<tc>, window_params = [{transform_indices = @transform_0, window_bounds = array<i64: 1, 4096, 1>}, {transform_indices = @transform_1, window_bounds = array<i64: 1, 4096, 1>}, {transform_indices = @transform_2, window_bounds = array<i64: 1, 1, 512>}, {transform_indices = @transform_3, window_bounds = array<i64: 1, 1, 512>}, {transform_indices = @transform_4, window_bounds = array<i64: 1, 9, 512>}, {transform_indices = @transform_5, window_bounds = array<i64: 1, 9, 512>}, {transform_indices = @transform_6, window_bounds = array<i64: 1, 9, 512>}]} {
    %get3A = arith.constant 0 : index
    %get3A_0 = arith.constant 0 : index
    %get3A_1 = arith.constant 0 : index
    %get3A_2 = vector.load %arg1[%get3A, %get3A_0, %get3A_1] : memref<1x4096x1xf32, #tpu.memory_space<vmem>>, vector<1x4096x1xf32>
    %get3A_3 = vector.shape_cast %get3A_2 : vector<1x4096x1xf32> to vector<4096x1xf32>
    %get3A_4 = arith.constant 0 : index
    %get3A_5 = arith.constant 0 : index
    %get3A_6 = arith.constant 0 : index
    %get3A_7 = vector.load %arg2[%get3A_4, %get3A_5, %get3A_6] : memref<1x4096x1xf32, #tpu.memory_space<vmem>>, vector<1x4096x1xf32>
    %get3A_8 = vector.shape_cast %get3A_7 : vector<1x4096x1xf32> to vector<4096x1xf32>
    %get3A_9 = arith.constant 0 : index
    %get3A_10 = arith.constant 0 : index
    %get3A_11 = arith.constant 0 : index
    %get3A_12 = vector.load %arg3[%get3A_9, %get3A_10, %get3A_11] : memref<1x1x512xf32, #tpu.memory_space<vmem>>, vector<1x1x512xf32>
    %get3A_13 = vector.shape_cast %get3A_12 : vector<1x1x512xf32> to vector<1x512xf32>
    %get3A_14 = arith.constant 0 : index
    %get3A_15 = arith.constant 0 : index
    %get3A_16 = arith.constant 0 : index
    %get3A_17 = vector.load %arg4[%get3A_14, %get3A_15, %get3A_16] : memref<1x1x512xf32, #tpu.memory_space<vmem>>, vector<1x1x512xf32>
    %get3A_18 = vector.shape_cast %get3A_17 : vector<1x1x512xf32> to vector<1x512xf32>
    %convert_element_type3A = arith.truncf %get3A_3 : vector<4096x1xf32> to vector<4096x1xbf16>
    %convert_element_type3A_19 = arith.extf %convert_element_type3A : vector<4096x1xbf16> to vector<4096x1xf32>
    %convert_element_type3A_20 = arith.truncf %get3A_8 : vector<4096x1xf32> to vector<4096x1xbf16>
    %convert_element_type3A_21 = arith.extf %convert_element_type3A_20 : vector<4096x1xbf16> to vector<4096x1xf32>
    %convert_element_type3A_22 = arith.truncf %get3A_13 : vector<1x512xf32> to vector<1x512xbf16>
    %convert_element_type3A_23 = arith.extf %convert_element_type3A_22 : vector<1x512xbf16> to vector<1x512xf32>
    %convert_element_type3A_24 = arith.truncf %get3A_18 : vector<1x512xf32> to vector<1x512xbf16>
    %convert_element_type3A_25 = arith.extf %convert_element_type3A_24 : vector<1x512xbf16> to vector<1x512xf32>
    %mul3A = vector.broadcast %convert_element_type3A_23 : vector<1x512xf32> to vector<4096x512xf32>
    %mul3A_26 = vector.broadcast %convert_element_type3A_19 : vector<4096x1xf32> to vector<4096x512xf32>
    %mul3A_27 = arith.mulf %mul3A, %mul3A_26 : vector<4096x512xf32>
    %mul3A_28 = vector.broadcast %convert_element_type3A_25 : vector<1x512xf32> to vector<4096x512xf32>
    %mul3A_29 = vector.broadcast %convert_element_type3A_21 : vector<4096x1xf32> to vector<4096x512xf32>
    %mul3A_30 = arith.mulf %mul3A_28, %mul3A_29 : vector<4096x512xf32>
    %add3A = arith.addf %mul3A_27, %mul3A_30 : vector<4096x512xf32>
    %mul3A_31 = arith.constant -2.000000e+00 : f32
    %mul3A_32 = vector.broadcast %mul3A_31 : f32 to vector<4096x512xf32>
    %mul3A_33 = arith.mulf %mul3A_32, %add3A : vector<4096x512xf32>
    %mul3A_34 = arith.mulf %get3A_13, %get3A_13 : vector<1x512xf32>
    %mul3A_35 = arith.mulf %get3A_18, %get3A_18 : vector<1x512xf32>
    %add3A_36 = arith.addf %mul3A_34, %mul3A_35 : vector<1x512xf32>
    %mul3A_37 = arith.mulf %get3A_3, %get3A_3 : vector<4096x1xf32>
    %mul3A_38 = arith.mulf %get3A_8, %get3A_8 : vector<4096x1xf32>
    %add3A_39 = arith.addf %mul3A_37, %mul3A_38 : vector<4096x1xf32>
    %neg3A = arith.constant 0.000000e+00 : f32
    %neg3A_40 = vector.broadcast %neg3A : f32 to vector<1x512xf32>
    %neg3A_41 = arith.subf %neg3A_40, %add3A_36 : vector<1x512xf32>
    %sub3A = vector.broadcast %neg3A_41 : vector<1x512xf32> to vector<4096x512xf32>
    %sub3A_42 = arith.subf %sub3A, %mul3A_33 : vector<4096x512xf32>
    %sub3A_43 = vector.broadcast %add3A_39 : vector<4096x1xf32> to vector<4096x512xf32>
    %sub3A_44 = arith.subf %sub3A_42, %sub3A_43 : vector<4096x512xf32>
    %swap3A = arith.constant 0 : index
    %swap3A_45 = arith.constant 0 : index
    %swap3A_46 = vector.load %arg8[%swap3A, %swap3A_45] : memref<4096x512xf32, #tpu.memory_space<vmem>>, vector<4096x512xf32>
    tpu.vector_store %arg8[%swap3A, %swap3A_45], %sub3A_44 {strides = array<i32>} : memref<4096x512xf32, #tpu.memory_space<vmem>>, vector<4096x512xf32>,
    %iota3A = tpu.iota {dimensions = array<i32: 0>} : vector<4096x512xi32>
    %get3A_47 = arith.constant 0 : index
    %get3A_48 = arith.constant 0 : index
    %get3A_49 = vector.load %arg8[%get3A_47, %get3A_48] : memref<4096x512xf32, #tpu.memory_space<vmem>>, vector<4096x512xf32>
    %reduce_max3A = arith.constant dense<0xFF800000> : vector<512xf32>
    %reduce_max3A_50 = vector.multi_reduction <maximumf>, %get3A_49, %reduce_max3A [0] : vector<4096x512xf32> to vector<512xf32>
    %broadcast_in_dim3A = vector.shape_cast %reduce_max3A_50 : vector<512xf32> to vector<1x512xf32>
    %eq3A = vector.broadcast %broadcast_in_dim3A : vector<1x512xf32> to vector<4096x512xf32>
    %eq3A_51 = arith.cmpf oeq, %get3A_49, %eq3A : vector<4096x512xf32>
    %jit3A = arith.constant 4096 : i32
    %broadcast_in_dim3A_52 = vector.broadcast %jit3A : i32 to vector<4096x512xi32>
    %select_n3A = arith.select %eq3A_51, %iota3A, %broadcast_in_dim3A_52 : vector<4096x512xi1>, vector<4096x512xi32>
    %reduce_min3A = arith.constant dense<2147483647> : vector<512xi32>
    %reduce_min3A_53 = vector.multi_reduction <minsi>, %select_n3A, %reduce_min3A [0] : vector<4096x512xi32> to vector<512xi32>
    %broadcast_in_dim3A_54 = vector.shape_cast %reduce_min3A_53 : vector<512xi32> to vector<1x512xi32>
    %eq3A_55 = vector.broadcast %broadcast_in_dim3A_54 : vector<1x512xi32> to vector<4096x512xi32>
    %eq3A_56 = arith.cmpi eq, %iota3A, %eq3A_55 : vector<4096x512xi32>
    %jit3A_57 = arith.constant 0.000000e+00 : f32
    %broadcast_in_dim3A_58 = vector.shape_cast %get3A_3 : vector<4096x1xf32> to vector<4096x1xf32>
    %broadcast_in_dim3A_59 = vector.broadcast %broadcast_in_dim3A_58 : vector<4096x1xf32> to vector<4096x512xf32>
    %broadcast_in_dim3A_60 = vector.broadcast %jit3A_57 : f32 to vector<4096x512xf32>
    %select_n3A_61 = arith.select %eq3A_56, %broadcast_in_dim3A_59, %broadcast_in_dim3A_60 : vector<4096x512xi1>, vector<4096x512xf32>
    %reduce_sum3A = arith.constant dense<0.000000e+00> : vector<512xf32>
    %reduce_sum3A_62 = vector.multi_reduction <add>, %select_n3A_61, %reduce_sum3A [0] : vector<4096x512xf32> to vector<512xf32>
    %broadcast_in_dim3A_63 = vector.shape_cast %reduce_sum3A_62 : vector<512xf32> to vector<1x512xf32>
    %jit3A_64 = arith.constant 0.000000e+00 : f32
    %broadcast_in_dim3A_65 = vector.shape_cast %get3A_8 : vector<4096x1xf32> to vector<4096x1xf32>
    %broadcast_in_dim3A_66 = vector.broadcast %broadcast_in_dim3A_65 : vector<4096x1xf32> to vector<4096x512xf32>
    %broadcast_in_dim3A_67 = vector.broadcast %jit3A_64 : f32 to vector<4096x512xf32>
    %select_n3A_68 = arith.select %eq3A_56, %broadcast_in_dim3A_66, %broadcast_in_dim3A_67 : vector<4096x512xi1>, vector<4096x512xf32>
    %reduce_sum3A_69 = arith.constant dense<0.000000e+00> : vector<512xf32>
    %reduce_sum3A_70 = vector.multi_reduction <add>, %select_n3A_68, %reduce_sum3A_69 [0] : vector<4096x512xf32> to vector<512xf32>
    %broadcast_in_dim3A_71 = vector.shape_cast %reduce_sum3A_70 : vector<512xf32> to vector<1x512xf32>
    %squeeze3A = vector.shape_cast %broadcast_in_dim3A_54 : vector<1x512xi32> to vector<512xi32>
    %swap3A_72 = arith.constant 0 : index
    %swap3A_73 = arith.constant 0 : index
    %swap3A_74 = arith.constant 0 : index
    %swap3A_75 = vector.load %arg5[%swap3A_72, %swap3A_73, %swap3A_74] : memref<1x9x512xi32, #tpu.memory_space<vmem>>, vector<1x1x512xi32>
    %swap3A_76 = vector.shape_cast %swap3A_75 : vector<1x1x512xi32> to vector<512xi32>
    %swap3A_77 = vector.shape_cast %squeeze3A : vector<512xi32> to vector<1x1x512xi32>
    tpu.vector_store %arg5[%swap3A_72, %swap3A_73, %swap3A_74], %swap3A_77 {strides = array<i32>} : memref<1x9x512xi32, #tpu.memory_space<vmem>>, vector<1x1x512xi32>,
    %sub3A_78 = arith.subf %broadcast_in_dim3A_63, %get3A_13 : vector<1x512xf32>
    %squeeze3A_79 = vector.shape_cast %sub3A_78 : vector<1x512xf32> to vector<512xf32>
    %swap3A_80 = arith.constant 0 : index
    %swap3A_81 = arith.constant 0 : index
    %swap3A_82 = arith.constant 0 : index
    %swap3A_83 = vector.load %arg6[%swap3A_80, %swap3A_81, %swap3A_82] : memref<1x9x512xf32, #tpu.memory_space<vmem>>, vector<1x1x512xf32>
    %swap3A_84 = vector.shape_cast %swap3A_83 : vector<1x1x512xf32> to vector<512xf32>
    %swap3A_85 = vector.shape_cast %squeeze3A_79 : vector<512xf32> to vector<1x1x512xf32>
    tpu.vector_store %arg6[%swap3A_80, %swap3A_81, %swap3A_82], %swap3A_85 {strides = array<i32>} : memref<1x9x512xf32, #tpu.memory_space<vmem>>, vector<1x1x512xf32>,
    %sub3A_86 = arith.subf %broadcast_in_dim3A_71, %get3A_18 : vector<1x512xf32>
    %squeeze3A_87 = vector.shape_cast %sub3A_86 : vector<1x512xf32> to vector<512xf32>
    %swap3A_88 = arith.constant 0 : index
    %swap3A_89 = arith.constant 0 : index
    %swap3A_90 = arith.constant 0 : index
    %swap3A_91 = vector.load %arg7[%swap3A_88, %swap3A_89, %swap3A_90] : memref<1x9x512xf32, #tpu.memory_space<vmem>>, vector<1x1x512xf32>
    %swap3A_92 = vector.shape_cast %swap3A_91 : vector<1x1x512xf32> to vector<512xf32>
    %swap3A_93 = vector.shape_cast %squeeze3A_87 : vector<512xf32> to vector<1x1x512xf32>
    tpu.vector_store %arg7[%swap3A_88, %swap3A_89, %swap3A_90], %swap3A_93 {strides = array<i32>} : memref<1x9x512xf32, #tpu.memory_space<vmem>>, vector<1x1x512xf32>,
    %jit3A_94 = arith.constant 0xFF800000 : f32
    %broadcast_in_dim3A_95 = vector.broadcast %jit3A_94 : f32 to vector<4096x512xf32>
    %select_n3A_96 = arith.select %eq3A_56, %broadcast_in_dim3A_95, %get3A_49 : vector<4096x512xi1>, vector<4096x512xf32>
    %swap3A_97 = arith.constant 0 : index
    %swap3A_98 = arith.constant 0 : index
    %swap3A_99 = vector.load %arg8[%swap3A_97, %swap3A_98] : memref<4096x512xf32, #tpu.memory_space<vmem>>, vector<4096x512xf32>
    tpu.vector_store %arg8[%swap3A_97, %swap3A_98], %select_n3A_96 {strides = array<i32>} : memref<4096x512xf32, #tpu.memory_space<vmem>>, vector<4096x512xf32>,
    %get3A_100 = arith.constant 0 : index
    %get3A_101 = arith.constant 0 : index
    %get3A_102 = vector.load %arg8[%get3A_100, %get3A_101] : memref<4096x512xf32, #tpu.memory_space<vmem>>, vector<4096x512xf32>
    %reduce_max3A_103 = arith.constant dense<0xFF800000> : vector<512xf32>
    %reduce_max3A_104 = vector.multi_reduction <maximumf>, %get3A_102, %reduce_max3A_103 [0] : vector<4096x512xf32> to vector<512xf32>
    %broadcast_in_dim3A_105 = vector.shape_cast %reduce_max3A_104 : vector<512xf32> to vector<1x512xf32>
    %eq3A_106 = vector.broadcast %broadcast_in_dim3A_105 : vector<1x512xf32> to vector<4096x512xf32>
    %eq3A_107 = arith.cmpf oeq, %get3A_102, %eq3A_106 : vector<4096x512xf32>
    %jit3A_108 = arith.constant 4096 : i32
    %broadcast_in_dim3A_109 = vector.broadcast %jit3A_108 : i32 to vector<4096x512xi32>
    %select_n3A_110 = arith.select %eq3A_107, %iota3A, %broadcast_in_dim3A_109 : vector<4096x512xi1>, vector<4096x512xi32>
    %reduce_min3A_111 = arith.constant dense<2147483647> : vector<512xi32>
    %reduce_min3A_112 = vector.multi_reduction <minsi>, %select_n3A_110, %reduce_min3A_111 [0] : vector<4096x512xi32> to vector<512xi32>
    %broadcast_in_dim3A_113 = vector.shape_cast %reduce_min3A_112 : vector<512xi32> to vector<1x512xi32>
    %eq3A_114 = vector.broadcast %broadcast_in_dim3A_113 : vector<1x512xi32> to vector<4096x512xi32>
    %eq3A_115 = arith.cmpi eq, %iota3A, %eq3A_114 : vector<4096x512xi32>
    %jit3A_116 = arith.constant 0.000000e+00 : f32
    %broadcast_in_dim3A_117 = vector.shape_cast %get3A_3 : vector<4096x1xf32> to vector<4096x1xf32>
    %broadcast_in_dim3A_118 = vector.broadcast %broadcast_in_dim3A_117 : vector<4096x1xf32> to vector<4096x512xf32>
    %broadcast_in_dim3A_119 = vector.broadcast %jit3A_116 : f32 to vector<4096x512xf32>
    %select_n3A_120 = arith.select %eq3A_115, %broadcast_in_dim3A_118, %broadcast_in_dim3A_119 : vector<4096x512xi1>, vector<4096x512xf32>
    %reduce_sum3A_121 = arith.constant dense<0.000000e+00> : vector<512xf32>
    %reduce_sum3A_122 = vector.multi_reduction <add>, %select_n3A_120, %reduce_sum3A_121 [0] : vector<4096x512xf32> to vector<512xf32>
    %broadcast_in_dim3A_123 = vector.shape_cast %reduce_sum3A_122 : vector<512xf32> to vector<1x512xf32>
    %jit3A_124 = arith.constant 0.000000e+00 : f32
    %broadcast_in_dim3A_125 = vector.shape_cast %get3A_8 : vector<4096x1xf32> to vector<4096x1xf32>
    %broadcast_in_dim3A_126 = vector.broadcast %broadcast_in_dim3A_125 : vector<4096x1xf32> to vector<4096x512xf32>
    %broadcast_in_dim3A_127 = vector.broadcast %jit3A_124 : f32 to vector<4096x512xf32>
    %select_n3A_128 = arith.select %eq3A_115, %broadcast_in_dim3A_126, %broadcast_in_dim3A_127 : vector<4096x512xi1>, vector<4096x512xf32>
    %reduce_sum3A_129 = arith.constant dense<0.000000e+00> : vector<512xf32>
    %reduce_sum3A_130 = vector.multi_reduction <add>, %select_n3A_128, %reduce_sum3A_129 [0] : vector<4096x512xf32> to vector<512xf32>
    %broadcast_in_dim3A_131 = vector.shape_cast %reduce_sum3A_130 : vector<512xf32> to vector<1x512xf32>
    %squeeze3A_132 = vector.shape_cast %broadcast_in_dim3A_113 : vector<1x512xi32> to vector<512xi32>
    %swap3A_133 = arith.constant 0 : index
    %swap3A_134 = arith.constant 1 : index
    %swap3A_135 = arith.constant 0 : index
    %swap3A_136 = vector.load %arg5[%swap3A_133, %swap3A_134, %swap3A_135] : memref<1x9x512xi32, #tpu.memory_space<vmem>>, vector<1x1x512xi32>
    %swap3A_137 = vector.shape_cast %swap3A_136 : vector<1x1x512xi32> to vector<512xi32>
    %swap3A_138 = vector.shape_cast %squeeze3A_132 : vector<512xi32> to vector<1x1x512xi32>
    tpu.vector_store %arg5[%swap3A_133, %swap3A_134, %swap3A_135], %swap3A_138 {strides = array<i32>} : memref<1x9x512xi32, #tpu.memory_space<vmem>>, vector<1x1x512xi32>,
    %sub3A_139 = arith.subf %broadcast_in_dim3A_123, %get3A_13 : vector<1x512xf32>
    %squeeze3A_140 = vector.shape_cast %sub3A_139 : vector<1x512xf32> to vector<512xf32>
    %swap3A_141 = arith.constant 0 : index
    %swap3A_142 = arith.constant 1 : index
    %swap3A_143 = arith.constant 0 : index
    %swap3A_144 = vector.load %arg6[%swap3A_141, %swap3A_142, %swap3A_143] : memref<1x9x512xf32, #tpu.memory_space<vmem>>, vector<1x1x512xf32>
    %swap3A_145 = vector.shape_cast %swap3A_144 : vector<1x1x512xf32> to vector<512xf32>
    %swap3A_146 = vector.shape_cast %squeeze3A_140 : vector<512xf32> to vector<1x1x512xf32>
    tpu.vector_store %arg6[%swap3A_141, %swap3A_142, %swap3A_143], %swap3A_146 {strides = array<i32>} : memref<1x9x512xf32, #tpu.memory_space<vmem>>, vector<1x1x512xf32>,
    %sub3A_147 = arith.subf %broadcast_in_dim3A_131, %get3A_18 : vector<1x512xf32>
    %squeeze3A_148 = vector.shape_cast %sub3A_147 : vector<1x512xf32> to vector<512xf32>
    %swap3A_149 = arith.constant 0 : index
    %swap3A_150 = arith.constant 1 : index
    %swap3A_151 = arith.constant 0 : index
    %swap3A_152 = vector.load %arg7[%swap3A_149, %swap3A_150, %swap3A_151] : memref<1x9x512xf32, #tpu.memory_space<vmem>>, vector<1x1x512xf32>
    %swap3A_153 = vector.shape_cast %swap3A_152 : vector<1x1x512xf32> to vector<512xf32>
    %swap3A_154 = vector.shape_cast %squeeze3A_148 : vector<512xf32> to vector<1x1x512xf32>
    tpu.vector_store %arg7[%swap3A_149, %swap3A_150, %swap3A_151], %swap3A_154 {strides = array<i32>} : memref<1x9x512xf32, #tpu.memory_space<vmem>>, vector<1x1x512xf32>,
    %jit3A_155 = arith.constant 0xFF800000 : f32
    %broadcast_in_dim3A_156 = vector.broadcast %jit3A_155 : f32 to vector<4096x512xf32>
    %select_n3A_157 = arith.select %eq3A_115, %broadcast_in_dim3A_156, %get3A_102 : vector<4096x512xi1>, vector<4096x512xf32>
    %swap3A_158 = arith.constant 0 : index
    %swap3A_159 = arith.constant 0 : index
    %swap3A_160 = vector.load %arg8[%swap3A_158, %swap3A_159] : memref<4096x512xf32, #tpu.memory_space<vmem>>, vector<4096x512xf32>
    tpu.vector_store %arg8[%swap3A_158, %swap3A_159], %select_n3A_157 {strides = array<i32>} : memref<4096x512xf32, #tpu.memory_space<vmem>>, vector<4096x512xf32>,
    %get3A_161 = arith.constant 0 : index
    %get3A_162 = arith.constant 0 : index
    %get3A_163 = vector.load %arg8[%get3A_161, %get3A_162] : memref<4096x512xf32, #tpu.memory_space<vmem>>, vector<4096x512xf32>
    %reduce_max3A_164 = arith.constant dense<0xFF800000> : vector<512xf32>
    %reduce_max3A_165 = vector.multi_reduction <maximumf>, %get3A_163, %reduce_max3A_164 [0] : vector<4096x512xf32> to vector<512xf32>
    %broadcast_in_dim3A_166 = vector.shape_cast %reduce_max3A_165 : vector<512xf32> to vector<1x512xf32>
    %eq3A_167 = vector.broadcast %broadcast_in_dim3A_166 : vector<1x512xf32> to vector<4096x512xf32>
    %eq3A_168 = arith.cmpf oeq, %get3A_163, %eq3A_167 : vector<4096x512xf32>
    %jit3A_169 = arith.constant 4096 : i32
    %broadcast_in_dim3A_170 = vector.broadcast %jit3A_169 : i32 to vector<4096x512xi32>
    %select_n3A_171 = arith.select %eq3A_168, %iota3A, %broadcast_in_dim3A_170 : vector<4096x512xi1>, vector<4096x512xi32>
    %reduce_min3A_172 = arith.constant dense<2147483647> : vector<512xi32>
    %reduce_min3A_173 = vector.multi_reduction <minsi>, %select_n3A_171, %reduce_min3A_172 [0] : vector<4096x512xi32> to vector<512xi32>
    %broadcast_in_dim3A_174 = vector.shape_cast %reduce_min3A_173 : vector<512xi32> to vector<1x512xi32>
    %eq3A_175 = vector.broadcast %broadcast_in_dim3A_174 : vector<1x512xi32> to vector<4096x512xi32>
    %eq3A_176 = arith.cmpi eq, %iota3A, %eq3A_175 : vector<4096x512xi32>
    %jit3A_177 = arith.constant 0.000000e+00 : f32
    %broadcast_in_dim3A_178 = vector.shape_cast %get3A_3 : vector<4096x1xf32> to vector<4096x1xf32>
    %broadcast_in_dim3A_179 = vector.broadcast %broadcast_in_dim3A_178 : vector<4096x1xf32> to vector<4096x512xf32>
    %broadcast_in_dim3A_180 = vector.broadcast %jit3A_177 : f32 to vector<4096x512xf32>
    %select_n3A_181 = arith.select %eq3A_176, %broadcast_in_dim3A_179, %broadcast_in_dim3A_180 : vector<4096x512xi1>, vector<4096x512xf32>
    %reduce_sum3A_182 = arith.constant dense<0.000000e+00> : vector<512xf32>
    %reduce_sum3A_183 = vector.multi_reduction <add>, %select_n3A_181, %reduce_sum3A_182 [0] : vector<4096x512xf32> to vector<512xf32>
    %broadcast_in_dim3A_184 = vector.shape_cast %reduce_sum3A_183 : vector<512xf32> to vector<1x512xf32>
    %jit3A_185 = arith.constant 0.000000e+00 : f32
    %broadcast_in_dim3A_186 = vector.shape_cast %get3A_8 : vector<4096x1xf32> to vector<4096x1xf32>
    %broadcast_in_dim3A_187 = vector.broadcast %broadcast_in_dim3A_186 : vector<4096x1xf32> to vector<4096x512xf32>
    %broadcast_in_dim3A_188 = vector.broadcast %jit3A_185 : f32 to vector<4096x512xf32>
    %select_n3A_189 = arith.select %eq3A_176, %broadcast_in_dim3A_187, %broadcast_in_dim3A_188 : vector<4096x512xi1>, vector<4096x512xf32>
    %reduce_sum3A_190 = arith.constant dense<0.000000e+00> : vector<512xf32>
    %reduce_sum3A_191 = vector.multi_reduction <add>, %select_n3A_189, %reduce_sum3A_190 [0] : vector<4096x512xf32> to vector<512xf32>
    %broadcast_in_dim3A_192 = vector.shape_cast %reduce_sum3A_191 : vector<512xf32> to vector<1x512xf32>
    %squeeze3A_193 = vector.shape_cast %broadcast_in_dim3A_174 : vector<1x512xi32> to vector<512xi32>
    %swap3A_194 = arith.constant 0 : index
    %swap3A_195 = arith.constant 2 : index
    %swap3A_196 = arith.constant 0 : index
    %swap3A_197 = vector.load %arg5[%swap3A_194, %swap3A_195, %swap3A_196] : memref<1x9x512xi32, #tpu.memory_space<vmem>>, vector<1x1x512xi32>
    %swap3A_198 = vector.shape_cast %swap3A_197 : vector<1x1x512xi32> to vector<512xi32>
    %swap3A_199 = vector.shape_cast %squeeze3A_193 : vector<512xi32> to vector<1x1x512xi32>
    tpu.vector_store %arg5[%swap3A_194, %swap3A_195, %swap3A_196], %swap3A_199 {strides = array<i32>} : memref<1x9x512xi32, #tpu.memory_space<vmem>>, vector<1x1x512xi32>,
    %sub3A_200 = arith.subf %broadcast_in_dim3A_184, %get3A_13 : vector<1x512xf32>
    %squeeze3A_201 = vector.shape_cast %sub3A_200 : vector<1x512xf32> to vector<512xf32>
    %swap3A_202 = arith.constant 0 : index
    %swap3A_203 = arith.constant 2 : index
    %swap3A_204 = arith.constant 0 : index
    %swap3A_205 = vector.load %arg6[%swap3A_202, %swap3A_203, %swap3A_204] : memref<1x9x512xf32, #tpu.memory_space<vmem>>, vector<1x1x512xf32>
    %swap3A_206 = vector.shape_cast %swap3A_205 : vector<1x1x512xf32> to vector<512xf32>
    %swap3A_207 = vector.shape_cast %squeeze3A_201 : vector<512xf32> to vector<1x1x512xf32>
    tpu.vector_store %arg6[%swap3A_202, %swap3A_203, %swap3A_204], %swap3A_207 {strides = array<i32>} : memref<1x9x512xf32, #tpu.memory_space<vmem>>, vector<1x1x512xf32>,
    %sub3A_208 = arith.subf %broadcast_in_dim3A_192, %get3A_18 : vector<1x512xf32>
    %squeeze3A_209 = vector.shape_cast %sub3A_208 : vector<1x512xf32> to vector<512xf32>
    %swap3A_210 = arith.constant 0 : index
    %swap3A_211 = arith.constant 2 : index
    %swap3A_212 = arith.constant 0 : index
    %swap3A_213 = vector.load %arg7[%swap3A_210, %swap3A_211, %swap3A_212] : memref<1x9x512xf32, #tpu.memory_space<vmem>>, vector<1x1x512xf32>
    %swap3A_214 = vector.shape_cast %swap3A_213 : vector<1x1x512xf32> to vector<512xf32>
    %swap3A_215 = vector.shape_cast %squeeze3A_209 : vector<512xf32> to vector<1x1x512xf32>
    tpu.vector_store %arg7[%swap3A_210, %swap3A_211, %swap3A_212], %swap3A_215 {strides = array<i32>} : memref<1x9x512xf32, #tpu.memory_space<vmem>>, vector<1x1x512xf32>,
    %jit3A_216 = arith.constant 0xFF800000 : f32
    %broadcast_in_dim3A_217 = vector.broadcast %jit3A_216 : f32 to vector<4096x512xf32>
    %select_n3A_218 = arith.select %eq3A_176, %broadcast_in_dim3A_217, %get3A_163 : vector<4096x512xi1>, vector<4096x512xf32>
    %swap3A_219 = arith.constant 0 : index
    %swap3A_220 = arith.constant 0 : index
    %swap3A_221 = vector.load %arg8[%swap3A_219, %swap3A_220] : memref<4096x512xf32, #tpu.memory_space<vmem>>, vector<4096x512xf32>
    tpu.vector_store %arg8[%swap3A_219, %swap3A_220], %select_n3A_218 {strides = array<i32>} : memref<4096x512xf32, #tpu.memory_space<vmem>>, vector<4096x512xf32>,
    %get3A_222 = arith.constant 0 : index
    %get3A_223 = arith.constant 0 : index
    %get3A_224 = vector.load %arg8[%get3A_222, %get3A_223] : memref<4096x512xf32, #tpu.memory_space<vmem>>, vector<4096x512xf32>
    %reduce_max3A_225 = arith.constant dense<0xFF800000> : vector<512xf32>
    %reduce_max3A_226 = vector.multi_reduction <maximumf>, %get3A_224, %reduce_max3A_225 [0] : vector<4096x512xf32> to vector<512xf32>
    %broadcast_in_dim3A_227 = vector.shape_cast %reduce_max3A_226 : vector<512xf32> to vector<1x512xf32>
    %eq3A_228 = vector.broadcast %broadcast_in_dim3A_227 : vector<1x512xf32> to vector<4096x512xf32>
    %eq3A_229 = arith.cmpf oeq, %get3A_224, %eq3A_228 : vector<4096x512xf32>
    %jit3A_230 = arith.constant 4096 : i32
    %broadcast_in_dim3A_231 = vector.broadcast %jit3A_230 : i32 to vector<4096x512xi32>
    %select_n3A_232 = arith.select %eq3A_229, %iota3A, %broadcast_in_dim3A_231 : vector<4096x512xi1>, vector<4096x512xi32>
    %reduce_min3A_233 = arith.constant dense<2147483647> : vector<512xi32>
    %reduce_min3A_234 = vector.multi_reduction <minsi>, %select_n3A_232, %reduce_min3A_233 [0] : vector<4096x512xi32> to vector<512xi32>
    %broadcast_in_dim3A_235 = vector.shape_cast %reduce_min3A_234 : vector<512xi32> to vector<1x512xi32>
    %eq3A_236 = vector.broadcast %broadcast_in_dim3A_235 : vector<1x512xi32> to vector<4096x512xi32>
    %eq3A_237 = arith.cmpi eq, %iota3A, %eq3A_236 : vector<4096x512xi32>
    %jit3A_238 = arith.constant 0.000000e+00 : f32
    %broadcast_in_dim3A_239 = vector.shape_cast %get3A_3 : vector<4096x1xf32> to vector<4096x1xf32>
    %broadcast_in_dim3A_240 = vector.broadcast %broadcast_in_dim3A_239 : vector<4096x1xf32> to vector<4096x512xf32>
    %broadcast_in_dim3A_241 = vector.broadcast %jit3A_238 : f32 to vector<4096x512xf32>
    %select_n3A_242 = arith.select %eq3A_237, %broadcast_in_dim3A_240, %broadcast_in_dim3A_241 : vector<4096x512xi1>, vector<4096x512xf32>
    %reduce_sum3A_243 = arith.constant dense<0.000000e+00> : vector<512xf32>
    %reduce_sum3A_244 = vector.multi_reduction <add>, %select_n3A_242, %reduce_sum3A_243 [0] : vector<4096x512xf32> to vector<512xf32>
    %broadcast_in_dim3A_245 = vector.shape_cast %reduce_sum3A_244 : vector<512xf32> to vector<1x512xf32>
    %jit3A_246 = arith.constant 0.000000e+00 : f32
    %broadcast_in_dim3A_247 = vector.shape_cast %get3A_8 : vector<4096x1xf32> to vector<4096x1xf32>
    %broadcast_in_dim3A_248 = vector.broadcast %broadcast_in_dim3A_247 : vector<4096x1xf32> to vector<4096x512xf32>
    %broadcast_in_dim3A_249 = vector.broadcast %jit3A_246 : f32 to vector<4096x512xf32>
    %select_n3A_250 = arith.select %eq3A_237, %broadcast_in_dim3A_248, %broadcast_in_dim3A_249 : vector<4096x512xi1>, vector<4096x512xf32>
    %reduce_sum3A_251 = arith.constant dense<0.000000e+00> : vector<512xf32>
    %reduce_sum3A_252 = vector.multi_reduction <add>, %select_n3A_250, %reduce_sum3A_251 [0] : vector<4096x512xf32> to vector<512xf32>
    %broadcast_in_dim3A_253 = vector.shape_cast %reduce_sum3A_252 : vector<512xf32> to vector<1x512xf32>
    %squeeze3A_254 = vector.shape_cast %broadcast_in_dim3A_235 : vector<1x512xi32> to vector<512xi32>
    %swap3A_255 = arith.constant 0 : index
    %swap3A_256 = arith.constant 3 : index
    %swap3A_257 = arith.constant 0 : index
    %swap3A_258 = vector.load %arg5[%swap3A_255, %swap3A_256, %swap3A_257] : memref<1x9x512xi32, #tpu.memory_space<vmem>>, vector<1x1x512xi32>
    %swap3A_259 = vector.shape_cast %swap3A_258 : vector<1x1x512xi32> to vector<512xi32>
    %swap3A_260 = vector.shape_cast %squeeze3A_254 : vector<512xi32> to vector<1x1x512xi32>
    tpu.vector_store %arg5[%swap3A_255, %swap3A_256, %swap3A_257], %swap3A_260 {strides = array<i32>} : memref<1x9x512xi32, #tpu.memory_space<vmem>>, vector<1x1x512xi32>,
    %sub3A_261 = arith.subf %broadcast_in_dim3A_245, %get3A_13 : vector<1x512xf32>
    %squeeze3A_262 = vector.shape_cast %sub3A_261 : vector<1x512xf32> to vector<512xf32>
    %swap3A_263 = arith.constant 0 : index
    %swap3A_264 = arith.constant 3 : index
    %swap3A_265 = arith.constant 0 : index
    %swap3A_266 = vector.load %arg6[%swap3A_263, %swap3A_264, %swap3A_265] : memref<1x9x512xf32, #tpu.memory_space<vmem>>, vector<1x1x512xf32>
    %swap3A_267 = vector.shape_cast %swap3A_266 : vector<1x1x512xf32> to vector<512xf32>
    %swap3A_268 = vector.shape_cast %squeeze3A_262 : vector<512xf32> to vector<1x1x512xf32>
    tpu.vector_store %arg6[%swap3A_263, %swap3A_264, %swap3A_265], %swap3A_268 {strides = array<i32>} : memref<1x9x512xf32, #tpu.memory_space<vmem>>, vector<1x1x512xf32>,
    %sub3A_269 = arith.subf %broadcast_in_dim3A_253, %get3A_18 : vector<1x512xf32>
    %squeeze3A_270 = vector.shape_cast %sub3A_269 : vector<1x512xf32> to vector<512xf32>
    %swap3A_271 = arith.constant 0 : index
    %swap3A_272 = arith.constant 3 : index
    %swap3A_273 = arith.constant 0 : index
    %swap3A_274 = vector.load %arg7[%swap3A_271, %swap3A_272, %swap3A_273] : memref<1x9x512xf32, #tpu.memory_space<vmem>>, vector<1x1x512xf32>
    %swap3A_275 = vector.shape_cast %swap3A_274 : vector<1x1x512xf32> to vector<512xf32>
    %swap3A_276 = vector.shape_cast %squeeze3A_270 : vector<512xf32> to vector<1x1x512xf32>
    tpu.vector_store %arg7[%swap3A_271, %swap3A_272, %swap3A_273], %swap3A_276 {strides = array<i32>} : memref<1x9x512xf32, #tpu.memory_space<vmem>>, vector<1x1x512xf32>,
    %jit3A_277 = arith.constant 0xFF800000 : f32
    %broadcast_in_dim3A_278 = vector.broadcast %jit3A_277 : f32 to vector<4096x512xf32>
    %select_n3A_279 = arith.select %eq3A_237, %broadcast_in_dim3A_278, %get3A_224 : vector<4096x512xi1>, vector<4096x512xf32>
    %swap3A_280 = arith.constant 0 : index
    %swap3A_281 = arith.constant 0 : index
    %swap3A_282 = vector.load %arg8[%swap3A_280, %swap3A_281] : memref<4096x512xf32, #tpu.memory_space<vmem>>, vector<4096x512xf32>
    tpu.vector_store %arg8[%swap3A_280, %swap3A_281], %select_n3A_279 {strides = array<i32>} : memref<4096x512xf32, #tpu.memory_space<vmem>>, vector<4096x512xf32>,
    %get3A_283 = arith.constant 0 : index
    %get3A_284 = arith.constant 0 : index
    %get3A_285 = vector.load %arg8[%get3A_283, %get3A_284] : memref<4096x512xf32, #tpu.memory_space<vmem>>, vector<4096x512xf32>
    %reduce_max3A_286 = arith.constant dense<0xFF800000> : vector<512xf32>
    %reduce_max3A_287 = vector.multi_reduction <maximumf>, %get3A_285, %reduce_max3A_286 [0] : vector<4096x512xf32> to vector<512xf32>
    %broadcast_in_dim3A_288 = vector.shape_cast %reduce_max3A_287 : vector<512xf32> to vector<1x512xf32>
    %eq3A_289 = vector.broadcast %broadcast_in_dim3A_288 : vector<1x512xf32> to vector<4096x512xf32>
    %eq3A_290 = arith.cmpf oeq, %get3A_285, %eq3A_289 : vector<4096x512xf32>
    %jit3A_291 = arith.constant 4096 : i32
    %broadcast_in_dim3A_292 = vector.broadcast %jit3A_291 : i32 to vector<4096x512xi32>
    %select_n3A_293 = arith.select %eq3A_290, %iota3A, %broadcast_in_dim3A_292 : vector<4096x512xi1>, vector<4096x512xi32>
    %reduce_min3A_294 = arith.constant dense<2147483647> : vector<512xi32>
    %reduce_min3A_295 = vector.multi_reduction <minsi>, %select_n3A_293, %reduce_min3A_294 [0] : vector<4096x512xi32> to vector<512xi32>
    %broadcast_in_dim3A_296 = vector.shape_cast %reduce_min3A_295 : vector<512xi32> to vector<1x512xi32>
    %eq3A_297 = vector.broadcast %broadcast_in_dim3A_296 : vector<1x512xi32> to vector<4096x512xi32>
    %eq3A_298 = arith.cmpi eq, %iota3A, %eq3A_297 : vector<4096x512xi32>
    %jit3A_299 = arith.constant 0.000000e+00 : f32
    %broadcast_in_dim3A_300 = vector.shape_cast %get3A_3 : vector<4096x1xf32> to vector<4096x1xf32>
    %broadcast_in_dim3A_301 = vector.broadcast %broadcast_in_dim3A_300 : vector<4096x1xf32> to vector<4096x512xf32>
    %broadcast_in_dim3A_302 = vector.broadcast %jit3A_299 : f32 to vector<4096x512xf32>
    %select_n3A_303 = arith.select %eq3A_298, %broadcast_in_dim3A_301, %broadcast_in_dim3A_302 : vector<4096x512xi1>, vector<4096x512xf32>
    %reduce_sum3A_304 = arith.constant dense<0.000000e+00> : vector<512xf32>
    %reduce_sum3A_305 = vector.multi_reduction <add>, %select_n3A_303, %reduce_sum3A_304 [0] : vector<4096x512xf32> to vector<512xf32>
    %broadcast_in_dim3A_306 = vector.shape_cast %reduce_sum3A_305 : vector<512xf32> to vector<1x512xf32>
    %jit3A_307 = arith.constant 0.000000e+00 : f32
    %broadcast_in_dim3A_308 = vector.shape_cast %get3A_8 : vector<4096x1xf32> to vector<4096x1xf32>
    %broadcast_in_dim3A_309 = vector.broadcast %broadcast_in_dim3A_308 : vector<4096x1xf32> to vector<4096x512xf32>
    %broadcast_in_dim3A_310 = vector.broadcast %jit3A_307 : f32 to vector<4096x512xf32>
    %select_n3A_311 = arith.select %eq3A_298, %broadcast_in_dim3A_309, %broadcast_in_dim3A_310 : vector<4096x512xi1>, vector<4096x512xf32>
    %reduce_sum3A_312 = arith.constant dense<0.000000e+00> : vector<512xf32>
    %reduce_sum3A_313 = vector.multi_reduction <add>, %select_n3A_311, %reduce_sum3A_312 [0] : vector<4096x512xf32> to vector<512xf32>
    %broadcast_in_dim3A_314 = vector.shape_cast %reduce_sum3A_313 : vector<512xf32> to vector<1x512xf32>
    %squeeze3A_315 = vector.shape_cast %broadcast_in_dim3A_296 : vector<1x512xi32> to vector<512xi32>
    %swap3A_316 = arith.constant 0 : index
    %swap3A_317 = arith.constant 4 : index
    %swap3A_318 = arith.constant 0 : index
    %swap3A_319 = vector.load %arg5[%swap3A_316, %swap3A_317, %swap3A_318] : memref<1x9x512xi32, #tpu.memory_space<vmem>>, vector<1x1x512xi32>
    %swap3A_320 = vector.shape_cast %swap3A_319 : vector<1x1x512xi32> to vector<512xi32>
    %swap3A_321 = vector.shape_cast %squeeze3A_315 : vector<512xi32> to vector<1x1x512xi32>
    tpu.vector_store %arg5[%swap3A_316, %swap3A_317, %swap3A_318], %swap3A_321 {strides = array<i32>} : memref<1x9x512xi32, #tpu.memory_space<vmem>>, vector<1x1x512xi32>,
    %sub3A_322 = arith.subf %broadcast_in_dim3A_306, %get3A_13 : vector<1x512xf32>
    %squeeze3A_323 = vector.shape_cast %sub3A_322 : vector<1x512xf32> to vector<512xf32>
    %swap3A_324 = arith.constant 0 : index
    %swap3A_325 = arith.constant 4 : index
    %swap3A_326 = arith.constant 0 : index
    %swap3A_327 = vector.load %arg6[%swap3A_324, %swap3A_325, %swap3A_326] : memref<1x9x512xf32, #tpu.memory_space<vmem>>, vector<1x1x512xf32>
    %swap3A_328 = vector.shape_cast %swap3A_327 : vector<1x1x512xf32> to vector<512xf32>
    %swap3A_329 = vector.shape_cast %squeeze3A_323 : vector<512xf32> to vector<1x1x512xf32>
    tpu.vector_store %arg6[%swap3A_324, %swap3A_325, %swap3A_326], %swap3A_329 {strides = array<i32>} : memref<1x9x512xf32, #tpu.memory_space<vmem>>, vector<1x1x512xf32>,
    %sub3A_330 = arith.subf %broadcast_in_dim3A_314, %get3A_18 : vector<1x512xf32>
    %squeeze3A_331 = vector.shape_cast %sub3A_330 : vector<1x512xf32> to vector<512xf32>
    %swap3A_332 = arith.constant 0 : index
    %swap3A_333 = arith.constant 4 : index
    %swap3A_334 = arith.constant 0 : index
    %swap3A_335 = vector.load %arg7[%swap3A_332, %swap3A_333, %swap3A_334] : memref<1x9x512xf32, #tpu.memory_space<vmem>>, vector<1x1x512xf32>
    %swap3A_336 = vector.shape_cast %swap3A_335 : vector<1x1x512xf32> to vector<512xf32>
    %swap3A_337 = vector.shape_cast %squeeze3A_331 : vector<512xf32> to vector<1x1x512xf32>
    tpu.vector_store %arg7[%swap3A_332, %swap3A_333, %swap3A_334], %swap3A_337 {strides = array<i32>} : memref<1x9x512xf32, #tpu.memory_space<vmem>>, vector<1x1x512xf32>,
    %jit3A_338 = arith.constant 0xFF800000 : f32
    %broadcast_in_dim3A_339 = vector.broadcast %jit3A_338 : f32 to vector<4096x512xf32>
    %select_n3A_340 = arith.select %eq3A_298, %broadcast_in_dim3A_339, %get3A_285 : vector<4096x512xi1>, vector<4096x512xf32>
    %swap3A_341 = arith.constant 0 : index
    %swap3A_342 = arith.constant 0 : index
    %swap3A_343 = vector.load %arg8[%swap3A_341, %swap3A_342] : memref<4096x512xf32, #tpu.memory_space<vmem>>, vector<4096x512xf32>
    tpu.vector_store %arg8[%swap3A_341, %swap3A_342], %select_n3A_340 {strides = array<i32>} : memref<4096x512xf32, #tpu.memory_space<vmem>>, vector<4096x512xf32>,
    %get3A_344 = arith.constant 0 : index
    %get3A_345 = arith.constant 0 : index
    %get3A_346 = vector.load %arg8[%get3A_344, %get3A_345] : memref<4096x512xf32, #tpu.memory_space<vmem>>, vector<4096x512xf32>
    %reduce_max3A_347 = arith.constant dense<0xFF800000> : vector<512xf32>
    %reduce_max3A_348 = vector.multi_reduction <maximumf>, %get3A_346, %reduce_max3A_347 [0] : vector<4096x512xf32> to vector<512xf32>
    %broadcast_in_dim3A_349 = vector.shape_cast %reduce_max3A_348 : vector<512xf32> to vector<1x512xf32>
    %eq3A_350 = vector.broadcast %broadcast_in_dim3A_349 : vector<1x512xf32> to vector<4096x512xf32>
    %eq3A_351 = arith.cmpf oeq, %get3A_346, %eq3A_350 : vector<4096x512xf32>
    %jit3A_352 = arith.constant 4096 : i32
    %broadcast_in_dim3A_353 = vector.broadcast %jit3A_352 : i32 to vector<4096x512xi32>
    %select_n3A_354 = arith.select %eq3A_351, %iota3A, %broadcast_in_dim3A_353 : vector<4096x512xi1>, vector<4096x512xi32>
    %reduce_min3A_355 = arith.constant dense<2147483647> : vector<512xi32>
    %reduce_min3A_356 = vector.multi_reduction <minsi>, %select_n3A_354, %reduce_min3A_355 [0] : vector<4096x512xi32> to vector<512xi32>
    %broadcast_in_dim3A_357 = vector.shape_cast %reduce_min3A_356 : vector<512xi32> to vector<1x512xi32>
    %eq3A_358 = vector.broadcast %broadcast_in_dim3A_357 : vector<1x512xi32> to vector<4096x512xi32>
    %eq3A_359 = arith.cmpi eq, %iota3A, %eq3A_358 : vector<4096x512xi32>
    %jit3A_360 = arith.constant 0.000000e+00 : f32
    %broadcast_in_dim3A_361 = vector.shape_cast %get3A_3 : vector<4096x1xf32> to vector<4096x1xf32>
    %broadcast_in_dim3A_362 = vector.broadcast %broadcast_in_dim3A_361 : vector<4096x1xf32> to vector<4096x512xf32>
    %broadcast_in_dim3A_363 = vector.broadcast %jit3A_360 : f32 to vector<4096x512xf32>
    %select_n3A_364 = arith.select %eq3A_359, %broadcast_in_dim3A_362, %broadcast_in_dim3A_363 : vector<4096x512xi1>, vector<4096x512xf32>
    %reduce_sum3A_365 = arith.constant dense<0.000000e+00> : vector<512xf32>
    %reduce_sum3A_366 = vector.multi_reduction <add>, %select_n3A_364, %reduce_sum3A_365 [0] : vector<4096x512xf32> to vector<512xf32>
    %broadcast_in_dim3A_367 = vector.shape_cast %reduce_sum3A_366 : vector<512xf32> to vector<1x512xf32>
    %jit3A_368 = arith.constant 0.000000e+00 : f32
    %broadcast_in_dim3A_369 = vector.shape_cast %get3A_8 : vector<4096x1xf32> to vector<4096x1xf32>
    %broadcast_in_dim3A_370 = vector.broadcast %broadcast_in_dim3A_369 : vector<4096x1xf32> to vector<4096x512xf32>
    %broadcast_in_dim3A_371 = vector.broadcast %jit3A_368 : f32 to vector<4096x512xf32>
    %select_n3A_372 = arith.select %eq3A_359, %broadcast_in_dim3A_370, %broadcast_in_dim3A_371 : vector<4096x512xi1>, vector<4096x512xf32>
    %reduce_sum3A_373 = arith.constant dense<0.000000e+00> : vector<512xf32>
    %reduce_sum3A_374 = vector.multi_reduction <add>, %select_n3A_372, %reduce_sum3A_373 [0] : vector<4096x512xf32> to vector<512xf32>
    %broadcast_in_dim3A_375 = vector.shape_cast %reduce_sum3A_374 : vector<512xf32> to vector<1x512xf32>
    %squeeze3A_376 = vector.shape_cast %broadcast_in_dim3A_357 : vector<1x512xi32> to vector<512xi32>
    %swap3A_377 = arith.constant 0 : index
    %swap3A_378 = arith.constant 5 : index
    %swap3A_379 = arith.constant 0 : index
    %swap3A_380 = vector.load %arg5[%swap3A_377, %swap3A_378, %swap3A_379] : memref<1x9x512xi32, #tpu.memory_space<vmem>>, vector<1x1x512xi32>
    %swap3A_381 = vector.shape_cast %swap3A_380 : vector<1x1x512xi32> to vector<512xi32>
    %swap3A_382 = vector.shape_cast %squeeze3A_376 : vector<512xi32> to vector<1x1x512xi32>
    tpu.vector_store %arg5[%swap3A_377, %swap3A_378, %swap3A_379], %swap3A_382 {strides = array<i32>} : memref<1x9x512xi32, #tpu.memory_space<vmem>>, vector<1x1x512xi32>,
    %sub3A_383 = arith.subf %broadcast_in_dim3A_367, %get3A_13 : vector<1x512xf32>
    %squeeze3A_384 = vector.shape_cast %sub3A_383 : vector<1x512xf32> to vector<512xf32>
    %swap3A_385 = arith.constant 0 : index
    %swap3A_386 = arith.constant 5 : index
    %swap3A_387 = arith.constant 0 : index
    %swap3A_388 = vector.load %arg6[%swap3A_385, %swap3A_386, %swap3A_387] : memref<1x9x512xf32, #tpu.memory_space<vmem>>, vector<1x1x512xf32>
    %swap3A_389 = vector.shape_cast %swap3A_388 : vector<1x1x512xf32> to vector<512xf32>
    %swap3A_390 = vector.shape_cast %squeeze3A_384 : vector<512xf32> to vector<1x1x512xf32>
    tpu.vector_store %arg6[%swap3A_385, %swap3A_386, %swap3A_387], %swap3A_390 {strides = array<i32>} : memref<1x9x512xf32, #tpu.memory_space<vmem>>, vector<1x1x512xf32>,
    %sub3A_391 = arith.subf %broadcast_in_dim3A_375, %get3A_18 : vector<1x512xf32>
    %squeeze3A_392 = vector.shape_cast %sub3A_391 : vector<1x512xf32> to vector<512xf32>
    %swap3A_393 = arith.constant 0 : index
    %swap3A_394 = arith.constant 5 : index
    %swap3A_395 = arith.constant 0 : index
    %swap3A_396 = vector.load %arg7[%swap3A_393, %swap3A_394, %swap3A_395] : memref<1x9x512xf32, #tpu.memory_space<vmem>>, vector<1x1x512xf32>
    %swap3A_397 = vector.shape_cast %swap3A_396 : vector<1x1x512xf32> to vector<512xf32>
    %swap3A_398 = vector.shape_cast %squeeze3A_392 : vector<512xf32> to vector<1x1x512xf32>
    tpu.vector_store %arg7[%swap3A_393, %swap3A_394, %swap3A_395], %swap3A_398 {strides = array<i32>} : memref<1x9x512xf32, #tpu.memory_space<vmem>>, vector<1x1x512xf32>,
    %jit3A_399 = arith.constant 0xFF800000 : f32
    %broadcast_in_dim3A_400 = vector.broadcast %jit3A_399 : f32 to vector<4096x512xf32>
    %select_n3A_401 = arith.select %eq3A_359, %broadcast_in_dim3A_400, %get3A_346 : vector<4096x512xi1>, vector<4096x512xf32>
    %swap3A_402 = arith.constant 0 : index
    %swap3A_403 = arith.constant 0 : index
    %swap3A_404 = vector.load %arg8[%swap3A_402, %swap3A_403] : memref<4096x512xf32, #tpu.memory_space<vmem>>, vector<4096x512xf32>
    tpu.vector_store %arg8[%swap3A_402, %swap3A_403], %select_n3A_401 {strides = array<i32>} : memref<4096x512xf32, #tpu.memory_space<vmem>>, vector<4096x512xf32>,
    %get3A_405 = arith.constant 0 : index
    %get3A_406 = arith.constant 0 : index
    %get3A_407 = vector.load %arg8[%get3A_405, %get3A_406] : memref<4096x512xf32, #tpu.memory_space<vmem>>, vector<4096x512xf32>
    %reduce_max3A_408 = arith.constant dense<0xFF800000> : vector<512xf32>
    %reduce_max3A_409 = vector.multi_reduction <maximumf>, %get3A_407, %reduce_max3A_408 [0] : vector<4096x512xf32> to vector<512xf32>
    %broadcast_in_dim3A_410 = vector.shape_cast %reduce_max3A_409 : vector<512xf32> to vector<1x512xf32>
    %eq3A_411 = vector.broadcast %broadcast_in_dim3A_410 : vector<1x512xf32> to vector<4096x512xf32>
    %eq3A_412 = arith.cmpf oeq, %get3A_407, %eq3A_411 : vector<4096x512xf32>
    %jit3A_413 = arith.constant 4096 : i32
    %broadcast_in_dim3A_414 = vector.broadcast %jit3A_413 : i32 to vector<4096x512xi32>
    %select_n3A_415 = arith.select %eq3A_412, %iota3A, %broadcast_in_dim3A_414 : vector<4096x512xi1>, vector<4096x512xi32>
    %reduce_min3A_416 = arith.constant dense<2147483647> : vector<512xi32>
    %reduce_min3A_417 = vector.multi_reduction <minsi>, %select_n3A_415, %reduce_min3A_416 [0] : vector<4096x512xi32> to vector<512xi32>
    %broadcast_in_dim3A_418 = vector.shape_cast %reduce_min3A_417 : vector<512xi32> to vector<1x512xi32>
    %eq3A_419 = vector.broadcast %broadcast_in_dim3A_418 : vector<1x512xi32> to vector<4096x512xi32>
    %eq3A_420 = arith.cmpi eq, %iota3A, %eq3A_419 : vector<4096x512xi32>
    %jit3A_421 = arith.constant 0.000000e+00 : f32
    %broadcast_in_dim3A_422 = vector.shape_cast %get3A_3 : vector<4096x1xf32> to vector<4096x1xf32>
    %broadcast_in_dim3A_423 = vector.broadcast %broadcast_in_dim3A_422 : vector<4096x1xf32> to vector<4096x512xf32>
    %broadcast_in_dim3A_424 = vector.broadcast %jit3A_421 : f32 to vector<4096x512xf32>
    %select_n3A_425 = arith.select %eq3A_420, %broadcast_in_dim3A_423, %broadcast_in_dim3A_424 : vector<4096x512xi1>, vector<4096x512xf32>
    %reduce_sum3A_426 = arith.constant dense<0.000000e+00> : vector<512xf32>
    %reduce_sum3A_427 = vector.multi_reduction <add>, %select_n3A_425, %reduce_sum3A_426 [0] : vector<4096x512xf32> to vector<512xf32>
    %broadcast_in_dim3A_428 = vector.shape_cast %reduce_sum3A_427 : vector<512xf32> to vector<1x512xf32>
    %jit3A_429 = arith.constant 0.000000e+00 : f32
    %broadcast_in_dim3A_430 = vector.shape_cast %get3A_8 : vector<4096x1xf32> to vector<4096x1xf32>
    %broadcast_in_dim3A_431 = vector.broadcast %broadcast_in_dim3A_430 : vector<4096x1xf32> to vector<4096x512xf32>
    %broadcast_in_dim3A_432 = vector.broadcast %jit3A_429 : f32 to vector<4096x512xf32>
    %select_n3A_433 = arith.select %eq3A_420, %broadcast_in_dim3A_431, %broadcast_in_dim3A_432 : vector<4096x512xi1>, vector<4096x512xf32>
    %reduce_sum3A_434 = arith.constant dense<0.000000e+00> : vector<512xf32>
    %reduce_sum3A_435 = vector.multi_reduction <add>, %select_n3A_433, %reduce_sum3A_434 [0] : vector<4096x512xf32> to vector<512xf32>
    %broadcast_in_dim3A_436 = vector.shape_cast %reduce_sum3A_435 : vector<512xf32> to vector<1x512xf32>
    %squeeze3A_437 = vector.shape_cast %broadcast_in_dim3A_418 : vector<1x512xi32> to vector<512xi32>
    %swap3A_438 = arith.constant 0 : index
    %swap3A_439 = arith.constant 6 : index
    %swap3A_440 = arith.constant 0 : index
    %swap3A_441 = vector.load %arg5[%swap3A_438, %swap3A_439, %swap3A_440] : memref<1x9x512xi32, #tpu.memory_space<vmem>>, vector<1x1x512xi32>
    %swap3A_442 = vector.shape_cast %swap3A_441 : vector<1x1x512xi32> to vector<512xi32>
    %swap3A_443 = vector.shape_cast %squeeze3A_437 : vector<512xi32> to vector<1x1x512xi32>
    tpu.vector_store %arg5[%swap3A_438, %swap3A_439, %swap3A_440], %swap3A_443 {strides = array<i32>} : memref<1x9x512xi32, #tpu.memory_space<vmem>>, vector<1x1x512xi32>,
    %sub3A_444 = arith.subf %broadcast_in_dim3A_428, %get3A_13 : vector<1x512xf32>
    %squeeze3A_445 = vector.shape_cast %sub3A_444 : vector<1x512xf32> to vector<512xf32>
    %swap3A_446 = arith.constant 0 : index
    %swap3A_447 = arith.constant 6 : index
    %swap3A_448 = arith.constant 0 : index
    %swap3A_449 = vector.load %arg6[%swap3A_446, %swap3A_447, %swap3A_448] : memref<1x9x512xf32, #tpu.memory_space<vmem>>, vector<1x1x512xf32>
    %swap3A_450 = vector.shape_cast %swap3A_449 : vector<1x1x512xf32> to vector<512xf32>
    %swap3A_451 = vector.shape_cast %squeeze3A_445 : vector<512xf32> to vector<1x1x512xf32>
    tpu.vector_store %arg6[%swap3A_446, %swap3A_447, %swap3A_448], %swap3A_451 {strides = array<i32>} : memref<1x9x512xf32, #tpu.memory_space<vmem>>, vector<1x1x512xf32>,
    %sub3A_452 = arith.subf %broadcast_in_dim3A_436, %get3A_18 : vector<1x512xf32>
    %squeeze3A_453 = vector.shape_cast %sub3A_452 : vector<1x512xf32> to vector<512xf32>
    %swap3A_454 = arith.constant 0 : index
    %swap3A_455 = arith.constant 6 : index
    %swap3A_456 = arith.constant 0 : index
    %swap3A_457 = vector.load %arg7[%swap3A_454, %swap3A_455, %swap3A_456] : memref<1x9x512xf32, #tpu.memory_space<vmem>>, vector<1x1x512xf32>
    %swap3A_458 = vector.shape_cast %swap3A_457 : vector<1x1x512xf32> to vector<512xf32>
    %swap3A_459 = vector.shape_cast %squeeze3A_453 : vector<512xf32> to vector<1x1x512xf32>
    tpu.vector_store %arg7[%swap3A_454, %swap3A_455, %swap3A_456], %swap3A_459 {strides = array<i32>} : memref<1x9x512xf32, #tpu.memory_space<vmem>>, vector<1x1x512xf32>,
    %jit3A_460 = arith.constant 0xFF800000 : f32
    %broadcast_in_dim3A_461 = vector.broadcast %jit3A_460 : f32 to vector<4096x512xf32>
    %select_n3A_462 = arith.select %eq3A_420, %broadcast_in_dim3A_461, %get3A_407 : vector<4096x512xi1>, vector<4096x512xf32>
    %swap3A_463 = arith.constant 0 : index
    %swap3A_464 = arith.constant 0 : index
    %swap3A_465 = vector.load %arg8[%swap3A_463, %swap3A_464] : memref<4096x512xf32, #tpu.memory_space<vmem>>, vector<4096x512xf32>
    tpu.vector_store %arg8[%swap3A_463, %swap3A_464], %select_n3A_462 {strides = array<i32>} : memref<4096x512xf32, #tpu.memory_space<vmem>>, vector<4096x512xf32>,
    %get3A_466 = arith.constant 0 : index
    %get3A_467 = arith.constant 0 : index
    %get3A_468 = vector.load %arg8[%get3A_466, %get3A_467] : memref<4096x512xf32, #tpu.memory_space<vmem>>, vector<4096x512xf32>
    %reduce_max3A_469 = arith.constant dense<0xFF800000> : vector<512xf32>
    %reduce_max3A_470 = vector.multi_reduction <maximumf>, %get3A_468, %reduce_max3A_469 [0] : vector<4096x512xf32> to vector<512xf32>
    %broadcast_in_dim3A_471 = vector.shape_cast %reduce_max3A_470 : vector<512xf32> to vector<1x512xf32>
    %eq3A_472 = vector.broadcast %broadcast_in_dim3A_471 : vector<1x512xf32> to vector<4096x512xf32>
    %eq3A_473 = arith.cmpf oeq, %get3A_468, %eq3A_472 : vector<4096x512xf32>
    %jit3A_474 = arith.constant 4096 : i32
    %broadcast_in_dim3A_475 = vector.broadcast %jit3A_474 : i32 to vector<4096x512xi32>
    %select_n3A_476 = arith.select %eq3A_473, %iota3A, %broadcast_in_dim3A_475 : vector<4096x512xi1>, vector<4096x512xi32>
    %reduce_min3A_477 = arith.constant dense<2147483647> : vector<512xi32>
    %reduce_min3A_478 = vector.multi_reduction <minsi>, %select_n3A_476, %reduce_min3A_477 [0] : vector<4096x512xi32> to vector<512xi32>
    %broadcast_in_dim3A_479 = vector.shape_cast %reduce_min3A_478 : vector<512xi32> to vector<1x512xi32>
    %eq3A_480 = vector.broadcast %broadcast_in_dim3A_479 : vector<1x512xi32> to vector<4096x512xi32>
    %eq3A_481 = arith.cmpi eq, %iota3A, %eq3A_480 : vector<4096x512xi32>
    %jit3A_482 = arith.constant 0.000000e+00 : f32
    %broadcast_in_dim3A_483 = vector.shape_cast %get3A_3 : vector<4096x1xf32> to vector<4096x1xf32>
    %broadcast_in_dim3A_484 = vector.broadcast %broadcast_in_dim3A_483 : vector<4096x1xf32> to vector<4096x512xf32>
    %broadcast_in_dim3A_485 = vector.broadcast %jit3A_482 : f32 to vector<4096x512xf32>
    %select_n3A_486 = arith.select %eq3A_481, %broadcast_in_dim3A_484, %broadcast_in_dim3A_485 : vector<4096x512xi1>, vector<4096x512xf32>
    %reduce_sum3A_487 = arith.constant dense<0.000000e+00> : vector<512xf32>
    %reduce_sum3A_488 = vector.multi_reduction <add>, %select_n3A_486, %reduce_sum3A_487 [0] : vector<4096x512xf32> to vector<512xf32>
    %broadcast_in_dim3A_489 = vector.shape_cast %reduce_sum3A_488 : vector<512xf32> to vector<1x512xf32>
    %jit3A_490 = arith.constant 0.000000e+00 : f32
    %broadcast_in_dim3A_491 = vector.shape_cast %get3A_8 : vector<4096x1xf32> to vector<4096x1xf32>
    %broadcast_in_dim3A_492 = vector.broadcast %broadcast_in_dim3A_491 : vector<4096x1xf32> to vector<4096x512xf32>
    %broadcast_in_dim3A_493 = vector.broadcast %jit3A_490 : f32 to vector<4096x512xf32>
    %select_n3A_494 = arith.select %eq3A_481, %broadcast_in_dim3A_492, %broadcast_in_dim3A_493 : vector<4096x512xi1>, vector<4096x512xf32>
    %reduce_sum3A_495 = arith.constant dense<0.000000e+00> : vector<512xf32>
    %reduce_sum3A_496 = vector.multi_reduction <add>, %select_n3A_494, %reduce_sum3A_495 [0] : vector<4096x512xf32> to vector<512xf32>
    %broadcast_in_dim3A_497 = vector.shape_cast %reduce_sum3A_496 : vector<512xf32> to vector<1x512xf32>
    %squeeze3A_498 = vector.shape_cast %broadcast_in_dim3A_479 : vector<1x512xi32> to vector<512xi32>
    %swap3A_499 = arith.constant 0 : index
    %swap3A_500 = arith.constant 7 : index
    %swap3A_501 = arith.constant 0 : index
    %swap3A_502 = vector.load %arg5[%swap3A_499, %swap3A_500, %swap3A_501] : memref<1x9x512xi32, #tpu.memory_space<vmem>>, vector<1x1x512xi32>
    %swap3A_503 = vector.shape_cast %swap3A_502 : vector<1x1x512xi32> to vector<512xi32>
    %swap3A_504 = vector.shape_cast %squeeze3A_498 : vector<512xi32> to vector<1x1x512xi32>
    tpu.vector_store %arg5[%swap3A_499, %swap3A_500, %swap3A_501], %swap3A_504 {strides = array<i32>} : memref<1x9x512xi32, #tpu.memory_space<vmem>>, vector<1x1x512xi32>,
    %sub3A_505 = arith.subf %broadcast_in_dim3A_489, %get3A_13 : vector<1x512xf32>
    %squeeze3A_506 = vector.shape_cast %sub3A_505 : vector<1x512xf32> to vector<512xf32>
    %swap3A_507 = arith.constant 0 : index
    %swap3A_508 = arith.constant 7 : index
    %swap3A_509 = arith.constant 0 : index
    %swap3A_510 = vector.load %arg6[%swap3A_507, %swap3A_508, %swap3A_509] : memref<1x9x512xf32, #tpu.memory_space<vmem>>, vector<1x1x512xf32>
    %swap3A_511 = vector.shape_cast %swap3A_510 : vector<1x1x512xf32> to vector<512xf32>
    %swap3A_512 = vector.shape_cast %squeeze3A_506 : vector<512xf32> to vector<1x1x512xf32>
    tpu.vector_store %arg6[%swap3A_507, %swap3A_508, %swap3A_509], %swap3A_512 {strides = array<i32>} : memref<1x9x512xf32, #tpu.memory_space<vmem>>, vector<1x1x512xf32>,
    %sub3A_513 = arith.subf %broadcast_in_dim3A_497, %get3A_18 : vector<1x512xf32>
    %squeeze3A_514 = vector.shape_cast %sub3A_513 : vector<1x512xf32> to vector<512xf32>
    %swap3A_515 = arith.constant 0 : index
    %swap3A_516 = arith.constant 7 : index
    %swap3A_517 = arith.constant 0 : index
    %swap3A_518 = vector.load %arg7[%swap3A_515, %swap3A_516, %swap3A_517] : memref<1x9x512xf32, #tpu.memory_space<vmem>>, vector<1x1x512xf32>
    %swap3A_519 = vector.shape_cast %swap3A_518 : vector<1x1x512xf32> to vector<512xf32>
    %swap3A_520 = vector.shape_cast %squeeze3A_514 : vector<512xf32> to vector<1x1x512xf32>
    tpu.vector_store %arg7[%swap3A_515, %swap3A_516, %swap3A_517], %swap3A_520 {strides = array<i32>} : memref<1x9x512xf32, #tpu.memory_space<vmem>>, vector<1x1x512xf32>,
    %jit3A_521 = arith.constant 0xFF800000 : f32
    %broadcast_in_dim3A_522 = vector.broadcast %jit3A_521 : f32 to vector<4096x512xf32>
    %select_n3A_523 = arith.select %eq3A_481, %broadcast_in_dim3A_522, %get3A_468 : vector<4096x512xi1>, vector<4096x512xf32>
    %swap3A_524 = arith.constant 0 : index
    %swap3A_525 = arith.constant 0 : index
    %swap3A_526 = vector.load %arg8[%swap3A_524, %swap3A_525] : memref<4096x512xf32, #tpu.memory_space<vmem>>, vector<4096x512xf32>
    tpu.vector_store %arg8[%swap3A_524, %swap3A_525], %select_n3A_523 {strides = array<i32>} : memref<4096x512xf32, #tpu.memory_space<vmem>>, vector<4096x512xf32>,
    %get3A_527 = arith.constant 0 : index
    %get3A_528 = arith.constant 0 : index
    %get3A_529 = vector.load %arg8[%get3A_527, %get3A_528] : memref<4096x512xf32, #tpu.memory_space<vmem>>, vector<4096x512xf32>
    %reduce_max3A_530 = arith.constant dense<0xFF800000> : vector<512xf32>
    %reduce_max3A_531 = vector.multi_reduction <maximumf>, %get3A_529, %reduce_max3A_530 [0] : vector<4096x512xf32> to vector<512xf32>
    %broadcast_in_dim3A_532 = vector.shape_cast %reduce_max3A_531 : vector<512xf32> to vector<1x512xf32>
    %eq3A_533 = vector.broadcast %broadcast_in_dim3A_532 : vector<1x512xf32> to vector<4096x512xf32>
    %eq3A_534 = arith.cmpf oeq, %get3A_529, %eq3A_533 : vector<4096x512xf32>
    %jit3A_535 = arith.constant 4096 : i32
    %broadcast_in_dim3A_536 = vector.broadcast %jit3A_535 : i32 to vector<4096x512xi32>
    %select_n3A_537 = arith.select %eq3A_534, %iota3A, %broadcast_in_dim3A_536 : vector<4096x512xi1>, vector<4096x512xi32>
    %reduce_min3A_538 = arith.constant dense<2147483647> : vector<512xi32>
    %reduce_min3A_539 = vector.multi_reduction <minsi>, %select_n3A_537, %reduce_min3A_538 [0] : vector<4096x512xi32> to vector<512xi32>
    %broadcast_in_dim3A_540 = vector.shape_cast %reduce_min3A_539 : vector<512xi32> to vector<1x512xi32>
    %eq3A_541 = vector.broadcast %broadcast_in_dim3A_540 : vector<1x512xi32> to vector<4096x512xi32>
    %eq3A_542 = arith.cmpi eq, %iota3A, %eq3A_541 : vector<4096x512xi32>
    %jit3A_543 = arith.constant 0.000000e+00 : f32
    %broadcast_in_dim3A_544 = vector.shape_cast %get3A_3 : vector<4096x1xf32> to vector<4096x1xf32>
    %broadcast_in_dim3A_545 = vector.broadcast %broadcast_in_dim3A_544 : vector<4096x1xf32> to vector<4096x512xf32>
    %broadcast_in_dim3A_546 = vector.broadcast %jit3A_543 : f32 to vector<4096x512xf32>
    %select_n3A_547 = arith.select %eq3A_542, %broadcast_in_dim3A_545, %broadcast_in_dim3A_546 : vector<4096x512xi1>, vector<4096x512xf32>
    %reduce_sum3A_548 = arith.constant dense<0.000000e+00> : vector<512xf32>
    %reduce_sum3A_549 = vector.multi_reduction <add>, %select_n3A_547, %reduce_sum3A_548 [0] : vector<4096x512xf32> to vector<512xf32>
    %broadcast_in_dim3A_550 = vector.shape_cast %reduce_sum3A_549 : vector<512xf32> to vector<1x512xf32>
    %jit3A_551 = arith.constant 0.000000e+00 : f32
    %broadcast_in_dim3A_552 = vector.shape_cast %get3A_8 : vector<4096x1xf32> to vector<4096x1xf32>
    %broadcast_in_dim3A_553 = vector.broadcast %broadcast_in_dim3A_552 : vector<4096x1xf32> to vector<4096x512xf32>
    %broadcast_in_dim3A_554 = vector.broadcast %jit3A_551 : f32 to vector<4096x512xf32>
    %select_n3A_555 = arith.select %eq3A_542, %broadcast_in_dim3A_553, %broadcast_in_dim3A_554 : vector<4096x512xi1>, vector<4096x512xf32>
    %reduce_sum3A_556 = arith.constant dense<0.000000e+00> : vector<512xf32>
    %reduce_sum3A_557 = vector.multi_reduction <add>, %select_n3A_555, %reduce_sum3A_556 [0] : vector<4096x512xf32> to vector<512xf32>
    %broadcast_in_dim3A_558 = vector.shape_cast %reduce_sum3A_557 : vector<512xf32> to vector<1x512xf32>
    %squeeze3A_559 = vector.shape_cast %broadcast_in_dim3A_540 : vector<1x512xi32> to vector<512xi32>
    %swap3A_560 = arith.constant 0 : index
    %swap3A_561 = arith.constant 8 : index
    %swap3A_562 = arith.constant 0 : index
    %swap3A_563 = vector.load %arg5[%swap3A_560, %swap3A_561, %swap3A_562] : memref<1x9x512xi32, #tpu.memory_space<vmem>>, vector<1x1x512xi32>
    %swap3A_564 = vector.shape_cast %swap3A_563 : vector<1x1x512xi32> to vector<512xi32>
    %swap3A_565 = vector.shape_cast %squeeze3A_559 : vector<512xi32> to vector<1x1x512xi32>
    tpu.vector_store %arg5[%swap3A_560, %swap3A_561, %swap3A_562], %swap3A_565 {strides = array<i32>} : memref<1x9x512xi32, #tpu.memory_space<vmem>>, vector<1x1x512xi32>,
    %sub3A_566 = arith.subf %broadcast_in_dim3A_550, %get3A_13 : vector<1x512xf32>
    %squeeze3A_567 = vector.shape_cast %sub3A_566 : vector<1x512xf32> to vector<512xf32>
    %swap3A_568 = arith.constant 0 : index
    %swap3A_569 = arith.constant 8 : index
    %swap3A_570 = arith.constant 0 : index
    %swap3A_571 = vector.load %arg6[%swap3A_568, %swap3A_569, %swap3A_570] : memref<1x9x512xf32, #tpu.memory_space<vmem>>, vector<1x1x512xf32>
    %swap3A_572 = vector.shape_cast %swap3A_571 : vector<1x1x512xf32> to vector<512xf32>
    %swap3A_573 = vector.shape_cast %squeeze3A_567 : vector<512xf32> to vector<1x1x512xf32>
    tpu.vector_store %arg6[%swap3A_568, %swap3A_569, %swap3A_570], %swap3A_573 {strides = array<i32>} : memref<1x9x512xf32, #tpu.memory_space<vmem>>, vector<1x1x512xf32>,
    %sub3A_574 = arith.subf %broadcast_in_dim3A_558, %get3A_18 : vector<1x512xf32>
    %squeeze3A_575 = vector.shape_cast %sub3A_574 : vector<1x512xf32> to vector<512xf32>
    %swap3A_576 = arith.constant 0 : index
    %swap3A_577 = arith.constant 8 : index
    %swap3A_578 = arith.constant 0 : index
    %swap3A_579 = vector.load %arg7[%swap3A_576, %swap3A_577, %swap3A_578] : memref<1x9x512xf32, #tpu.memory_space<vmem>>, vector<1x1x512xf32>
    %swap3A_580 = vector.shape_cast %swap3A_579 : vector<1x1x512xf32> to vector<512xf32>
    %swap3A_581 = vector.shape_cast %squeeze3A_575 : vector<512xf32> to vector<1x1x512xf32>
    tpu.vector_store %arg7[%swap3A_576, %swap3A_577, %swap3A_578], %swap3A_581 {strides = array<i32>} : memref<1x9x512xf32, #tpu.memory_space<vmem>>, vector<1x1x512xf32>,
    %jit3A_582 = arith.constant 0xFF800000 : f32
    %broadcast_in_dim3A_583 = vector.broadcast %jit3A_582 : f32 to vector<4096x512xf32>
    %select_n3A_584 = arith.select %eq3A_542, %broadcast_in_dim3A_583, %get3A_529 : vector<4096x512xi1>, vector<4096x512xf32>
    %swap3A_585 = arith.constant 0 : index
    %swap3A_586 = arith.constant 0 : index
    %swap3A_587 = vector.load %arg8[%swap3A_585, %swap3A_586] : memref<4096x512xf32, #tpu.memory_space<vmem>>, vector<4096x512xf32>
    tpu.vector_store %arg8[%swap3A_585, %swap3A_586], %select_n3A_584 {strides = array<i32>} : memref<4096x512xf32, #tpu.memory_space<vmem>>, vector<4096x512xf32>,
    return
  }
  func.func @transform_0(%arg0: i32) -> (i32, i32, i32) {
    %c0_i32 = arith.constant 0 : i32
    %c0_i32_0 = arith.constant 0 : i32
    %c0_i32_1 = arith.constant 0 : i32
    return %arg0, %c0_i32, %c0_i32_0 : i32, i32, i32
  }
  func.func @transform_1(%arg0: i32) -> (i32, i32, i32) {
    %c0_i32 = arith.constant 0 : i32
    %c0_i32_0 = arith.constant 0 : i32
    %c0_i32_1 = arith.constant 0 : i32
    return %arg0, %c0_i32, %c0_i32_0 : i32, i32, i32
  }
  func.func @transform_2(%arg0: i32) -> (i32, i32, i32) {
    %c0_i32 = arith.constant 0 : i32
    %c0_i32_0 = arith.constant 0 : i32
    %c0_i32_1 = arith.constant 0 : i32
    return %arg0, %c0_i32, %c0_i32_0 : i32, i32, i32
  }
  func.func @transform_3(%arg0: i32) -> (i32, i32, i32) {
    %c0_i32 = arith.constant 0 : i32
    %c0_i32_0 = arith.constant 0 : i32
    %c0_i32_1 = arith.constant 0 : i32
    return %arg0, %c0_i32, %c0_i32_0 : i32, i32, i32
  }
  func.func @transform_4(%arg0: i32) -> (i32, i32, i32) {
    %c0_i32 = arith.constant 0 : i32
    %c0_i32_0 = arith.constant 0 : i32
    %c0_i32_1 = arith.constant 0 : i32
    return %arg0, %c0_i32, %c0_i32_0 : i32, i32, i32
  }
  func.func @transform_5(%arg0: i32) -> (i32, i32, i32) {
    %c0_i32 = arith.constant 0 : i32
    %c0_i32_0 = arith.constant 0 : i32
    %c0_i32_1 = arith.constant 0 : i32
    return %arg0, %c0_i32, %c0_i32_0 : i32, i32, i32
  }
  func.func @transform_6(%arg0: i32) -> (i32, i32, i32) {
    %c0_i32 = arith.constant 0 : i32
    %c0_i32_0 = arith.constant 0 : i32
    %c0_i32_1 = arith.constant 0 : i32
    return %arg0, %c0_i32, %c0_i32_0 : i32, i32, i32
  }
}

module attributes {stable_mosaic.version = 14 : i64} {
  func.func @_dense_body(%arg0: i32, %arg1: i32, %arg2: i32, %arg3: memref<9x256x256xf32, #tpu.memory_space<vmem>>, %arg4: memref<1x9x256x1xf32, #tpu.memory_space<vmem>>, %arg5: memref<1x9x256x1xf32, #tpu.memory_space<vmem>>, %arg6: memref<256x2560xbf16, #tpu.memory_space<vmem>>, %arg7: memref<2x2560xf32, #tpu.memory_space<vmem>>, %arg8: memref<2x64xf32, #tpu.memory_space<vmem>>, %arg9: memref<4608x72xbf16, #tpu.memory_space<vmem>>, %arg10: memref<72x8xbf16, #tpu.memory_space<vmem>>, %arg11: memref<8x72xbf16, #tpu.memory_space<vmem>>, %arg12: memref<9x72x512xbf16, #tpu.memory_space<vmem>>, %arg13: memref<512x256xbf16, #tpu.memory_space<vmem>>, %arg14: memref<1x256xf32, #tpu.memory_space<vmem>>, %arg15: memref<1x1x256x256xf32, #tpu.memory_space<vmem>>) attributes {dimension_semantics = [#tpu.dimension_semantics<arbitrary>, #tpu.dimension_semantics<arbitrary>, #tpu.dimension_semantics<arbitrary>], iteration_bounds = array<i64: 2, 4, 2>, scalar_prefetch = 0 : i64, scratch_operands = 0 : i64, tpu.core_type = #tpu.core_type<tc>, window_params = [{transform_indices = @transform_0, window_bounds = array<i64: 9, 256, 256>}, {transform_indices = @transform_1, window_bounds = array<i64: 1, 9, 256, 1>}, {transform_indices = @transform_2, window_bounds = array<i64: 1, 9, 256, 1>}, {pipeline_mode = #tpu.pipeline_mode<synchronous>, transform_indices = @transform_3, window_bounds = array<i64: 256, 2560>}, {pipeline_mode = #tpu.pipeline_mode<synchronous>, transform_indices = @transform_4, window_bounds = array<i64: 2, 2560>}, {pipeline_mode = #tpu.pipeline_mode<synchronous>, transform_indices = @transform_5, window_bounds = array<i64: 2, 64>}, {pipeline_mode = #tpu.pipeline_mode<synchronous>, transform_indices = @transform_6, window_bounds = array<i64: 4608, 72>}, {pipeline_mode = #tpu.pipeline_mode<synchronous>, transform_indices = @transform_7, window_bounds = array<i64: 72, 8>}, {pipeline_mode = #tpu.pipeline_mode<synchronous>, transform_indices = @transform_8, window_bounds = array<i64: 8, 72>}, {pipeline_mode = #tpu.pipeline_mode<synchronous>, transform_indices = @transform_9, window_bounds = array<i64: 9, 72, 512>}, {pipeline_mode = #tpu.pipeline_mode<synchronous>, transform_indices = @transform_10, window_bounds = array<i64: 512, 256>}, {pipeline_mode = #tpu.pipeline_mode<synchronous>, transform_indices = @transform_11, window_bounds = array<i64: 1, 256>}, {transform_indices = @transform_12, window_bounds = array<i64: 1, 1, 256, 256>}]} {
    %get3A = arith.constant 0 : index
    %get3A_0 = arith.constant 0 : index
    %get3A_1 = arith.constant 0 : index
    %get3A_2 = arith.constant 0 : index
    %get3A_3 = vector.load %arg4[%get3A, %get3A_0, %get3A_1, %get3A_2] : memref<1x9x256x1xf32, #tpu.memory_space<vmem>>, vector<1x9x256x1xf32>
    %get3A_4 = vector.shape_cast %get3A_3 : vector<1x9x256x1xf32> to vector<9x256x1xf32>
    %reshape3A = vector.shape_cast %get3A_4 : vector<9x256x1xf32> to vector<2304x1xf32>
    %get3A_5 = arith.constant 0 : index
    %get3A_6 = arith.constant 0 : index
    %get3A_7 = arith.constant 0 : index
    %get3A_8 = arith.constant 0 : index
    %get3A_9 = vector.load %arg5[%get3A_5, %get3A_6, %get3A_7, %get3A_8] : memref<1x9x256x1xf32, #tpu.memory_space<vmem>>, vector<1x9x256x1xf32>
    %get3A_10 = vector.shape_cast %get3A_9 : vector<1x9x256x1xf32> to vector<9x256x1xf32>
    %reshape3A_11 = vector.shape_cast %get3A_10 : vector<9x256x1xf32> to vector<2304x1xf32>
    %get3A_12 = arith.constant 0 : index
    %get3A_13 = arith.constant 0 : index
    %get3A_14 = vector.load %arg8[%get3A_12, %get3A_13] : memref<2x64xf32, #tpu.memory_space<vmem>>, vector<1x64xf32>
    %get3A_15 = arith.constant 1 : index
    %get3A_16 = arith.constant 0 : index
    %get3A_17 = vector.load %arg8[%get3A_15, %get3A_16] : memref<2x64xf32, #tpu.memory_space<vmem>>, vector<1x64xf32>
    %get3A_18 = arith.constant 0 : index
    %get3A_19 = arith.constant 0 : index
    %get3A_20 = vector.load %arg7[%get3A_18, %get3A_19] : memref<2x2560xf32, #tpu.memory_space<vmem>>, vector<1x2560xf32>
    %get3A_21 = arith.constant 1 : index
    %get3A_22 = arith.constant 0 : index
    %get3A_23 = vector.load %arg7[%get3A_21, %get3A_22] : memref<2x2560xf32, #tpu.memory_space<vmem>>, vector<1x2560xf32>
    %get3A_24 = arith.constant 0 : index
    %get3A_25 = arith.constant 0 : index
    %get3A_26 = arith.constant 0 : index
    %get3A_27 = vector.load %arg3[%get3A_24, %get3A_25, %get3A_26] : memref<9x256x256xf32, #tpu.memory_space<vmem>>, vector<9x256x256xf32>
    %reshape3A_28 = vector.shape_cast %get3A_27 : vector<9x256x256xf32> to vector<2304x256xf32>
    %convert_element_type3A = arith.truncf %reshape3A_28 : vector<2304x256xf32> to vector<2304x256xbf16>
    %get3A_29 = arith.constant 0 : index
    %get3A_30 = arith.constant 0 : index
    %get3A_31 = vector.load %arg6[%get3A_29, %get3A_30] : memref<256x2560xbf16, #tpu.memory_space<vmem>>, vector<256x2560xbf16>
    %dot_general3A = arith.constant dense<0.000000e+00> : vector<2304x2560xf32>
    %dot_general3A_32 = tpu.matmul %convert_element_type3A, %get3A_31, %dot_general3A {dimension_numbers = #tpu.dot_dimension_numbers<[1], [0], [0], [1], [0, 0, 1, 1], [], []>, transpose_lhs_hint = false} : vector<2304x256xbf16>, vector<256x2560xbf16>, vector<2304x2560xf32> -> vector<2304x2560xf32>
    %mul3A = vector.broadcast %reshape3A : vector<2304x1xf32> to vector<2304x2560xf32>
    %mul3A_33 = vector.broadcast %get3A_20 : vector<1x2560xf32> to vector<2304x2560xf32>
    %mul3A_34 = arith.mulf %mul3A, %mul3A_33 : vector<2304x2560xf32>
    %add3A = arith.addf %dot_general3A_32, %mul3A_34 : vector<2304x2560xf32>
    %mul3A_35 = vector.broadcast %reshape3A_11 : vector<2304x1xf32> to vector<2304x2560xf32>
    %mul3A_36 = vector.broadcast %get3A_23 : vector<1x2560xf32> to vector<2304x2560xf32>
    %mul3A_37 = arith.mulf %mul3A_35, %mul3A_36 : vector<2304x2560xf32>
    %add3A_38 = arith.addf %add3A, %mul3A_37 : vector<2304x2560xf32>
    %mul3A_39 = vector.broadcast %reshape3A : vector<2304x1xf32> to vector<2304x64xf32>
    %mul3A_40 = vector.broadcast %get3A_14 : vector<1x64xf32> to vector<2304x64xf32>
    %mul3A_41 = arith.mulf %mul3A_39, %mul3A_40 : vector<2304x64xf32>
    %mul3A_42 = vector.broadcast %reshape3A_11 : vector<2304x1xf32> to vector<2304x64xf32>
    %mul3A_43 = vector.broadcast %get3A_17 : vector<1x64xf32> to vector<2304x64xf32>
    %mul3A_44 = arith.mulf %mul3A_42, %mul3A_43 : vector<2304x64xf32>
    %add3A_45 = arith.addf %mul3A_41, %mul3A_44 : vector<2304x64xf32>
    %cos3A = math.cos %add3A_45 : vector<2304x64xf32>
    %sin3A = math.sin %add3A_45 : vector<2304x64xf32>
    %concatenate3A = tpu.concatenate %cos3A, %cos3A, %cos3A, %cos3A, %cos3A, %cos3A, %cos3A, %cos3A in 1 : vector<2304x64xf32>, vector<2304x64xf32>, vector<2304x64xf32>, vector<2304x64xf32>, vector<2304x64xf32>, vector<2304x64xf32>, vector<2304x64xf32>, vector<2304x64xf32> -> vector<2304x512xf32>
    %concatenate3A_46 = tpu.concatenate %sin3A, %sin3A, %sin3A, %sin3A, %sin3A, %sin3A, %sin3A, %sin3A in 1 : vector<2304x64xf32>, vector<2304x64xf32>, vector<2304x64xf32>, vector<2304x64xf32>, vector<2304x64xf32>, vector<2304x64xf32>, vector<2304x64xf32>, vector<2304x64xf32> -> vector<2304x512xf32>
    %slice3A = vector.extract_strided_slice %add3A_38 {offsets = [0, 0], sizes = [2304, 512], strides = [1, 1]} : vector<2304x2560xf32> to vector<2304x512xf32>
    %slice3A_47 = vector.extract_strided_slice %add3A_38 {offsets = [0, 512], sizes = [2304, 512], strides = [1, 1]} : vector<2304x2560xf32> to vector<2304x512xf32>
    %slice3A_48 = vector.extract_strided_slice %add3A_38 {offsets = [0, 1024], sizes = [2304, 512], strides = [1, 1]} : vector<2304x2560xf32> to vector<2304x512xf32>
    %slice3A_49 = vector.extract_strided_slice %add3A_38 {offsets = [0, 1536], sizes = [2304, 512], strides = [1, 1]} : vector<2304x2560xf32> to vector<2304x512xf32>
    %mul3A_50 = arith.mulf %slice3A, %concatenate3A : vector<2304x512xf32>
    %mul3A_51 = arith.mulf %slice3A_47, %concatenate3A_46 : vector<2304x512xf32>
    %add3A_52 = arith.addf %mul3A_50, %mul3A_51 : vector<2304x512xf32>
    %mul3A_53 = arith.constant 3.200000e+01 : f32
    %mul3A_54 = vector.broadcast %mul3A_53 : f32 to vector<2304x512xf32>
    %mul3A_55 = arith.mulf %add3A_52, %mul3A_54 : vector<2304x512xf32>
    %convert_element_type3A_56 = arith.truncf %mul3A_55 : vector<2304x512xf32> to vector<2304x512xbf16>
    %mul3A_57 = arith.mulf %slice3A_48, %concatenate3A : vector<2304x512xf32>
    %mul3A_58 = arith.mulf %slice3A_49, %concatenate3A_46 : vector<2304x512xf32>
    %add3A_59 = arith.addf %mul3A_57, %mul3A_58 : vector<2304x512xf32>
    %convert_element_type3A_60 = arith.truncf %add3A_59 : vector<2304x512xf32> to vector<2304x512xbf16>
    %slice3A_61 = vector.extract_strided_slice %convert_element_type3A_60 {offsets = [0, 0], sizes = [256, 512], strides = [1, 1]} : vector<2304x512xbf16> to vector<256x512xbf16>
    %slice3A_62 = vector.extract_strided_slice %convert_element_type3A_60 {offsets = [256, 0], sizes = [256, 512], strides = [1, 1]} : vector<2304x512xbf16> to vector<256x512xbf16>
    %slice3A_63 = vector.extract_strided_slice %convert_element_type3A_60 {offsets = [512, 0], sizes = [256, 512], strides = [1, 1]} : vector<2304x512xbf16> to vector<256x512xbf16>
    %slice3A_64 = vector.extract_strided_slice %convert_element_type3A_60 {offsets = [768, 0], sizes = [256, 512], strides = [1, 1]} : vector<2304x512xbf16> to vector<256x512xbf16>
    %slice3A_65 = vector.extract_strided_slice %convert_element_type3A_60 {offsets = [1024, 0], sizes = [256, 512], strides = [1, 1]} : vector<2304x512xbf16> to vector<256x512xbf16>
    %slice3A_66 = vector.extract_strided_slice %convert_element_type3A_60 {offsets = [1280, 0], sizes = [256, 512], strides = [1, 1]} : vector<2304x512xbf16> to vector<256x512xbf16>
    %slice3A_67 = vector.extract_strided_slice %convert_element_type3A_60 {offsets = [1536, 0], sizes = [256, 512], strides = [1, 1]} : vector<2304x512xbf16> to vector<256x512xbf16>
    %slice3A_68 = vector.extract_strided_slice %convert_element_type3A_60 {offsets = [1792, 0], sizes = [256, 512], strides = [1, 1]} : vector<2304x512xbf16> to vector<256x512xbf16>
    %slice3A_69 = vector.extract_strided_slice %convert_element_type3A_60 {offsets = [2048, 0], sizes = [256, 512], strides = [1, 1]} : vector<2304x512xbf16> to vector<256x512xbf16>
    %concatenate3A_70 = tpu.concatenate %slice3A_61, %slice3A_62, %slice3A_63, %slice3A_64, %slice3A_65, %slice3A_66, %slice3A_67, %slice3A_68, %slice3A_69 in 1 : vector<256x512xbf16>, vector<256x512xbf16>, vector<256x512xbf16>, vector<256x512xbf16>, vector<256x512xbf16>, vector<256x512xbf16>, vector<256x512xbf16>, vector<256x512xbf16>, vector<256x512xbf16> -> vector<256x4608xbf16>
    %broadcast_in_dim3A = arith.constant 0.000000e+00 : f32
    %broadcast_in_dim3A_71 = vector.broadcast %broadcast_in_dim3A : f32 to vector<256x72xf32>
    %slice3A_72 = vector.extract_strided_slice %convert_element_type3A_56 {offsets = [0, 0], sizes = [256, 512], strides = [1, 1]} : vector<2304x512xbf16> to vector<256x512xbf16>
    %concatenate3A_73 = tpu.concatenate %slice3A_72, %slice3A_72, %slice3A_72, %slice3A_72, %slice3A_72, %slice3A_72, %slice3A_72, %slice3A_72, %slice3A_72 in 1 : vector<256x512xbf16>, vector<256x512xbf16>, vector<256x512xbf16>, vector<256x512xbf16>, vector<256x512xbf16>, vector<256x512xbf16>, vector<256x512xbf16>, vector<256x512xbf16>, vector<256x512xbf16> -> vector<256x4608xbf16>
    %mul3A_74 = arith.mulf %concatenate3A_73, %concatenate3A_70 : vector<256x4608xbf16>
    %get3A_75 = arith.constant 0 : index
    %get3A_76 = arith.constant 0 : index
    %get3A_77 = vector.load %arg9[%get3A_75, %get3A_76] : memref<4608x72xbf16, #tpu.memory_space<vmem>>, vector<4608x72xbf16>
    %dot_general3A_78 = arith.constant dense<0.000000e+00> : vector<256x72xf32>
    %dot_general3A_79 = tpu.matmul %mul3A_74, %get3A_77, %dot_general3A_78 {dimension_numbers = #tpu.dot_dimension_numbers<[1], [0], [0], [1], [0, 0, 1, 1], [], []>, transpose_lhs_hint = false} : vector<256x4608xbf16>, vector<4608x72xbf16>, vector<256x72xf32> -> vector<256x72xf32>
    %exp3A = math.exp %dot_general3A_79 : vector<256x72xf32>
    %slice3A_80 = vector.extract_strided_slice %exp3A {offsets = [0, 0], sizes = [256, 8], strides = [1, 1]} : vector<256x72xf32> to vector<256x8xf32>
    %slice3A_81 = vector.extract_strided_slice %exp3A {offsets = [0, 8], sizes = [256, 8], strides = [1, 1]} : vector<256x72xf32> to vector<256x8xf32>
    %add3A_82 = arith.addf %slice3A_80, %slice3A_81 : vector<256x8xf32>
    %slice3A_83 = vector.extract_strided_slice %exp3A {offsets = [0, 16], sizes = [256, 8], strides = [1, 1]} : vector<256x72xf32> to vector<256x8xf32>
    %add3A_84 = arith.addf %add3A_82, %slice3A_83 : vector<256x8xf32>
    %slice3A_85 = vector.extract_strided_slice %exp3A {offsets = [0, 24], sizes = [256, 8], strides = [1, 1]} : vector<256x72xf32> to vector<256x8xf32>
    %add3A_86 = arith.addf %add3A_84, %slice3A_85 : vector<256x8xf32>
    %slice3A_87 = vector.extract_strided_slice %exp3A {offsets = [0, 32], sizes = [256, 8], strides = [1, 1]} : vector<256x72xf32> to vector<256x8xf32>
    %add3A_88 = arith.addf %add3A_86, %slice3A_87 : vector<256x8xf32>
    %slice3A_89 = vector.extract_strided_slice %exp3A {offsets = [0, 40], sizes = [256, 8], strides = [1, 1]} : vector<256x72xf32> to vector<256x8xf32>
    %add3A_90 = arith.addf %add3A_88, %slice3A_89 : vector<256x8xf32>
    %slice3A_91 = vector.extract_strided_slice %exp3A {offsets = [0, 48], sizes = [256, 8], strides = [1, 1]} : vector<256x72xf32> to vector<256x8xf32>
    %add3A_92 = arith.addf %add3A_90, %slice3A_91 : vector<256x8xf32>
    %slice3A_93 = vector.extract_strided_slice %exp3A {offsets = [0, 56], sizes = [256, 8], strides = [1, 1]} : vector<256x72xf32> to vector<256x8xf32>
    %add3A_94 = arith.addf %add3A_92, %slice3A_93 : vector<256x8xf32>
    %slice3A_95 = vector.extract_strided_slice %exp3A {offsets = [0, 64], sizes = [256, 8], strides = [1, 1]} : vector<256x72xf32> to vector<256x8xf32>
    %add3A_96 = arith.addf %add3A_94, %slice3A_95 : vector<256x8xf32>
    %div3A = arith.constant 1.000000e+00 : f32
    %div3A_97 = vector.broadcast %div3A : f32 to vector<256x8xf32>
    %div3A_98 = arith.divf %div3A_97, %add3A_96 : vector<256x8xf32>
    %concatenate3A_99 = tpu.concatenate %div3A_98, %div3A_98, %div3A_98, %div3A_98, %div3A_98, %div3A_98, %div3A_98, %div3A_98, %div3A_98 in 1 : vector<256x8xf32>, vector<256x8xf32>, vector<256x8xf32>, vector<256x8xf32>, vector<256x8xf32>, vector<256x8xf32>, vector<256x8xf32>, vector<256x8xf32>, vector<256x8xf32> -> vector<256x72xf32>
    %mul3A_100 = arith.mulf %exp3A, %concatenate3A_99 : vector<256x72xf32>
    %add3A_101 = arith.addf %broadcast_in_dim3A_71, %mul3A_100 : vector<256x72xf32>
    %slice3A_102 = vector.extract_strided_slice %convert_element_type3A_56 {offsets = [256, 0], sizes = [256, 512], strides = [1, 1]} : vector<2304x512xbf16> to vector<256x512xbf16>
    %concatenate3A_103 = tpu.concatenate %slice3A_102, %slice3A_102, %slice3A_102, %slice3A_102, %slice3A_102, %slice3A_102, %slice3A_102, %slice3A_102, %slice3A_102 in 1 : vector<256x512xbf16>, vector<256x512xbf16>, vector<256x512xbf16>, vector<256x512xbf16>, vector<256x512xbf16>, vector<256x512xbf16>, vector<256x512xbf16>, vector<256x512xbf16>, vector<256x512xbf16> -> vector<256x4608xbf16>
    %mul3A_104 = arith.mulf %concatenate3A_103, %concatenate3A_70 : vector<256x4608xbf16>
    %get3A_105 = arith.constant 0 : index
    %get3A_106 = arith.constant 0 : index
    %get3A_107 = vector.load %arg9[%get3A_105, %get3A_106] : memref<4608x72xbf16, #tpu.memory_space<vmem>>, vector<4608x72xbf16>
    %dot_general3A_108 = arith.constant dense<0.000000e+00> : vector<256x72xf32>
    %dot_general3A_109 = tpu.matmul %mul3A_104, %get3A_107, %dot_general3A_108 {dimension_numbers = #tpu.dot_dimension_numbers<[1], [0], [0], [1], [0, 0, 1, 1], [], []>, transpose_lhs_hint = false} : vector<256x4608xbf16>, vector<4608x72xbf16>, vector<256x72xf32> -> vector<256x72xf32>
    %exp3A_110 = math.exp %dot_general3A_109 : vector<256x72xf32>
    %slice3A_111 = vector.extract_strided_slice %exp3A_110 {offsets = [0, 0], sizes = [256, 8], strides = [1, 1]} : vector<256x72xf32> to vector<256x8xf32>
    %slice3A_112 = vector.extract_strided_slice %exp3A_110 {offsets = [0, 8], sizes = [256, 8], strides = [1, 1]} : vector<256x72xf32> to vector<256x8xf32>
    %add3A_113 = arith.addf %slice3A_111, %slice3A_112 : vector<256x8xf32>
    %slice3A_114 = vector.extract_strided_slice %exp3A_110 {offsets = [0, 16], sizes = [256, 8], strides = [1, 1]} : vector<256x72xf32> to vector<256x8xf32>
    %add3A_115 = arith.addf %add3A_113, %slice3A_114 : vector<256x8xf32>
    %slice3A_116 = vector.extract_strided_slice %exp3A_110 {offsets = [0, 24], sizes = [256, 8], strides = [1, 1]} : vector<256x72xf32> to vector<256x8xf32>
    %add3A_117 = arith.addf %add3A_115, %slice3A_116 : vector<256x8xf32>
    %slice3A_118 = vector.extract_strided_slice %exp3A_110 {offsets = [0, 32], sizes = [256, 8], strides = [1, 1]} : vector<256x72xf32> to vector<256x8xf32>
    %add3A_119 = arith.addf %add3A_117, %slice3A_118 : vector<256x8xf32>
    %slice3A_120 = vector.extract_strided_slice %exp3A_110 {offsets = [0, 40], sizes = [256, 8], strides = [1, 1]} : vector<256x72xf32> to vector<256x8xf32>
    %add3A_121 = arith.addf %add3A_119, %slice3A_120 : vector<256x8xf32>
    %slice3A_122 = vector.extract_strided_slice %exp3A_110 {offsets = [0, 48], sizes = [256, 8], strides = [1, 1]} : vector<256x72xf32> to vector<256x8xf32>
    %add3A_123 = arith.addf %add3A_121, %slice3A_122 : vector<256x8xf32>
    %slice3A_124 = vector.extract_strided_slice %exp3A_110 {offsets = [0, 56], sizes = [256, 8], strides = [1, 1]} : vector<256x72xf32> to vector<256x8xf32>
    %add3A_125 = arith.addf %add3A_123, %slice3A_124 : vector<256x8xf32>
    %slice3A_126 = vector.extract_strided_slice %exp3A_110 {offsets = [0, 64], sizes = [256, 8], strides = [1, 1]} : vector<256x72xf32> to vector<256x8xf32>
    %add3A_127 = arith.addf %add3A_125, %slice3A_126 : vector<256x8xf32>
    %div3A_128 = arith.constant 1.000000e+00 : f32
    %div3A_129 = vector.broadcast %div3A_128 : f32 to vector<256x8xf32>
    %div3A_130 = arith.divf %div3A_129, %add3A_127 : vector<256x8xf32>
    %concatenate3A_131 = tpu.concatenate %div3A_130, %div3A_130, %div3A_130, %div3A_130, %div3A_130, %div3A_130, %div3A_130, %div3A_130, %div3A_130 in 1 : vector<256x8xf32>, vector<256x8xf32>, vector<256x8xf32>, vector<256x8xf32>, vector<256x8xf32>, vector<256x8xf32>, vector<256x8xf32>, vector<256x8xf32>, vector<256x8xf32> -> vector<256x72xf32>
    %mul3A_132 = arith.mulf %exp3A_110, %concatenate3A_131 : vector<256x72xf32>
    %add3A_133 = arith.addf %add3A_101, %mul3A_132 : vector<256x72xf32>
    %slice3A_134 = vector.extract_strided_slice %convert_element_type3A_56 {offsets = [512, 0], sizes = [256, 512], strides = [1, 1]} : vector<2304x512xbf16> to vector<256x512xbf16>
    %concatenate3A_135 = tpu.concatenate %slice3A_134, %slice3A_134, %slice3A_134, %slice3A_134, %slice3A_134, %slice3A_134, %slice3A_134, %slice3A_134, %slice3A_134 in 1 : vector<256x512xbf16>, vector<256x512xbf16>, vector<256x512xbf16>, vector<256x512xbf16>, vector<256x512xbf16>, vector<256x512xbf16>, vector<256x512xbf16>, vector<256x512xbf16>, vector<256x512xbf16> -> vector<256x4608xbf16>
    %mul3A_136 = arith.mulf %concatenate3A_135, %concatenate3A_70 : vector<256x4608xbf16>
    %get3A_137 = arith.constant 0 : index
    %get3A_138 = arith.constant 0 : index
    %get3A_139 = vector.load %arg9[%get3A_137, %get3A_138] : memref<4608x72xbf16, #tpu.memory_space<vmem>>, vector<4608x72xbf16>
    %dot_general3A_140 = arith.constant dense<0.000000e+00> : vector<256x72xf32>
    %dot_general3A_141 = tpu.matmul %mul3A_136, %get3A_139, %dot_general3A_140 {dimension_numbers = #tpu.dot_dimension_numbers<[1], [0], [0], [1], [0, 0, 1, 1], [], []>, transpose_lhs_hint = false} : vector<256x4608xbf16>, vector<4608x72xbf16>, vector<256x72xf32> -> vector<256x72xf32>
    %exp3A_142 = math.exp %dot_general3A_141 : vector<256x72xf32>
    %slice3A_143 = vector.extract_strided_slice %exp3A_142 {offsets = [0, 0], sizes = [256, 8], strides = [1, 1]} : vector<256x72xf32> to vector<256x8xf32>
    %slice3A_144 = vector.extract_strided_slice %exp3A_142 {offsets = [0, 8], sizes = [256, 8], strides = [1, 1]} : vector<256x72xf32> to vector<256x8xf32>
    %add3A_145 = arith.addf %slice3A_143, %slice3A_144 : vector<256x8xf32>
    %slice3A_146 = vector.extract_strided_slice %exp3A_142 {offsets = [0, 16], sizes = [256, 8], strides = [1, 1]} : vector<256x72xf32> to vector<256x8xf32>
    %add3A_147 = arith.addf %add3A_145, %slice3A_146 : vector<256x8xf32>
    %slice3A_148 = vector.extract_strided_slice %exp3A_142 {offsets = [0, 24], sizes = [256, 8], strides = [1, 1]} : vector<256x72xf32> to vector<256x8xf32>
    %add3A_149 = arith.addf %add3A_147, %slice3A_148 : vector<256x8xf32>
    %slice3A_150 = vector.extract_strided_slice %exp3A_142 {offsets = [0, 32], sizes = [256, 8], strides = [1, 1]} : vector<256x72xf32> to vector<256x8xf32>
    %add3A_151 = arith.addf %add3A_149, %slice3A_150 : vector<256x8xf32>
    %slice3A_152 = vector.extract_strided_slice %exp3A_142 {offsets = [0, 40], sizes = [256, 8], strides = [1, 1]} : vector<256x72xf32> to vector<256x8xf32>
    %add3A_153 = arith.addf %add3A_151, %slice3A_152 : vector<256x8xf32>
    %slice3A_154 = vector.extract_strided_slice %exp3A_142 {offsets = [0, 48], sizes = [256, 8], strides = [1, 1]} : vector<256x72xf32> to vector<256x8xf32>
    %add3A_155 = arith.addf %add3A_153, %slice3A_154 : vector<256x8xf32>
    %slice3A_156 = vector.extract_strided_slice %exp3A_142 {offsets = [0, 56], sizes = [256, 8], strides = [1, 1]} : vector<256x72xf32> to vector<256x8xf32>
    %add3A_157 = arith.addf %add3A_155, %slice3A_156 : vector<256x8xf32>
    %slice3A_158 = vector.extract_strided_slice %exp3A_142 {offsets = [0, 64], sizes = [256, 8], strides = [1, 1]} : vector<256x72xf32> to vector<256x8xf32>
    %add3A_159 = arith.addf %add3A_157, %slice3A_158 : vector<256x8xf32>
    %div3A_160 = arith.constant 1.000000e+00 : f32
    %div3A_161 = vector.broadcast %div3A_160 : f32 to vector<256x8xf32>
    %div3A_162 = arith.divf %div3A_161, %add3A_159 : vector<256x8xf32>
    %concatenate3A_163 = tpu.concatenate %div3A_162, %div3A_162, %div3A_162, %div3A_162, %div3A_162, %div3A_162, %div3A_162, %div3A_162, %div3A_162 in 1 : vector<256x8xf32>, vector<256x8xf32>, vector<256x8xf32>, vector<256x8xf32>, vector<256x8xf32>, vector<256x8xf32>, vector<256x8xf32>, vector<256x8xf32>, vector<256x8xf32> -> vector<256x72xf32>
    %mul3A_164 = arith.mulf %exp3A_142, %concatenate3A_163 : vector<256x72xf32>
    %add3A_165 = arith.addf %add3A_133, %mul3A_164 : vector<256x72xf32>
    %slice3A_166 = vector.extract_strided_slice %convert_element_type3A_56 {offsets = [768, 0], sizes = [256, 512], strides = [1, 1]} : vector<2304x512xbf16> to vector<256x512xbf16>
    %concatenate3A_167 = tpu.concatenate %slice3A_166, %slice3A_166, %slice3A_166, %slice3A_166, %slice3A_166, %slice3A_166, %slice3A_166, %slice3A_166, %slice3A_166 in 1 : vector<256x512xbf16>, vector<256x512xbf16>, vector<256x512xbf16>, vector<256x512xbf16>, vector<256x512xbf16>, vector<256x512xbf16>, vector<256x512xbf16>, vector<256x512xbf16>, vector<256x512xbf16> -> vector<256x4608xbf16>
    %mul3A_168 = arith.mulf %concatenate3A_167, %concatenate3A_70 : vector<256x4608xbf16>
    %get3A_169 = arith.constant 0 : index
    %get3A_170 = arith.constant 0 : index
    %get3A_171 = vector.load %arg9[%get3A_169, %get3A_170] : memref<4608x72xbf16, #tpu.memory_space<vmem>>, vector<4608x72xbf16>
    %dot_general3A_172 = arith.constant dense<0.000000e+00> : vector<256x72xf32>
    %dot_general3A_173 = tpu.matmul %mul3A_168, %get3A_171, %dot_general3A_172 {dimension_numbers = #tpu.dot_dimension_numbers<[1], [0], [0], [1], [0, 0, 1, 1], [], []>, transpose_lhs_hint = false} : vector<256x4608xbf16>, vector<4608x72xbf16>, vector<256x72xf32> -> vector<256x72xf32>
    %exp3A_174 = math.exp %dot_general3A_173 : vector<256x72xf32>
    %slice3A_175 = vector.extract_strided_slice %exp3A_174 {offsets = [0, 0], sizes = [256, 8], strides = [1, 1]} : vector<256x72xf32> to vector<256x8xf32>
    %slice3A_176 = vector.extract_strided_slice %exp3A_174 {offsets = [0, 8], sizes = [256, 8], strides = [1, 1]} : vector<256x72xf32> to vector<256x8xf32>
    %add3A_177 = arith.addf %slice3A_175, %slice3A_176 : vector<256x8xf32>
    %slice3A_178 = vector.extract_strided_slice %exp3A_174 {offsets = [0, 16], sizes = [256, 8], strides = [1, 1]} : vector<256x72xf32> to vector<256x8xf32>
    %add3A_179 = arith.addf %add3A_177, %slice3A_178 : vector<256x8xf32>
    %slice3A_180 = vector.extract_strided_slice %exp3A_174 {offsets = [0, 24], sizes = [256, 8], strides = [1, 1]} : vector<256x72xf32> to vector<256x8xf32>
    %add3A_181 = arith.addf %add3A_179, %slice3A_180 : vector<256x8xf32>
    %slice3A_182 = vector.extract_strided_slice %exp3A_174 {offsets = [0, 32], sizes = [256, 8], strides = [1, 1]} : vector<256x72xf32> to vector<256x8xf32>
    %add3A_183 = arith.addf %add3A_181, %slice3A_182 : vector<256x8xf32>
    %slice3A_184 = vector.extract_strided_slice %exp3A_174 {offsets = [0, 40], sizes = [256, 8], strides = [1, 1]} : vector<256x72xf32> to vector<256x8xf32>
    %add3A_185 = arith.addf %add3A_183, %slice3A_184 : vector<256x8xf32>
    %slice3A_186 = vector.extract_strided_slice %exp3A_174 {offsets = [0, 48], sizes = [256, 8], strides = [1, 1]} : vector<256x72xf32> to vector<256x8xf32>
    %add3A_187 = arith.addf %add3A_185, %slice3A_186 : vector<256x8xf32>
    %slice3A_188 = vector.extract_strided_slice %exp3A_174 {offsets = [0, 56], sizes = [256, 8], strides = [1, 1]} : vector<256x72xf32> to vector<256x8xf32>
    %add3A_189 = arith.addf %add3A_187, %slice3A_188 : vector<256x8xf32>
    %slice3A_190 = vector.extract_strided_slice %exp3A_174 {offsets = [0, 64], sizes = [256, 8], strides = [1, 1]} : vector<256x72xf32> to vector<256x8xf32>
    %add3A_191 = arith.addf %add3A_189, %slice3A_190 : vector<256x8xf32>
    %div3A_192 = arith.constant 1.000000e+00 : f32
    %div3A_193 = vector.broadcast %div3A_192 : f32 to vector<256x8xf32>
    %div3A_194 = arith.divf %div3A_193, %add3A_191 : vector<256x8xf32>
    %concatenate3A_195 = tpu.concatenate %div3A_194, %div3A_194, %div3A_194, %div3A_194, %div3A_194, %div3A_194, %div3A_194, %div3A_194, %div3A_194 in 1 : vector<256x8xf32>, vector<256x8xf32>, vector<256x8xf32>, vector<256x8xf32>, vector<256x8xf32>, vector<256x8xf32>, vector<256x8xf32>, vector<256x8xf32>, vector<256x8xf32> -> vector<256x72xf32>
    %mul3A_196 = arith.mulf %exp3A_174, %concatenate3A_195 : vector<256x72xf32>
    %add3A_197 = arith.addf %add3A_165, %mul3A_196 : vector<256x72xf32>
    %slice3A_198 = vector.extract_strided_slice %convert_element_type3A_56 {offsets = [1024, 0], sizes = [256, 512], strides = [1, 1]} : vector<2304x512xbf16> to vector<256x512xbf16>
    %concatenate3A_199 = tpu.concatenate %slice3A_198, %slice3A_198, %slice3A_198, %slice3A_198, %slice3A_198, %slice3A_198, %slice3A_198, %slice3A_198, %slice3A_198 in 1 : vector<256x512xbf16>, vector<256x512xbf16>, vector<256x512xbf16>, vector<256x512xbf16>, vector<256x512xbf16>, vector<256x512xbf16>, vector<256x512xbf16>, vector<256x512xbf16>, vector<256x512xbf16> -> vector<256x4608xbf16>
    %mul3A_200 = arith.mulf %concatenate3A_199, %concatenate3A_70 : vector<256x4608xbf16>
    %get3A_201 = arith.constant 0 : index
    %get3A_202 = arith.constant 0 : index
    %get3A_203 = vector.load %arg9[%get3A_201, %get3A_202] : memref<4608x72xbf16, #tpu.memory_space<vmem>>, vector<4608x72xbf16>
    %dot_general3A_204 = arith.constant dense<0.000000e+00> : vector<256x72xf32>
    %dot_general3A_205 = tpu.matmul %mul3A_200, %get3A_203, %dot_general3A_204 {dimension_numbers = #tpu.dot_dimension_numbers<[1], [0], [0], [1], [0, 0, 1, 1], [], []>, transpose_lhs_hint = false} : vector<256x4608xbf16>, vector<4608x72xbf16>, vector<256x72xf32> -> vector<256x72xf32>
    %exp3A_206 = math.exp %dot_general3A_205 : vector<256x72xf32>
    %slice3A_207 = vector.extract_strided_slice %exp3A_206 {offsets = [0, 0], sizes = [256, 8], strides = [1, 1]} : vector<256x72xf32> to vector<256x8xf32>
    %slice3A_208 = vector.extract_strided_slice %exp3A_206 {offsets = [0, 8], sizes = [256, 8], strides = [1, 1]} : vector<256x72xf32> to vector<256x8xf32>
    %add3A_209 = arith.addf %slice3A_207, %slice3A_208 : vector<256x8xf32>
    %slice3A_210 = vector.extract_strided_slice %exp3A_206 {offsets = [0, 16], sizes = [256, 8], strides = [1, 1]} : vector<256x72xf32> to vector<256x8xf32>
    %add3A_211 = arith.addf %add3A_209, %slice3A_210 : vector<256x8xf32>
    %slice3A_212 = vector.extract_strided_slice %exp3A_206 {offsets = [0, 24], sizes = [256, 8], strides = [1, 1]} : vector<256x72xf32> to vector<256x8xf32>
    %add3A_213 = arith.addf %add3A_211, %slice3A_212 : vector<256x8xf32>
    %slice3A_214 = vector.extract_strided_slice %exp3A_206 {offsets = [0, 32], sizes = [256, 8], strides = [1, 1]} : vector<256x72xf32> to vector<256x8xf32>
    %add3A_215 = arith.addf %add3A_213, %slice3A_214 : vector<256x8xf32>
    %slice3A_216 = vector.extract_strided_slice %exp3A_206 {offsets = [0, 40], sizes = [256, 8], strides = [1, 1]} : vector<256x72xf32> to vector<256x8xf32>
    %add3A_217 = arith.addf %add3A_215, %slice3A_216 : vector<256x8xf32>
    %slice3A_218 = vector.extract_strided_slice %exp3A_206 {offsets = [0, 48], sizes = [256, 8], strides = [1, 1]} : vector<256x72xf32> to vector<256x8xf32>
    %add3A_219 = arith.addf %add3A_217, %slice3A_218 : vector<256x8xf32>
    %slice3A_220 = vector.extract_strided_slice %exp3A_206 {offsets = [0, 56], sizes = [256, 8], strides = [1, 1]} : vector<256x72xf32> to vector<256x8xf32>
    %add3A_221 = arith.addf %add3A_219, %slice3A_220 : vector<256x8xf32>
    %slice3A_222 = vector.extract_strided_slice %exp3A_206 {offsets = [0, 64], sizes = [256, 8], strides = [1, 1]} : vector<256x72xf32> to vector<256x8xf32>
    %add3A_223 = arith.addf %add3A_221, %slice3A_222 : vector<256x8xf32>
    %div3A_224 = arith.constant 1.000000e+00 : f32
    %div3A_225 = vector.broadcast %div3A_224 : f32 to vector<256x8xf32>
    %div3A_226 = arith.divf %div3A_225, %add3A_223 : vector<256x8xf32>
    %concatenate3A_227 = tpu.concatenate %div3A_226, %div3A_226, %div3A_226, %div3A_226, %div3A_226, %div3A_226, %div3A_226, %div3A_226, %div3A_226 in 1 : vector<256x8xf32>, vector<256x8xf32>, vector<256x8xf32>, vector<256x8xf32>, vector<256x8xf32>, vector<256x8xf32>, vector<256x8xf32>, vector<256x8xf32>, vector<256x8xf32> -> vector<256x72xf32>
    %mul3A_228 = arith.mulf %exp3A_206, %concatenate3A_227 : vector<256x72xf32>
    %add3A_229 = arith.addf %add3A_197, %mul3A_228 : vector<256x72xf32>
    %slice3A_230 = vector.extract_strided_slice %convert_element_type3A_56 {offsets = [1280, 0], sizes = [256, 512], strides = [1, 1]} : vector<2304x512xbf16> to vector<256x512xbf16>
    %concatenate3A_231 = tpu.concatenate %slice3A_230, %slice3A_230, %slice3A_230, %slice3A_230, %slice3A_230, %slice3A_230, %slice3A_230, %slice3A_230, %slice3A_230 in 1 : vector<256x512xbf16>, vector<256x512xbf16>, vector<256x512xbf16>, vector<256x512xbf16>, vector<256x512xbf16>, vector<256x512xbf16>, vector<256x512xbf16>, vector<256x512xbf16>, vector<256x512xbf16> -> vector<256x4608xbf16>
    %mul3A_232 = arith.mulf %concatenate3A_231, %concatenate3A_70 : vector<256x4608xbf16>
    %get3A_233 = arith.constant 0 : index
    %get3A_234 = arith.constant 0 : index
    %get3A_235 = vector.load %arg9[%get3A_233, %get3A_234] : memref<4608x72xbf16, #tpu.memory_space<vmem>>, vector<4608x72xbf16>
    %dot_general3A_236 = arith.constant dense<0.000000e+00> : vector<256x72xf32>
    %dot_general3A_237 = tpu.matmul %mul3A_232, %get3A_235, %dot_general3A_236 {dimension_numbers = #tpu.dot_dimension_numbers<[1], [0], [0], [1], [0, 0, 1, 1], [], []>, transpose_lhs_hint = false} : vector<256x4608xbf16>, vector<4608x72xbf16>, vector<256x72xf32> -> vector<256x72xf32>
    %exp3A_238 = math.exp %dot_general3A_237 : vector<256x72xf32>
    %slice3A_239 = vector.extract_strided_slice %exp3A_238 {offsets = [0, 0], sizes = [256, 8], strides = [1, 1]} : vector<256x72xf32> to vector<256x8xf32>
    %slice3A_240 = vector.extract_strided_slice %exp3A_238 {offsets = [0, 8], sizes = [256, 8], strides = [1, 1]} : vector<256x72xf32> to vector<256x8xf32>
    %add3A_241 = arith.addf %slice3A_239, %slice3A_240 : vector<256x8xf32>
    %slice3A_242 = vector.extract_strided_slice %exp3A_238 {offsets = [0, 16], sizes = [256, 8], strides = [1, 1]} : vector<256x72xf32> to vector<256x8xf32>
    %add3A_243 = arith.addf %add3A_241, %slice3A_242 : vector<256x8xf32>
    %slice3A_244 = vector.extract_strided_slice %exp3A_238 {offsets = [0, 24], sizes = [256, 8], strides = [1, 1]} : vector<256x72xf32> to vector<256x8xf32>
    %add3A_245 = arith.addf %add3A_243, %slice3A_244 : vector<256x8xf32>
    %slice3A_246 = vector.extract_strided_slice %exp3A_238 {offsets = [0, 32], sizes = [256, 8], strides = [1, 1]} : vector<256x72xf32> to vector<256x8xf32>
    %add3A_247 = arith.addf %add3A_245, %slice3A_246 : vector<256x8xf32>
    %slice3A_248 = vector.extract_strided_slice %exp3A_238 {offsets = [0, 40], sizes = [256, 8], strides = [1, 1]} : vector<256x72xf32> to vector<256x8xf32>
    %add3A_249 = arith.addf %add3A_247, %slice3A_248 : vector<256x8xf32>
    %slice3A_250 = vector.extract_strided_slice %exp3A_238 {offsets = [0, 48], sizes = [256, 8], strides = [1, 1]} : vector<256x72xf32> to vector<256x8xf32>
    %add3A_251 = arith.addf %add3A_249, %slice3A_250 : vector<256x8xf32>
    %slice3A_252 = vector.extract_strided_slice %exp3A_238 {offsets = [0, 56], sizes = [256, 8], strides = [1, 1]} : vector<256x72xf32> to vector<256x8xf32>
    %add3A_253 = arith.addf %add3A_251, %slice3A_252 : vector<256x8xf32>
    %slice3A_254 = vector.extract_strided_slice %exp3A_238 {offsets = [0, 64], sizes = [256, 8], strides = [1, 1]} : vector<256x72xf32> to vector<256x8xf32>
    %add3A_255 = arith.addf %add3A_253, %slice3A_254 : vector<256x8xf32>
    %div3A_256 = arith.constant 1.000000e+00 : f32
    %div3A_257 = vector.broadcast %div3A_256 : f32 to vector<256x8xf32>
    %div3A_258 = arith.divf %div3A_257, %add3A_255 : vector<256x8xf32>
    %concatenate3A_259 = tpu.concatenate %div3A_258, %div3A_258, %div3A_258, %div3A_258, %div3A_258, %div3A_258, %div3A_258, %div3A_258, %div3A_258 in 1 : vector<256x8xf32>, vector<256x8xf32>, vector<256x8xf32>, vector<256x8xf32>, vector<256x8xf32>, vector<256x8xf32>, vector<256x8xf32>, vector<256x8xf32>, vector<256x8xf32> -> vector<256x72xf32>
    %mul3A_260 = arith.mulf %exp3A_238, %concatenate3A_259 : vector<256x72xf32>
    %add3A_261 = arith.addf %add3A_229, %mul3A_260 : vector<256x72xf32>
    %slice3A_262 = vector.extract_strided_slice %convert_element_type3A_56 {offsets = [1536, 0], sizes = [256, 512], strides = [1, 1]} : vector<2304x512xbf16> to vector<256x512xbf16>
    %concatenate3A_263 = tpu.concatenate %slice3A_262, %slice3A_262, %slice3A_262, %slice3A_262, %slice3A_262, %slice3A_262, %slice3A_262, %slice3A_262, %slice3A_262 in 1 : vector<256x512xbf16>, vector<256x512xbf16>, vector<256x512xbf16>, vector<256x512xbf16>, vector<256x512xbf16>, vector<256x512xbf16>, vector<256x512xbf16>, vector<256x512xbf16>, vector<256x512xbf16> -> vector<256x4608xbf16>
    %mul3A_264 = arith.mulf %concatenate3A_263, %concatenate3A_70 : vector<256x4608xbf16>
    %get3A_265 = arith.constant 0 : index
    %get3A_266 = arith.constant 0 : index
    %get3A_267 = vector.load %arg9[%get3A_265, %get3A_266] : memref<4608x72xbf16, #tpu.memory_space<vmem>>, vector<4608x72xbf16>
    %dot_general3A_268 = arith.constant dense<0.000000e+00> : vector<256x72xf32>
    %dot_general3A_269 = tpu.matmul %mul3A_264, %get3A_267, %dot_general3A_268 {dimension_numbers = #tpu.dot_dimension_numbers<[1], [0], [0], [1], [0, 0, 1, 1], [], []>, transpose_lhs_hint = false} : vector<256x4608xbf16>, vector<4608x72xbf16>, vector<256x72xf32> -> vector<256x72xf32>
    %exp3A_270 = math.exp %dot_general3A_269 : vector<256x72xf32>
    %slice3A_271 = vector.extract_strided_slice %exp3A_270 {offsets = [0, 0], sizes = [256, 8], strides = [1, 1]} : vector<256x72xf32> to vector<256x8xf32>
    %slice3A_272 = vector.extract_strided_slice %exp3A_270 {offsets = [0, 8], sizes = [256, 8], strides = [1, 1]} : vector<256x72xf32> to vector<256x8xf32>
    %add3A_273 = arith.addf %slice3A_271, %slice3A_272 : vector<256x8xf32>
    %slice3A_274 = vector.extract_strided_slice %exp3A_270 {offsets = [0, 16], sizes = [256, 8], strides = [1, 1]} : vector<256x72xf32> to vector<256x8xf32>
    %add3A_275 = arith.addf %add3A_273, %slice3A_274 : vector<256x8xf32>
    %slice3A_276 = vector.extract_strided_slice %exp3A_270 {offsets = [0, 24], sizes = [256, 8], strides = [1, 1]} : vector<256x72xf32> to vector<256x8xf32>
    %add3A_277 = arith.addf %add3A_275, %slice3A_276 : vector<256x8xf32>
    %slice3A_278 = vector.extract_strided_slice %exp3A_270 {offsets = [0, 32], sizes = [256, 8], strides = [1, 1]} : vector<256x72xf32> to vector<256x8xf32>
    %add3A_279 = arith.addf %add3A_277, %slice3A_278 : vector<256x8xf32>
    %slice3A_280 = vector.extract_strided_slice %exp3A_270 {offsets = [0, 40], sizes = [256, 8], strides = [1, 1]} : vector<256x72xf32> to vector<256x8xf32>
    %add3A_281 = arith.addf %add3A_279, %slice3A_280 : vector<256x8xf32>
    %slice3A_282 = vector.extract_strided_slice %exp3A_270 {offsets = [0, 48], sizes = [256, 8], strides = [1, 1]} : vector<256x72xf32> to vector<256x8xf32>
    %add3A_283 = arith.addf %add3A_281, %slice3A_282 : vector<256x8xf32>
    %slice3A_284 = vector.extract_strided_slice %exp3A_270 {offsets = [0, 56], sizes = [256, 8], strides = [1, 1]} : vector<256x72xf32> to vector<256x8xf32>
    %add3A_285 = arith.addf %add3A_283, %slice3A_284 : vector<256x8xf32>
    %slice3A_286 = vector.extract_strided_slice %exp3A_270 {offsets = [0, 64], sizes = [256, 8], strides = [1, 1]} : vector<256x72xf32> to vector<256x8xf32>
    %add3A_287 = arith.addf %add3A_285, %slice3A_286 : vector<256x8xf32>
    %div3A_288 = arith.constant 1.000000e+00 : f32
    %div3A_289 = vector.broadcast %div3A_288 : f32 to vector<256x8xf32>
    %div3A_290 = arith.divf %div3A_289, %add3A_287 : vector<256x8xf32>
    %concatenate3A_291 = tpu.concatenate %div3A_290, %div3A_290, %div3A_290, %div3A_290, %div3A_290, %div3A_290, %div3A_290, %div3A_290, %div3A_290 in 1 : vector<256x8xf32>, vector<256x8xf32>, vector<256x8xf32>, vector<256x8xf32>, vector<256x8xf32>, vector<256x8xf32>, vector<256x8xf32>, vector<256x8xf32>, vector<256x8xf32> -> vector<256x72xf32>
    %mul3A_292 = arith.mulf %exp3A_270, %concatenate3A_291 : vector<256x72xf32>
    %add3A_293 = arith.addf %add3A_261, %mul3A_292 : vector<256x72xf32>
    %slice3A_294 = vector.extract_strided_slice %convert_element_type3A_56 {offsets = [1792, 0], sizes = [256, 512], strides = [1, 1]} : vector<2304x512xbf16> to vector<256x512xbf16>
    %concatenate3A_295 = tpu.concatenate %slice3A_294, %slice3A_294, %slice3A_294, %slice3A_294, %slice3A_294, %slice3A_294, %slice3A_294, %slice3A_294, %slice3A_294 in 1 : vector<256x512xbf16>, vector<256x512xbf16>, vector<256x512xbf16>, vector<256x512xbf16>, vector<256x512xbf16>, vector<256x512xbf16>, vector<256x512xbf16>, vector<256x512xbf16>, vector<256x512xbf16> -> vector<256x4608xbf16>
    %mul3A_296 = arith.mulf %concatenate3A_295, %concatenate3A_70 : vector<256x4608xbf16>
    %get3A_297 = arith.constant 0 : index
    %get3A_298 = arith.constant 0 : index
    %get3A_299 = vector.load %arg9[%get3A_297, %get3A_298] : memref<4608x72xbf16, #tpu.memory_space<vmem>>, vector<4608x72xbf16>
    %dot_general3A_300 = arith.constant dense<0.000000e+00> : vector<256x72xf32>
    %dot_general3A_301 = tpu.matmul %mul3A_296, %get3A_299, %dot_general3A_300 {dimension_numbers = #tpu.dot_dimension_numbers<[1], [0], [0], [1], [0, 0, 1, 1], [], []>, transpose_lhs_hint = false} : vector<256x4608xbf16>, vector<4608x72xbf16>, vector<256x72xf32> -> vector<256x72xf32>
    %exp3A_302 = math.exp %dot_general3A_301 : vector<256x72xf32>
    %slice3A_303 = vector.extract_strided_slice %exp3A_302 {offsets = [0, 0], sizes = [256, 8], strides = [1, 1]} : vector<256x72xf32> to vector<256x8xf32>
    %slice3A_304 = vector.extract_strided_slice %exp3A_302 {offsets = [0, 8], sizes = [256, 8], strides = [1, 1]} : vector<256x72xf32> to vector<256x8xf32>
    %add3A_305 = arith.addf %slice3A_303, %slice3A_304 : vector<256x8xf32>
    %slice3A_306 = vector.extract_strided_slice %exp3A_302 {offsets = [0, 16], sizes = [256, 8], strides = [1, 1]} : vector<256x72xf32> to vector<256x8xf32>
    %add3A_307 = arith.addf %add3A_305, %slice3A_306 : vector<256x8xf32>
    %slice3A_308 = vector.extract_strided_slice %exp3A_302 {offsets = [0, 24], sizes = [256, 8], strides = [1, 1]} : vector<256x72xf32> to vector<256x8xf32>
    %add3A_309 = arith.addf %add3A_307, %slice3A_308 : vector<256x8xf32>
    %slice3A_310 = vector.extract_strided_slice %exp3A_302 {offsets = [0, 32], sizes = [256, 8], strides = [1, 1]} : vector<256x72xf32> to vector<256x8xf32>
    %add3A_311 = arith.addf %add3A_309, %slice3A_310 : vector<256x8xf32>
    %slice3A_312 = vector.extract_strided_slice %exp3A_302 {offsets = [0, 40], sizes = [256, 8], strides = [1, 1]} : vector<256x72xf32> to vector<256x8xf32>
    %add3A_313 = arith.addf %add3A_311, %slice3A_312 : vector<256x8xf32>
    %slice3A_314 = vector.extract_strided_slice %exp3A_302 {offsets = [0, 48], sizes = [256, 8], strides = [1, 1]} : vector<256x72xf32> to vector<256x8xf32>
    %add3A_315 = arith.addf %add3A_313, %slice3A_314 : vector<256x8xf32>
    %slice3A_316 = vector.extract_strided_slice %exp3A_302 {offsets = [0, 56], sizes = [256, 8], strides = [1, 1]} : vector<256x72xf32> to vector<256x8xf32>
    %add3A_317 = arith.addf %add3A_315, %slice3A_316 : vector<256x8xf32>
    %slice3A_318 = vector.extract_strided_slice %exp3A_302 {offsets = [0, 64], sizes = [256, 8], strides = [1, 1]} : vector<256x72xf32> to vector<256x8xf32>
    %add3A_319 = arith.addf %add3A_317, %slice3A_318 : vector<256x8xf32>
    %div3A_320 = arith.constant 1.000000e+00 : f32
    %div3A_321 = vector.broadcast %div3A_320 : f32 to vector<256x8xf32>
    %div3A_322 = arith.divf %div3A_321, %add3A_319 : vector<256x8xf32>
    %concatenate3A_323 = tpu.concatenate %div3A_322, %div3A_322, %div3A_322, %div3A_322, %div3A_322, %div3A_322, %div3A_322, %div3A_322, %div3A_322 in 1 : vector<256x8xf32>, vector<256x8xf32>, vector<256x8xf32>, vector<256x8xf32>, vector<256x8xf32>, vector<256x8xf32>, vector<256x8xf32>, vector<256x8xf32>, vector<256x8xf32> -> vector<256x72xf32>
    %mul3A_324 = arith.mulf %exp3A_302, %concatenate3A_323 : vector<256x72xf32>
    %add3A_325 = arith.addf %add3A_293, %mul3A_324 : vector<256x72xf32>
    %slice3A_326 = vector.extract_strided_slice %convert_element_type3A_56 {offsets = [2048, 0], sizes = [256, 512], strides = [1, 1]} : vector<2304x512xbf16> to vector<256x512xbf16>
    %concatenate3A_327 = tpu.concatenate %slice3A_326, %slice3A_326, %slice3A_326, %slice3A_326, %slice3A_326, %slice3A_326, %slice3A_326, %slice3A_326, %slice3A_326 in 1 : vector<256x512xbf16>, vector<256x512xbf16>, vector<256x512xbf16>, vector<256x512xbf16>, vector<256x512xbf16>, vector<256x512xbf16>, vector<256x512xbf16>, vector<256x512xbf16>, vector<256x512xbf16> -> vector<256x4608xbf16>
    %mul3A_328 = arith.mulf %concatenate3A_327, %concatenate3A_70 : vector<256x4608xbf16>
    %get3A_329 = arith.constant 0 : index
    %get3A_330 = arith.constant 0 : index
    %get3A_331 = vector.load %arg9[%get3A_329, %get3A_330] : memref<4608x72xbf16, #tpu.memory_space<vmem>>, vector<4608x72xbf16>
    %dot_general3A_332 = arith.constant dense<0.000000e+00> : vector<256x72xf32>
    %dot_general3A_333 = tpu.matmul %mul3A_328, %get3A_331, %dot_general3A_332 {dimension_numbers = #tpu.dot_dimension_numbers<[1], [0], [0], [1], [0, 0, 1, 1], [], []>, transpose_lhs_hint = false} : vector<256x4608xbf16>, vector<4608x72xbf16>, vector<256x72xf32> -> vector<256x72xf32>
    %exp3A_334 = math.exp %dot_general3A_333 : vector<256x72xf32>
    %slice3A_335 = vector.extract_strided_slice %exp3A_334 {offsets = [0, 0], sizes = [256, 8], strides = [1, 1]} : vector<256x72xf32> to vector<256x8xf32>
    %slice3A_336 = vector.extract_strided_slice %exp3A_334 {offsets = [0, 8], sizes = [256, 8], strides = [1, 1]} : vector<256x72xf32> to vector<256x8xf32>
    %add3A_337 = arith.addf %slice3A_335, %slice3A_336 : vector<256x8xf32>
    %slice3A_338 = vector.extract_strided_slice %exp3A_334 {offsets = [0, 16], sizes = [256, 8], strides = [1, 1]} : vector<256x72xf32> to vector<256x8xf32>
    %add3A_339 = arith.addf %add3A_337, %slice3A_338 : vector<256x8xf32>
    %slice3A_340 = vector.extract_strided_slice %exp3A_334 {offsets = [0, 24], sizes = [256, 8], strides = [1, 1]} : vector<256x72xf32> to vector<256x8xf32>
    %add3A_341 = arith.addf %add3A_339, %slice3A_340 : vector<256x8xf32>
    %slice3A_342 = vector.extract_strided_slice %exp3A_334 {offsets = [0, 32], sizes = [256, 8], strides = [1, 1]} : vector<256x72xf32> to vector<256x8xf32>
    %add3A_343 = arith.addf %add3A_341, %slice3A_342 : vector<256x8xf32>
    %slice3A_344 = vector.extract_strided_slice %exp3A_334 {offsets = [0, 40], sizes = [256, 8], strides = [1, 1]} : vector<256x72xf32> to vector<256x8xf32>
    %add3A_345 = arith.addf %add3A_343, %slice3A_344 : vector<256x8xf32>
    %slice3A_346 = vector.extract_strided_slice %exp3A_334 {offsets = [0, 48], sizes = [256, 8], strides = [1, 1]} : vector<256x72xf32> to vector<256x8xf32>
    %add3A_347 = arith.addf %add3A_345, %slice3A_346 : vector<256x8xf32>
    %slice3A_348 = vector.extract_strided_slice %exp3A_334 {offsets = [0, 56], sizes = [256, 8], strides = [1, 1]} : vector<256x72xf32> to vector<256x8xf32>
    %add3A_349 = arith.addf %add3A_347, %slice3A_348 : vector<256x8xf32>
    %slice3A_350 = vector.extract_strided_slice %exp3A_334 {offsets = [0, 64], sizes = [256, 8], strides = [1, 1]} : vector<256x72xf32> to vector<256x8xf32>
    %add3A_351 = arith.addf %add3A_349, %slice3A_350 : vector<256x8xf32>
    %div3A_352 = arith.constant 1.000000e+00 : f32
    %div3A_353 = vector.broadcast %div3A_352 : f32 to vector<256x8xf32>
    %div3A_354 = arith.divf %div3A_353, %add3A_351 : vector<256x8xf32>
    %concatenate3A_355 = tpu.concatenate %div3A_354, %div3A_354, %div3A_354, %div3A_354, %div3A_354, %div3A_354, %div3A_354, %div3A_354, %div3A_354 in 1 : vector<256x8xf32>, vector<256x8xf32>, vector<256x8xf32>, vector<256x8xf32>, vector<256x8xf32>, vector<256x8xf32>, vector<256x8xf32>, vector<256x8xf32>, vector<256x8xf32> -> vector<256x72xf32>
    %mul3A_356 = arith.mulf %exp3A_334, %concatenate3A_355 : vector<256x72xf32>
    %add3A_357 = arith.addf %add3A_325, %mul3A_356 : vector<256x72xf32>
    %mul3A_358 = arith.constant 0.111111112 : f32
    %mul3A_359 = vector.broadcast %mul3A_358 : f32 to vector<256x72xf32>
    %mul3A_360 = arith.mulf %add3A_357, %mul3A_359 : vector<256x72xf32>
    %convert_element_type3A_361 = arith.truncf %mul3A_360 : vector<256x72xf32> to vector<256x72xbf16>
    %broadcast_in_dim3A_362 = arith.constant 0.000000e+00 : f32
    %broadcast_in_dim3A_363 = vector.broadcast %broadcast_in_dim3A_362 : f32 to vector<256x512xf32>
    %get3A_364 = arith.constant 0 : index
    %get3A_365 = arith.constant 0 : index
    %get3A_366 = arith.constant 0 : index
    %get3A_367 = vector.load %arg12[%get3A_364, %get3A_365, %get3A_366] : memref<9x72x512xbf16, #tpu.memory_space<vmem>>, vector<1x72x512xbf16>
    %get3A_368 = vector.shape_cast %get3A_367 : vector<1x72x512xbf16> to vector<72x512xbf16>
    %dot_general3A_369 = arith.constant dense<0.000000e+00> : vector<256x512xf32>
    %dot_general3A_370 = tpu.matmul %convert_element_type3A_361, %get3A_368, %dot_general3A_369 {dimension_numbers = #tpu.dot_dimension_numbers<[1], [0], [0], [1], [0, 0, 1, 1], [], []>, transpose_lhs_hint = false} : vector<256x72xbf16>, vector<72x512xbf16>, vector<256x512xf32> -> vector<256x512xf32>
    %slice3A_371 = vector.extract_strided_slice %add3A_38 {offsets = [0, 2048], sizes = [2304, 512], strides = [1, 1]} : vector<2304x2560xf32> to vector<2304x512xf32>
    %slice3A_372 = vector.extract_strided_slice %slice3A_371 {offsets = [0, 0], sizes = [256, 512], strides = [1, 1]} : vector<2304x512xf32> to vector<256x512xf32>
    %mul3A_373 = arith.mulf %dot_general3A_370, %slice3A_372 : vector<256x512xf32>
    %add3A_374 = arith.addf %broadcast_in_dim3A_363, %mul3A_373 : vector<256x512xf32>
    %get3A_375 = arith.constant 1 : index
    %get3A_376 = arith.constant 0 : index
    %get3A_377 = arith.constant 0 : index
    %get3A_378 = vector.load %arg12[%get3A_375, %get3A_376, %get3A_377] : memref<9x72x512xbf16, #tpu.memory_space<vmem>>, vector<1x72x512xbf16>
    %get3A_379 = vector.shape_cast %get3A_378 : vector<1x72x512xbf16> to vector<72x512xbf16>
    %dot_general3A_380 = arith.constant dense<0.000000e+00> : vector<256x512xf32>
    %dot_general3A_381 = tpu.matmul %convert_element_type3A_361, %get3A_379, %dot_general3A_380 {dimension_numbers = #tpu.dot_dimension_numbers<[1], [0], [0], [1], [0, 0, 1, 1], [], []>, transpose_lhs_hint = false} : vector<256x72xbf16>, vector<72x512xbf16>, vector<256x512xf32> -> vector<256x512xf32>
    %slice3A_382 = vector.extract_strided_slice %add3A_38 {offsets = [0, 2048], sizes = [2304, 512], strides = [1, 1]} : vector<2304x2560xf32> to vector<2304x512xf32>
    %slice3A_383 = vector.extract_strided_slice %slice3A_382 {offsets = [256, 0], sizes = [256, 512], strides = [1, 1]} : vector<2304x512xf32> to vector<256x512xf32>
    %mul3A_384 = arith.mulf %dot_general3A_381, %slice3A_383 : vector<256x512xf32>
    %add3A_385 = arith.addf %add3A_374, %mul3A_384 : vector<256x512xf32>
    %get3A_386 = arith.constant 2 : index
    %get3A_387 = arith.constant 0 : index
    %get3A_388 = arith.constant 0 : index
    %get3A_389 = vector.load %arg12[%get3A_386, %get3A_387, %get3A_388] : memref<9x72x512xbf16, #tpu.memory_space<vmem>>, vector<1x72x512xbf16>
    %get3A_390 = vector.shape_cast %get3A_389 : vector<1x72x512xbf16> to vector<72x512xbf16>
    %dot_general3A_391 = arith.constant dense<0.000000e+00> : vector<256x512xf32>
    %dot_general3A_392 = tpu.matmul %convert_element_type3A_361, %get3A_390, %dot_general3A_391 {dimension_numbers = #tpu.dot_dimension_numbers<[1], [0], [0], [1], [0, 0, 1, 1], [], []>, transpose_lhs_hint = false} : vector<256x72xbf16>, vector<72x512xbf16>, vector<256x512xf32> -> vector<256x512xf32>
    %slice3A_393 = vector.extract_strided_slice %add3A_38 {offsets = [0, 2048], sizes = [2304, 512], strides = [1, 1]} : vector<2304x2560xf32> to vector<2304x512xf32>
    %slice3A_394 = vector.extract_strided_slice %slice3A_393 {offsets = [512, 0], sizes = [256, 512], strides = [1, 1]} : vector<2304x512xf32> to vector<256x512xf32>
    %mul3A_395 = arith.mulf %dot_general3A_392, %slice3A_394 : vector<256x512xf32>
    %add3A_396 = arith.addf %add3A_385, %mul3A_395 : vector<256x512xf32>
    %get3A_397 = arith.constant 3 : index
    %get3A_398 = arith.constant 0 : index
    %get3A_399 = arith.constant 0 : index
    %get3A_400 = vector.load %arg12[%get3A_397, %get3A_398, %get3A_399] : memref<9x72x512xbf16, #tpu.memory_space<vmem>>, vector<1x72x512xbf16>
    %get3A_401 = vector.shape_cast %get3A_400 : vector<1x72x512xbf16> to vector<72x512xbf16>
    %dot_general3A_402 = arith.constant dense<0.000000e+00> : vector<256x512xf32>
    %dot_general3A_403 = tpu.matmul %convert_element_type3A_361, %get3A_401, %dot_general3A_402 {dimension_numbers = #tpu.dot_dimension_numbers<[1], [0], [0], [1], [0, 0, 1, 1], [], []>, transpose_lhs_hint = false} : vector<256x72xbf16>, vector<72x512xbf16>, vector<256x512xf32> -> vector<256x512xf32>
    %slice3A_404 = vector.extract_strided_slice %add3A_38 {offsets = [0, 2048], sizes = [2304, 512], strides = [1, 1]} : vector<2304x2560xf32> to vector<2304x512xf32>
    %slice3A_405 = vector.extract_strided_slice %slice3A_404 {offsets = [768, 0], sizes = [256, 512], strides = [1, 1]} : vector<2304x512xf32> to vector<256x512xf32>
    %mul3A_406 = arith.mulf %dot_general3A_403, %slice3A_405 : vector<256x512xf32>
    %add3A_407 = arith.addf %add3A_396, %mul3A_406 : vector<256x512xf32>
    %get3A_408 = arith.constant 4 : index
    %get3A_409 = arith.constant 0 : index
    %get3A_410 = arith.constant 0 : index
    %get3A_411 = vector.load %arg12[%get3A_408, %get3A_409, %get3A_410] : memref<9x72x512xbf16, #tpu.memory_space<vmem>>, vector<1x72x512xbf16>
    %get3A_412 = vector.shape_cast %get3A_411 : vector<1x72x512xbf16> to vector<72x512xbf16>
    %dot_general3A_413 = arith.constant dense<0.000000e+00> : vector<256x512xf32>
    %dot_general3A_414 = tpu.matmul %convert_element_type3A_361, %get3A_412, %dot_general3A_413 {dimension_numbers = #tpu.dot_dimension_numbers<[1], [0], [0], [1], [0, 0, 1, 1], [], []>, transpose_lhs_hint = false} : vector<256x72xbf16>, vector<72x512xbf16>, vector<256x512xf32> -> vector<256x512xf32>
    %slice3A_415 = vector.extract_strided_slice %add3A_38 {offsets = [0, 2048], sizes = [2304, 512], strides = [1, 1]} : vector<2304x2560xf32> to vector<2304x512xf32>
    %slice3A_416 = vector.extract_strided_slice %slice3A_415 {offsets = [1024, 0], sizes = [256, 512], strides = [1, 1]} : vector<2304x512xf32> to vector<256x512xf32>
    %mul3A_417 = arith.mulf %dot_general3A_414, %slice3A_416 : vector<256x512xf32>
    %add3A_418 = arith.addf %add3A_407, %mul3A_417 : vector<256x512xf32>
    %get3A_419 = arith.constant 5 : index
    %get3A_420 = arith.constant 0 : index
    %get3A_421 = arith.constant 0 : index
    %get3A_422 = vector.load %arg12[%get3A_419, %get3A_420, %get3A_421] : memref<9x72x512xbf16, #tpu.memory_space<vmem>>, vector<1x72x512xbf16>
    %get3A_423 = vector.shape_cast %get3A_422 : vector<1x72x512xbf16> to vector<72x512xbf16>
    %dot_general3A_424 = arith.constant dense<0.000000e+00> : vector<256x512xf32>
    %dot_general3A_425 = tpu.matmul %convert_element_type3A_361, %get3A_423, %dot_general3A_424 {dimension_numbers = #tpu.dot_dimension_numbers<[1], [0], [0], [1], [0, 0, 1, 1], [], []>, transpose_lhs_hint = false} : vector<256x72xbf16>, vector<72x512xbf16>, vector<256x512xf32> -> vector<256x512xf32>
    %slice3A_426 = vector.extract_strided_slice %add3A_38 {offsets = [0, 2048], sizes = [2304, 512], strides = [1, 1]} : vector<2304x2560xf32> to vector<2304x512xf32>
    %slice3A_427 = vector.extract_strided_slice %slice3A_426 {offsets = [1280, 0], sizes = [256, 512], strides = [1, 1]} : vector<2304x512xf32> to vector<256x512xf32>
    %mul3A_428 = arith.mulf %dot_general3A_425, %slice3A_427 : vector<256x512xf32>
    %add3A_429 = arith.addf %add3A_418, %mul3A_428 : vector<256x512xf32>
    %get3A_430 = arith.constant 6 : index
    %get3A_431 = arith.constant 0 : index
    %get3A_432 = arith.constant 0 : index
    %get3A_433 = vector.load %arg12[%get3A_430, %get3A_431, %get3A_432] : memref<9x72x512xbf16, #tpu.memory_space<vmem>>, vector<1x72x512xbf16>
    %get3A_434 = vector.shape_cast %get3A_433 : vector<1x72x512xbf16> to vector<72x512xbf16>
    %dot_general3A_435 = arith.constant dense<0.000000e+00> : vector<256x512xf32>
    %dot_general3A_436 = tpu.matmul %convert_element_type3A_361, %get3A_434, %dot_general3A_435 {dimension_numbers = #tpu.dot_dimension_numbers<[1], [0], [0], [1], [0, 0, 1, 1], [], []>, transpose_lhs_hint = false} : vector<256x72xbf16>, vector<72x512xbf16>, vector<256x512xf32> -> vector<256x512xf32>
    %slice3A_437 = vector.extract_strided_slice %add3A_38 {offsets = [0, 2048], sizes = [2304, 512], strides = [1, 1]} : vector<2304x2560xf32> to vector<2304x512xf32>
    %slice3A_438 = vector.extract_strided_slice %slice3A_437 {offsets = [1536, 0], sizes = [256, 512], strides = [1, 1]} : vector<2304x512xf32> to vector<256x512xf32>
    %mul3A_439 = arith.mulf %dot_general3A_436, %slice3A_438 : vector<256x512xf32>
    %add3A_440 = arith.addf %add3A_429, %mul3A_439 : vector<256x512xf32>
    %get3A_441 = arith.constant 7 : index
    %get3A_442 = arith.constant 0 : index
    %get3A_443 = arith.constant 0 : index
    %get3A_444 = vector.load %arg12[%get3A_441, %get3A_442, %get3A_443] : memref<9x72x512xbf16, #tpu.memory_space<vmem>>, vector<1x72x512xbf16>
    %get3A_445 = vector.shape_cast %get3A_444 : vector<1x72x512xbf16> to vector<72x512xbf16>
    %dot_general3A_446 = arith.constant dense<0.000000e+00> : vector<256x512xf32>
    %dot_general3A_447 = tpu.matmul %convert_element_type3A_361, %get3A_445, %dot_general3A_446 {dimension_numbers = #tpu.dot_dimension_numbers<[1], [0], [0], [1], [0, 0, 1, 1], [], []>, transpose_lhs_hint = false} : vector<256x72xbf16>, vector<72x512xbf16>, vector<256x512xf32> -> vector<256x512xf32>
    %slice3A_448 = vector.extract_strided_slice %add3A_38 {offsets = [0, 2048], sizes = [2304, 512], strides = [1, 1]} : vector<2304x2560xf32> to vector<2304x512xf32>
    %slice3A_449 = vector.extract_strided_slice %slice3A_448 {offsets = [1792, 0], sizes = [256, 512], strides = [1, 1]} : vector<2304x512xf32> to vector<256x512xf32>
    %mul3A_450 = arith.mulf %dot_general3A_447, %slice3A_449 : vector<256x512xf32>
    %add3A_451 = arith.addf %add3A_440, %mul3A_450 : vector<256x512xf32>
    %get3A_452 = arith.constant 8 : index
    %get3A_453 = arith.constant 0 : index
    %get3A_454 = arith.constant 0 : index
    %get3A_455 = vector.load %arg12[%get3A_452, %get3A_453, %get3A_454] : memref<9x72x512xbf16, #tpu.memory_space<vmem>>, vector<1x72x512xbf16>
    %get3A_456 = vector.shape_cast %get3A_455 : vector<1x72x512xbf16> to vector<72x512xbf16>
    %dot_general3A_457 = arith.constant dense<0.000000e+00> : vector<256x512xf32>
    %dot_general3A_458 = tpu.matmul %convert_element_type3A_361, %get3A_456, %dot_general3A_457 {dimension_numbers = #tpu.dot_dimension_numbers<[1], [0], [0], [1], [0, 0, 1, 1], [], []>, transpose_lhs_hint = false} : vector<256x72xbf16>, vector<72x512xbf16>, vector<256x512xf32> -> vector<256x512xf32>
    %slice3A_459 = vector.extract_strided_slice %add3A_38 {offsets = [0, 2048], sizes = [2304, 512], strides = [1, 1]} : vector<2304x2560xf32> to vector<2304x512xf32>
    %slice3A_460 = vector.extract_strided_slice %slice3A_459 {offsets = [2048, 0], sizes = [256, 512], strides = [1, 1]} : vector<2304x512xf32> to vector<256x512xf32>
    %mul3A_461 = arith.mulf %dot_general3A_458, %slice3A_460 : vector<256x512xf32>
    %add3A_462 = arith.addf %add3A_451, %mul3A_461 : vector<256x512xf32>
    %convert_element_type3A_463 = arith.truncf %add3A_462 : vector<256x512xf32> to vector<256x512xbf16>
    %get3A_464 = arith.constant 0 : index
    %get3A_465 = arith.constant 0 : index
    %get3A_466 = vector.load %arg13[%get3A_464, %get3A_465] : memref<512x256xbf16, #tpu.memory_space<vmem>>, vector<512x256xbf16>
    %dot_general3A_467 = arith.constant dense<0.000000e+00> : vector<256x256xf32>
    %dot_general3A_468 = tpu.matmul %convert_element_type3A_463, %get3A_466, %dot_general3A_467 {dimension_numbers = #tpu.dot_dimension_numbers<[1], [0], [0], [1], [0, 0, 1, 1], [], []>, transpose_lhs_hint = false} : vector<256x512xbf16>, vector<512x256xbf16>, vector<256x256xf32> -> vector<256x256xf32>
    %get3A_469 = arith.constant 0 : index
    %get3A_470 = arith.constant 0 : index
    %get3A_471 = vector.load %arg14[%get3A_469, %get3A_470] : memref<1x256xf32, #tpu.memory_space<vmem>>, vector<1x256xf32>
    %add3A_472 = vector.broadcast %get3A_471 : vector<1x256xf32> to vector<256x256xf32>
    %add3A_473 = arith.addf %dot_general3A_468, %add3A_472 : vector<256x256xf32>
    %swap3A = arith.constant 0 : index
    %swap3A_474 = arith.constant 0 : index
    %swap3A_475 = arith.constant 0 : index
    %swap3A_476 = arith.constant 0 : index
    %swap3A_477 = vector.load %arg15[%swap3A, %swap3A_474, %swap3A_475, %swap3A_476] : memref<1x1x256x256xf32, #tpu.memory_space<vmem>>, vector<1x1x256x256xf32>
    %swap3A_478 = vector.shape_cast %swap3A_477 : vector<1x1x256x256xf32> to vector<256x256xf32>
    %swap3A_479 = vector.shape_cast %add3A_473 : vector<256x256xf32> to vector<1x1x256x256xf32>
    tpu.vector_store %arg15[%swap3A, %swap3A_474, %swap3A_475, %swap3A_476], %swap3A_479 {strides = array<i32>} : memref<1x1x256x256xf32, #tpu.memory_space<vmem>>, vector<1x1x256x256xf32>,
    return
  }
  func.func @transform_0(%arg0: i32, %arg1: i32, %arg2: i32) -> (i32, i32, i32) {
    %mul3A = arith.constant 4 : i32
    %mul3A_0 = arith.muli %arg0, %mul3A : i32
    %add3A = arith.addi %mul3A_0, %arg1 : i32
    %mul3A_1 = arith.constant 2 : i32
    %mul3A_2 = arith.muli %add3A, %mul3A_1 : i32
    %add3A_3 = arith.addi %mul3A_2, %arg2 : i32
    %c0_i32 = arith.constant 0 : i32
    %c0_i32_4 = arith.constant 0 : i32
    %c0_i32_5 = arith.constant 0 : i32
    return %c0_i32, %add3A_3, %c0_i32_4 : i32, i32, i32
  }
  func.func @transform_1(%arg0: i32, %arg1: i32, %arg2: i32) -> (i32, i32, i32, i32) {
    %c0_i32 = arith.constant 0 : i32
    %c0_i32_0 = arith.constant 0 : i32
    %c0_i32_1 = arith.constant 0 : i32
    return %arg0, %c0_i32, %arg2, %c0_i32_0 : i32, i32, i32, i32
  }
  func.func @transform_2(%arg0: i32, %arg1: i32, %arg2: i32) -> (i32, i32, i32, i32) {
    %c0_i32 = arith.constant 0 : i32
    %c0_i32_0 = arith.constant 0 : i32
    %c0_i32_1 = arith.constant 0 : i32
    return %arg0, %c0_i32, %arg2, %c0_i32_0 : i32, i32, i32, i32
  }
  func.func @transform_3(%arg0: i32, %arg1: i32, %arg2: i32) -> (i32, i32) {
    %c0_i32 = arith.constant 0 : i32
    %c0_i32_0 = arith.constant 0 : i32
    %c0_i32_1 = arith.constant 0 : i32
    return %c0_i32, %c0_i32_0 : i32, i32
  }
  func.func @transform_4(%arg0: i32, %arg1: i32, %arg2: i32) -> (i32, i32) {
    %c0_i32 = arith.constant 0 : i32
    %c0_i32_0 = arith.constant 0 : i32
    %c0_i32_1 = arith.constant 0 : i32
    return %c0_i32, %c0_i32_0 : i32, i32
  }
  func.func @transform_5(%arg0: i32, %arg1: i32, %arg2: i32) -> (i32, i32) {
    %c0_i32 = arith.constant 0 : i32
    %c0_i32_0 = arith.constant 0 : i32
    %c0_i32_1 = arith.constant 0 : i32
    return %c0_i32, %c0_i32_0 : i32, i32
  }
  func.func @transform_6(%arg0: i32, %arg1: i32, %arg2: i32) -> (i32, i32) {
    %c0_i32 = arith.constant 0 : i32
    %c0_i32_0 = arith.constant 0 : i32
    %c0_i32_1 = arith.constant 0 : i32
    return %c0_i32, %c0_i32_0 : i32, i32
  }
  func.func @transform_7(%arg0: i32, %arg1: i32, %arg2: i32) -> (i32, i32) {
    %c0_i32 = arith.constant 0 : i32
    %c0_i32_0 = arith.constant 0 : i32
    %c0_i32_1 = arith.constant 0 : i32
    return %c0_i32, %c0_i32_0 : i32, i32
  }
  func.func @transform_8(%arg0: i32, %arg1: i32, %arg2: i32) -> (i32, i32) {
    %c0_i32 = arith.constant 0 : i32
    %c0_i32_0 = arith.constant 0 : i32
    %c0_i32_1 = arith.constant 0 : i32
    return %c0_i32, %c0_i32_0 : i32, i32
  }
  func.func @transform_9(%arg0: i32, %arg1: i32, %arg2: i32) -> (i32, i32, i32) {
    %c0_i32 = arith.constant 0 : i32
    %c0_i32_0 = arith.constant 0 : i32
    %c0_i32_1 = arith.constant 0 : i32
    %c0_i32_2 = arith.constant 0 : i32
    return %c0_i32, %c0_i32_0, %c0_i32_1 : i32, i32, i32
  }
  func.func @transform_10(%arg0: i32, %arg1: i32, %arg2: i32) -> (i32, i32) {
    %c0_i32 = arith.constant 0 : i32
    %c0_i32_0 = arith.constant 0 : i32
    %c0_i32_1 = arith.constant 0 : i32
    return %c0_i32, %c0_i32_0 : i32, i32
  }
  func.func @transform_11(%arg0: i32, %arg1: i32, %arg2: i32) -> (i32, i32) {
    %c0_i32 = arith.constant 0 : i32
    %c0_i32_0 = arith.constant 0 : i32
    %c0_i32_1 = arith.constant 0 : i32
    return %c0_i32, %c0_i32_0 : i32, i32
  }
  func.func @transform_12(%arg0: i32, %arg1: i32, %arg2: i32) -> (i32, i32, i32, i32) {
    %c0_i32 = arith.constant 0 : i32
    %c0_i32_0 = arith.constant 0 : i32
    return %arg0, %arg1, %arg2, %c0_i32 : i32, i32, i32, i32
  }
}

</mosaic_0001>

<sc_bundles>
// kernel: kernel.6.cloned.1.call-start
scs
__scs_entry_jumppad:
0x0: {  	(pc) =	sbr.rel $0x88, $3  }
0x1: {  	(tag) =	ssettag $0x0;
	lr =	simm.s32 $0x1  }
0x2: {  	[smem:$0x3F9C] =	sst lr;
	_ =	strace $0xD0000000  }
0x3: {  	_ = 	snop  }
0x4: {  	_ = 	snop  }
0x5: {  	_ = 	snop  }
0x6: {  	_ = 	snop  }
0x7: {  	_ = 	snop  }
__scs_overlays_trampoline_lowered:
0x8: {  	[smem:$0x3FAB] =	sst s0  }
0x9: {  	[smem:$0x3FAC] =	sst s1  }
0xa: {  	[smem:$0x3FAD] =	sst s2  }
0xb: {  	[smem:$0x3FAE] =	sst s3  }
0xc: {  	[smem:$0x3FAF] =	sst s4  }
0xd: {  	[smem:$0x3FB0] =	sst s5  }
0xe: {  	[smem:$0x3FB1] =	sst s6  }
0xf: {  	[smem:$0x3FB2] =	sst s7  }
0x10: {  	[smem:$0x3FB3] =	sst s8  }
0x11: {  	[smem:$0x3FB4] =	sst s9;
	s0 =	simm.s32 @!p0 $0x0  }
0x12: {  	s1 =	sld [smem:$0x3F9A];
	s0 =	simm.s32 @p0 $0x1  }
0x13: {  	[smem:$0x3FB5] =	sst s0;
	s0 =	simm.s32 @!p1 $0x0  }
0x14: {  	s2 =	sld [smem:$0x3F99];
	s0 =	simm.s32 @p1 $0x1  }
0x15: {  	[smem:$0x3FB6] =	sst s0;
	s0 =	simm.s32 @!p2 $0x0  }
0x16: {  	s3 =	sld [smem:$0x3FDB];
	s0 =	simm.s32 @p2 $0x1  }
0x17: {  	s4 =	simm.s32 $0x1BF5;
	[smem:$0x3FB8] =	sst s0  }
0x18: {  	s0 =	sld [smem:$0x3F9B];
	_ =	swait.ge [sflag:s4], $0x0  }
0x19: {  	s7 =	sld [smem:$0x3F9C]  }
0x1a: {  	s8 =	sadd.s32 $0xFFFFE003, lr  }
0x1b: {  	s9 =	sadd.s32 $0xFFFFFEF7, lr;
	s5 =	simm.s32 $0xFFFFFFFF;
	p2 =	slt.u32 s8, $0xFFFFF086  }
0x1c: {  	p1 =	slt.u32 s9, $0xF7A;
	s5 =	simm.s32 @!p2 $0x0  }
0x1d: {  	s5 =	simm.s32 @p1 $0x1;
	p0 =	seq.s32 s7, s2  }
0x1e: {  	s7 =	smul.u32 @!p0 $0xF7A, s2;
	p2 =	seq.s32 @!p0 s5, $0x0  }
0x1f: {  	s9 =	smul.u32 $0xF7A, s1;
	s8 =	simm.s32 @!p0 $0x1BF5;
	p2 =	por !p2, p0  }
0x20: {  	[sflag:s8] =	ssyncset.s32 @!p0 $0xFFFFF086;
	s6 =	sadd.s32 @!p0 s3, s7;
	s7 =	simm.s32 @!p0 $0x108  }
0x21: {  	s3 =	sadd.s32 s3, s9;
	s6 =	sadd.s32 @!p0 $0x88, s6;
	s7 =	simm.s32 @p2 $0x1082  }
0x22: {  	[simem:s7], [sflag:s8] =	dma.local @!p0 [hbm:s6], $0xF7A  }
0x23: {  	s9 =	sor.u32 $0xD0000000, s2;
	s6 =	simm.s32 $0x108;
	_ =	swait.ge @!p0 [sflag:s8], $0x0  }
0x24: {  	s3 =	sadd.s32 $0x88, s3;
	s6 =	simm.s32 @!p1 $0x1082;
	[sflag:s4] =	ssyncset.s32 $0xFFFFF086  }
0x25: {  	[simem:s6], [sflag:s4] =	dma.local [hbm:s3], $0xF7A  }
0x26: {  	[smem:$0x3F9C] =	sst s1;
	(tag) =	ssettag s2;
	_ =	strace s9  }
0x27: {  	s1 =	sld [smem:$0x3FAC]  }
0x28: {  	s2 =	sld [smem:$0x3FAD]  }
0x29: {  	s4 =	sld [smem:$0x3FAF]  }
0x2a: {  	p0 =	seq.s32 s5, $0x0;
	s5 =	sld [smem:$0x3FB0]  }
0x2b: {  	s6 =	sld [smem:$0x3FB1]  }
0x2c: {  	s7 =	sld [smem:$0x3FB2]  }
0x2d: {  	s3 =	simm.s32 $0x108;
	s8 =	sld [smem:$0x3FB3]  }
0x2e: {  	s3 =	simm.s32 @!p0 $0x1082;
	s9 =	sld [smem:$0x3FB4]  }
0x2f: {  	lr =	sadd.s32 s0, s3;
	s0 =	sld [smem:$0x3FAB]  }
0x30: {  	s3 =	sld [smem:$0x3FAE]  }
0x31: {  	[smem:$0x3FB7] =	sst s10  }
0x32: {  	s10 =	sld [smem:$0x3FB5];
	_ =	sdelay $0x3  }
0x33: {  	p0 =	seq.s32 s10, $0x1;
	s10 =	sld [smem:$0x3FB7];
	_ =	sdelay $0x3  }
0x34: {  	[smem:$0x3FB7] =	sst s10  }
0x35: {  	s10 =	sld [smem:$0x3FB6];
	_ =	sdelay $0x3  }
0x36: {  	p1 =	seq.s32 s10, $0x1;
	s10 =	sld [smem:$0x3FB7];
	_ =	sdelay $0x3  }
0x37: {  	[smem:$0x3FB7] =	sst s10  }
0x38: {  	s10 =	sld [smem:$0x3FB8]  }
0x39: {  	_ = 	snop;
	(pc) =	sbr.ind lr, $3  }
0x3a: {  	_ = 	snop  }
0x3b: {  	_ = 	snop  }
0x3c: {  	p2 =	seq.s32 s10, $0x1;
	s10 =	sld [smem:$0x3FB7]  }
0x3d: {  	_ =	shalt  }
0x3e: {  	_ =	shalt  }
0x3f: {  	_ =	shalt  }
0x40: {  	_ =	shalt  }
0x41: {  	_ =	shalt  }
0x42: {  	_ =	shalt  }
0x43: {  	_ =	shalt  }
0x44: {  	_ =	shalt  }
0x45: {  	_ =	shalt  }
0x46: {  	_ =	shalt  }
0x47: {  	_ =	shalt  }
0x48: {  	_ =	shalt  }
0x49: {  	_ =	shalt  }
0x4a: {  	_ =	shalt  }
0x4b: {  	_ =	shalt  }
0x4c: {  	_ =	shalt  }
0x4d: {  	_ =	shalt  }
0x4e: {  	_ =	shalt  }
0x4f: {  	_ =	shalt  }
0x50: {  	_ =	shalt  }
0x51: {  	_ =	shalt  }
0x52: {  	_ =	shalt  }
0x53: {  	_ =	shalt  }
0x54: {  	_ =	shalt  }
0x55: {  	_ =	shalt  }
0x56: {  	_ =	shalt  }
0x57: {  	_ =	shalt  }
0x58: {  	_ =	shalt  }
0x59: {  	_ =	shalt  }
0x5a: {  	_ =	shalt  }
0x5b: {  	_ =	shalt  }
0x5c: {  	_ =	shalt  }
0x5d: {  	_ =	shalt  }
0x5e: {  	_ =	shalt  }
0x5f: {  	_ =	shalt  }
0x60: {  	_ =	shalt  }
0x61: {  	_ =	shalt  }
0x62: {  	_ =	shalt  }
0x63: {  	_ =	shalt  }
0x64: {  	_ =	shalt  }
0x65: {  	_ =	shalt  }
0x66: {  	_ =	shalt  }
0x67: {  	_ =	shalt  }
0x68: {  	_ =	shalt  }
0x69: {  	_ =	shalt  }
0x6a: {  	_ =	shalt  }
0x6b: {  	_ =	shalt  }
0x6c: {  	_ =	shalt  }
0x6d: {  	_ =	shalt  }
0x6e: {  	_ =	shalt  }
0x6f: {  	_ =	shalt  }
0x70: {  	_ =	shalt  }
0x71: {  	_ =	shalt  }
0x72: {  	_ =	shalt  }
0x73: {  	_ =	shalt  }
0x74: {  	_ =	shalt  }
0x75: {  	_ =	shalt  }
0x76: {  	_ =	shalt  }
0x77: {  	_ =	shalt  }
0x78: {  	_ =	shalt  }
0x79: {  	_ =	shalt  }
0x7a: {  	_ =	shalt  }
0x7b: {  	_ =	shalt  }
0x7c: {  	_ =	shalt  }
0x7d: {  	_ =	shalt  }
0x7e: {  	_ =	shalt  }
0x7f: {  	_ =	shalt  }
0x80: {  	_ =	shalt  }
0x81: {  	_ =	shalt  }
0x82: {  	_ =	shalt  }
0x83: {  	_ =	shalt  }
0x84: {  	_ =	shalt  }
0x85: {  	_ =	shalt  }
0x86: {  	_ =	shalt  }
0x87: {  	_ =	shalt  }
.Lfunc_end0:
.L_simem_size_0:
called_computation_lowered:
.L_overlay_start_0:
0x88: {  	s2 =	sld [smem:$0x3FD9]  }
0x89: {  	s3 =	sld [smem:$0x3FFE];
	_ =	sdelay $0x1  }
0x8a: {  	s1 =	srdreg.scid  }
0x8b: {  	s0 =	sand.u32 $0x1, s1  }
0x8c: {  	s14 =	sshll.u32 s0, $0xA;
	s2 =	sadd.s32 s3, s2  }
0x8d: {  	s2 =	sadd.s32 s2, s14  }
0x8e: {  	[smem:$0x3FC3] =	sst s2  }
0x8f: {  	_ = 	snop  }
0x90: {  	s2 =	sld [smem:$0x3FD0];
	_ =	sdelay $0x2  }
0x91: {  	s4 =	simm.s32 $0xA;
	s5 =	simm.s32 $0x10;
	s15 =	sld [smem:$0x3FC9]  }
0x92: {  	[smem:s5], [sflag:s4] =	dma.local [hbm:s2], $0x1  }
0x93: {  	_ =	swait.eq [sflag:s4], $0x1  }
0x94: {  	[sflag:s4] =	ssyncset.done $0x0  }
0x95: {  	[sflag:s4] =	ssyncadd.s32 $0xFFFFFFFF  }
0x96: {  	s16 =	sld [smem:$0x10];
	(tm) =	ssettm $0x1  }
0x97: {  	s17 =	sld [smem:$0x3FFB];
	_ =	sdelay $0x3  }
0x98: {  	_ =	strace s17  }
0x99: {  	s4 =	sld [smem:$0x3FFC];
	_ =	sdelay $0x3  }
0x9a: {  	_ =	strace s4  }
0x9b: {  	s4 =	sld [smem:$0x3FFD];
	_ =	sdelay $0x3  }
0x9c: {  	_ =	strace s4  }
0x9d: {  	_ =	strace $0x8FFFFFFF  }
0x9e: {  	s18 =	sld [smem:$0x3FDB];
	_ =	sdelay $0x1  }
0x9f: {  	s19 =	simm.s32 $_scs_section_size  }
0xa0: {  	s6 =	simm.s32 $_size__tile_overlayer_lowered;
	s7 =	simm.s32 $_tile_overlayer_lowered  }
0xa1: {  	s22 =	simm.s32 $0x1BFF;
	s21 =	sshll.u32 s7, $0x1;
	s4 =	sadd.s32 s19, s18  }
0xa2: {  	s8 =	simm.s32 $0x0;
	s20 =	sshll.u32 s6, $0x1;
	s6 =	sadd.s32 s21, s4  }
0xa3: {  	[timem:s8], [sflag:s22] =	dma.local [hbm:s6], s20  }
0xa4: {  	_ =	swait.ge [sflag:s22], s20  }
0xa5: {  	s5 =	ssub.s32 $0x0, s20;
	[sflag:s22] =	ssyncset.done $0x0  }
0xa6: {  	[sflag:s22] =	ssyncadd.s32 s5;
	_ =	sdelay $0x1  }
0xa7: {  	s23 =	simm.s32 $0x1B8B  }
0xa8: {  	_ =	swait.ge [sflag:s23], $0x1  }
0xa9: {  	[sflag:s23] =	ssyncset.done $0x0  }
0xaa: {  	s25 =	simm.s32 $0x1B8E;
	s24 =	sld [smem:$0x3FFE];
	[sflag:s23] =	ssyncadd.s32 $0xFFFFFFFF  }
0xab: {  	s26 =	simm.s32 $execute0_lowered;
	[smem:$0x3FD2] =	sst s25  }
0xac: {  	s6 =	sshll.u32 s26, $0x1;
	_ =	strace $0x80000046;
	[dreg:$0x1] =	wrdreg $0xFFFFFFFF  }
0xad: {  	s28 =	simm.s32 $_size_execute0_lowered;
	s4 =	sadd.s32 s4, s6;
	[dreg:$0x0] =	wrdreg $0x0  }
0xae: {  	s6 =	sshll.u32 s28, $0x1;
	[dreg:$0x2] =	wrdreg s4  }
0xaf: {  	[dreg:$0x3] =	wrdreg s6  }
0xb0: {  	[dreg:$0x4] =	wrdreg $0xC0  }
0xb1: {  	_ =	task [dreg:s8], $0x5FFFF  }
0xb2: {  	[dreg:$0x1] =	wrdreg $0xFFFFFFFF  }
0xb3: {  	[dreg:$0x0] =	wrdreg $0x60  }
0xb4: {  	[dreg:$0x2] =	wrdreg s15  }
0xb5: {  	[dreg:$0x3] =	wrdreg s16  }
0xb6: {  	[dreg:$0x4] =	wrdreg s24  }
0xb7: {  	[dreg:$0x5] =	wrdreg $0x9  }
0xb8: {  	_ =	task.clear_ibuf [dreg:s8], $0x6FFFF;
	_ =	strace $0x90000046  }
0xb9: {  	s29 =	simm.s32 $0x9;
	_ =	strace $0x80000048  }
0xba: {  	_ =	swait.ge [sflag:s29], $0x1  }
0xbb: {  	[sflag:s29] =	ssyncadd.s32 $0xFFFFFFFF  }
0xbc: {  	_ =	strace $0x90000048  }
0xbd: {  	_ =	sfence  }
0xbe: {  	s30 =	sld [smem:$0x0];
	_ =	sdelay $0x2  }
0xbf: {  	s31 =	sshll.u32 s1, $0xD;
	s1 =	sshrl.u32 s1, $0x2  }
0xc0: {  	s3 =	sand.u32 $0x4000, s31;
	s1 =	sadd.s32 s1, s30  }
0xc1: {  	s0 =	sor.u32 s3, s0;
	s1 =	sshll.u32 s1, $0x11  }
0xc2: {  	s0 =	sor.u32 s1, s0  }
0xc3: {  	s0 =	sadd.s32 $0x8F2B, s0  }
0xc4: {  	[sflag:s0] =	ssyncadd.remote.s32 $0x1  }
0xc5: {  	_ =	sfence.sel $0xFFFF  }
0xc6: {  	[dreg:$0x0] =	wrdreg $0xFFFFFFFF;
	(pc) =	sbr.abs _section_cstart, $3  }
0xc7: {  	[dreg:$0x1] =	wrdreg $0xFFFFFFFF  }
0xc8: {  	_ =	task.clear_ibuf [dreg:s8], $0x2FFFF;
	_ =	strace $0x9FFFFFFF  }
0xc9: {  	(tm) =	ssettm $0x7FFFFFFF  }
tec
execute0_lowered:
.L_overlay_start_1:
0x0: {  	(tag) =	ssettag $0x1  }
0x1: {  	s0 =	srdreg.scid;
	s3 =	stileid.u32  }
0x2: {  	s0 =	sand.u32 $0x1, s0;
	s3 =	sshll.u32 s3, $0x1  }
0x3: {  	s1 =	rddreg [dreg:$0x0];
	s5 =	sor.u32 s0, s3  }
0x4: {  	s2 =	rddreg [dreg:$0x1];
	s6 =	smul.u32 $0x90, s5  }
0x5: {  	s4 =	rddreg [dreg:$0x2];
	s3 =	simm.s32 $0x0;
	s7 =	smul.u32 $0x48000, s5  }
0x6: {  	s4 =	sadd.s32 $0x1600, s4;
	[smem:$0x7FF] =	sst s3;
	s5 =	smul.u32 $0x9000, s5  }
0x7: {  	_ =	strace $0x80000047;
	s2 =	sadd.s32 s2, s6;
	s18 =	sshrl.u32 s7, $0x3  }
0x8: {  	s19 =	sadd.s32 s4, s5;
	[dreg:$0x4] =	wrdreg s2;
	s4 =	sadd.s32 s4, s18  }
0x9: {  	[dreg:$0x5] =	wrdreg s19;
	s20 =	sadd.s32 $0x1000, s4  }
0xa: {  	s12 =	simm.s32 $0x480;
	s21 =	sadd.s32 $0x2000, s4;
	[dreg:$0x6] =	wrdreg s20  }
0xb: {  	s29 =	simm.s32 $0x1;
	s22 =	sadd.s32 $0x3000, s4;
	[dreg:$0x7] =	wrdreg s21  }
0xc: {  	s30 =	simm.s32 $0x2;
	s23 =	sadd.s32 $0x4000, s4;
	[dreg:$0x8] =	wrdreg s22  }
0xd: {  	s0 =	ssub.s32 $0x2, s0;
	s24 =	sadd.s32 $0x5000, s4;
	[dreg:$0x9] =	wrdreg s23  }
0xe: {  	s28 =	sshrl.u32 s0, $0x1;
	s25 =	sadd.s32 $0x6000, s4;
	[dreg:$0xa] =	wrdreg s24  }
0xf: {  	v2 =	vlaneseq.u32;
	s0 =	ssub.s32 s0, s28;
	s26 =	sadd.s32 $0x7000, s4;
	[dreg:$0xb] =	wrdreg s25  }
0x10: {  	vm0 =	vmmov $0xffff;
	v1 =	vshrl.u32 v2, $0x3;
	s5 =	simm.s32 $0x3;
	s31 =	sadd.s32 $0x8000, s4;
	[dreg:$0xc] =	wrdreg s26  }
0x11: {  	v0 =	vand.u32 $0x7, v2;
	v2 =	vor.u32 $0x8, v2;
	v1 =	vmul.u32 $0x8, v1;
	s6 =	simm.s32 $0x8480;
	s4 =	smax.u32 s0, $0x1;
	[dreg:$0xd] =	wrdreg s31  }
.LBB2_1:
0x12: {  	s31 =	rddreg [dreg:$0x4]  }
0x13: {  	[tilespmem:s3], [sflag:$0x3] =	stream.linear.gather [hbm4b:s31+s3], $0x480, $0x38;
	[tilespmem:$0x10480] =	vst v63  }
0x14: {  	_ =	swait.ge [sflag:s5], $0x480  }
0x15: {  	[sflag:s5] =	ssyncset.done $0x0  }
0x16: {  	[sflag:s5] =	ssyncadd.s32 $0xFFFFFB80  }
0x17: {  	v3 =	vld [tilespmem:$0x0];
	_ =	sdelay $0x4  }
0x18: {  	v4 =	vshll.u32 v3, $0x1  }
0x19: {  	v3 =	vand.u32 $0x7, v3;
	v4 =	vand.u32 $0xFFFFFFF0, v4  }
0x1a: {  	v3 =	vor.u32 v3, v4  }
0x1b: {  	v4 =	vperm.xlane v3, v0;
	_ =	sdelay $0x1  }
0x1c: {  	v3 =	vperm.xlane v3, v2;
	v4 =	vadd.s32 v1, v4;
	_ =	sdelay $0x1  }
0x1d: {  	v3 =	vadd.s32 v1, v3;
	_ =	sdelay $0x2  }
0x1e: {  	[tilespmem:s12], [sflag:$0x1] =	stream.indirect_vreg.gather [hbm4b:s1+s3], $0x80, v4, vm0, $0xb8;
	[tilespmem:$0x10480] =	vst v63  }
0x1f: {  	s0 =	simm.s32 $0xC80  }
0x20: {  	[tilespmem:s0], [sflag:$0x1] =	stream.indirect_vreg.gather [hbm4b:s1+s3], $0x80, v3, vm0, $0xb8;
	[tilespmem:$0x10480] =	vst v63  }
0x21: {  	v3 =	vld [tilespmem:$0x10];
	_ =	sdelay $0x4  }
0x22: {  	v49 =	vshll.u32 v3, $0x1  }
0x23: {  	v3 =	vand.u32 $0x7, v3;
	v4 =	vand.u32 $0xFFFFFFF0, v49  }
0x24: {  	v3 =	vor.u32 v3, v4  }
0x25: {  	v4 =	vperm.xlane v3, v0;
	_ =	sdelay $0x1  }
0x26: {  	v3 =	vperm.xlane v3, v2;
	v4 =	vadd.s32 v1, v4;
	_ =	sdelay $0x1  }
0x27: {  	v3 =	vadd.s32 v1, v3;
	_ =	sdelay $0x1  }
0x28: {  	s11 =	simm.s32 $0x1480  }
0x29: {  	[tilespmem:s11], [sflag:$0x1] =	stream.indirect_vreg.gather [hbm4b:s1+s3], $0x80, v4, vm0, $0xb8;
	[tilespmem:$0x10480] =	vst v63  }
0x2a: {  	s13 =	simm.s32 $0x1C80  }
0x2b: {  	[tilespmem:s13], [sflag:$0x1] =	stream.indirect_vreg.gather [hbm4b:s1+s3], $0x80, v3, vm0, $0xb8;
	[tilespmem:$0x10480] =	vst v63  }
0x2c: {  	v3 =	vld [tilespmem:$0x20];
	_ =	sdelay $0x4  }
0x2d: {  	v50 =	vshll.u32 v3, $0x1  }
0x2e: {  	v3 =	vand.u32 $0x7, v3;
	v4 =	vand.u32 $0xFFFFFFF0, v50  }
0x2f: {  	v3 =	vor.u32 v3, v4  }
0x30: {  	v4 =	vperm.xlane v3, v0;
	_ =	sdelay $0x1  }
0x31: {  	v3 =	vperm.xlane v3, v2;
	v4 =	vadd.s32 v1, v4;
	_ =	sdelay $0x1  }
0x32: {  	v3 =	vadd.s32 v1, v3;
	_ =	sdelay $0x1  }
0x33: {  	s14 =	simm.s32 $0x2480  }
0x34: {  	[tilespmem:s14], [sflag:$0x1] =	stream.indirect_vreg.gather [hbm4b:s1+s3], $0x80, v4, vm0, $0xb8;
	[tilespmem:$0x10480] =	vst v63  }
0x35: {  	s15 =	simm.s32 $0x2C80  }
0x36: {  	[tilespmem:s15], [sflag:$0x1] =	stream.indirect_vreg.gather [hbm4b:s1+s3], $0x80, v3, vm0, $0xb8;
	[tilespmem:$0x10480] =	vst v63  }
0x37: {  	v3 =	vld [tilespmem:$0x30];
	_ =	sdelay $0x4  }
0x38: {  	v51 =	vshll.u32 v3, $0x1  }
0x39: {  	v3 =	vand.u32 $0x7, v3;
	v4 =	vand.u32 $0xFFFFFFF0, v51  }
0x3a: {  	v3 =	vor.u32 v3, v4  }
0x3b: {  	v4 =	vperm.xlane v3, v0;
	_ =	sdelay $0x1  }
0x3c: {  	v3 =	vperm.xlane v3, v2;
	v4 =	vadd.s32 v1, v4;
	_ =	sdelay $0x1  }
0x3d: {  	v3 =	vadd.s32 v1, v3;
	_ =	sdelay $0x1  }
0x3e: {  	s16 =	simm.s32 $0x3480  }
0x3f: {  	[tilespmem:s16], [sflag:$0x1] =	stream.indirect_vreg.gather [hbm4b:s1+s3], $0x80, v4, vm0, $0xb8;
	[tilespmem:$0x10480] =	vst v63  }
0x40: {  	s19 =	simm.s32 $0x3C80  }
0x41: {  	[tilespmem:s19], [sflag:$0x1] =	stream.indirect_vreg.gather [hbm4b:s1+s3], $0x80, v3, vm0, $0xb8;
	[tilespmem:$0x10480] =	vst v63  }
0x42: {  	v3 =	vld [tilespmem:$0x40];
	_ =	sdelay $0x4  }
0x43: {  	v52 =	vshll.u32 v3, $0x1  }
0x44: {  	v3 =	vand.u32 $0x7, v3;
	v4 =	vand.u32 $0xFFFFFFF0, v52  }
0x45: {  	v3 =	vor.u32 v3, v4  }
0x46: {  	v4 =	vperm.xlane v3, v0;
	_ =	sdelay $0x1  }
0x47: {  	v3 =	vperm.xlane v3, v2;
	v4 =	vadd.s32 v1, v4;
	_ =	sdelay $0x1  }
0x48: {  	v3 =	vadd.s32 v1, v3;
	_ =	sdelay $0x1  }
0x49: {  	s20 =	simm.s32 $0x4480  }
0x4a: {  	[tilespmem:s20], [sflag:$0x1] =	stream.indirect_vreg.gather [hbm4b:s1+s3], $0x80, v4, vm0, $0xb8;
	[tilespmem:$0x10480] =	vst v63  }
0x4b: {  	s21 =	simm.s32 $0x4C80  }
0x4c: {  	[tilespmem:s21], [sflag:$0x1] =	stream.indirect_vreg.gather [hbm4b:s1+s3], $0x80, v3, vm0, $0xb8;
	[tilespmem:$0x10480] =	vst v63  }
0x4d: {  	v3 =	vld [tilespmem:$0x50];
	_ =	sdelay $0x4  }
0x4e: {  	v53 =	vshll.u32 v3, $0x1  }
0x4f: {  	v3 =	vand.u32 $0x7, v3;
	v4 =	vand.u32 $0xFFFFFFF0, v53  }
0x50: {  	v3 =	vor.u32 v3, v4  }
0x51: {  	v4 =	vperm.xlane v3, v0;
	_ =	sdelay $0x1  }
0x52: {  	v3 =	vperm.xlane v3, v2;
	v4 =	vadd.s32 v1, v4;
	_ =	sdelay $0x1  }
0x53: {  	v3 =	vadd.s32 v1, v3;
	_ =	sdelay $0x1  }
0x54: {  	s22 =	simm.s32 $0x5480  }
0x55: {  	[tilespmem:s22], [sflag:$0x1] =	stream.indirect_vreg.gather [hbm4b:s1+s3], $0x80, v4, vm0, $0xb8;
	[tilespmem:$0x10480] =	vst v63  }
0x56: {  	s23 =	simm.s32 $0x5C80  }
0x57: {  	[tilespmem:s23], [sflag:$0x1] =	stream.indirect_vreg.gather [hbm4b:s1+s3], $0x80, v3, vm0, $0xb8;
	[tilespmem:$0x10480] =	vst v63  }
0x58: {  	v3 =	vld [tilespmem:$0x60];
	_ =	sdelay $0x4  }
0x59: {  	v54 =	vshll.u32 v3, $0x1  }
0x5a: {  	v3 =	vand.u32 $0x7, v3;
	v4 =	vand.u32 $0xFFFFFFF0, v54  }
0x5b: {  	v3 =	vor.u32 v3, v4  }
0x5c: {  	v4 =	vperm.xlane v3, v0;
	_ =	sdelay $0x1  }
0x5d: {  	v3 =	vperm.xlane v3, v2;
	v4 =	vadd.s32 v1, v4;
	_ =	sdelay $0x1  }
0x5e: {  	v3 =	vadd.s32 v1, v3;
	_ =	sdelay $0x1  }
0x5f: {  	s24 =	simm.s32 $0x6480  }
0x60: {  	[tilespmem:s24], [sflag:$0x1] =	stream.indirect_vreg.gather [hbm4b:s1+s3], $0x80, v4, vm0, $0xb8;
	[tilespmem:$0x10480] =	vst v63  }
0x61: {  	s25 =	simm.s32 $0x6C80  }
0x62: {  	[tilespmem:s25], [sflag:$0x1] =	stream.indirect_vreg.gather [hbm4b:s1+s3], $0x80, v3, vm0, $0xb8;
	[tilespmem:$0x10480] =	vst v63  }
0x63: {  	v3 =	vld [tilespmem:$0x70];
	_ =	sdelay $0x4  }
0x64: {  	v55 =	vshll.u32 v3, $0x1  }
0x65: {  	v3 =	vand.u32 $0x7, v3;
	v4 =	vand.u32 $0xFFFFFFF0, v55  }
0x66: {  	v3 =	vor.u32 v3, v4  }
0x67: {  	v4 =	vperm.xlane v3, v0;
	_ =	sdelay $0x1  }
0x68: {  	v3 =	vperm.xlane v3, v2;
	v4 =	vadd.s32 v1, v4;
	_ =	sdelay $0x1  }
0x69: {  	v3 =	vadd.s32 v1, v3;
	_ =	sdelay $0x1  }
0x6a: {  	s26 =	simm.s32 $0x7480  }
0x6b: {  	[tilespmem:s26], [sflag:$0x1] =	stream.indirect_vreg.gather [hbm4b:s1+s3], $0x80, v4, vm0, $0xb8;
	[tilespmem:$0x10480] =	vst v63  }
0x6c: {  	s28 =	simm.s32 $0x7C80  }
0x6d: {  	[tilespmem:s28], [sflag:$0x1] =	stream.indirect_vreg.gather [hbm4b:s1+s3], $0x80, v3, vm0, $0xb8;
	[tilespmem:$0x10480] =	vst v63  }
0x6e: {  	v3 =	vld [tilespmem:$0x80];
	_ =	sdelay $0x4  }
0x6f: {  	v56 =	vshll.u32 v3, $0x1  }
0x70: {  	v3 =	vand.u32 $0x7, v3;
	v4 =	vand.u32 $0xFFFFFFF0, v56  }
0x71: {  	v3 =	vor.u32 v3, v4  }
0x72: {  	v4 =	vperm.xlane v3, v0;
	_ =	sdelay $0x1  }
0x73: {  	v3 =	vperm.xlane v3, v2;
	v4 =	vadd.s32 v1, v4;
	_ =	sdelay $0x1  }
0x74: {  	v3 =	vadd.s32 v1, v3;
	_ =	sdelay $0x2  }
0x75: {  	[tilespmem:s6], [sflag:$0x2] =	stream.indirect_vreg.gather [hbm4b:s1+s3], $0x80, v4, vm0, $0xb8;
	[tilespmem:$0x10480] =	vst v63  }
0x76: {  	s31 =	simm.s32 $0x8C80  }
0x77: {  	[tilespmem:s31], [sflag:$0x2] =	stream.indirect_vreg.gather [hbm4b:s1+s3], $0x80, v3, vm0, $0xb8;
	[tilespmem:$0x10480] =	vst v63  }
0x78: {  	v3 =	vld [tilespmem:$0x90];
	_ =	sdelay $0x4  }
0x79: {  	v57 =	vshll.u32 v3, $0x1  }
0x7a: {  	v3 =	vand.u32 $0x7, v3;
	v4 =	vand.u32 $0xFFFFFFF0, v57  }
0x7b: {  	v3 =	vor.u32 v3, v4  }
0x7c: {  	v4 =	vperm.xlane v3, v0;
	_ =	sdelay $0x1  }
0x7d: {  	v3 =	vperm.xlane v3, v2;
	v4 =	vadd.s32 v1, v4;
	_ =	sdelay $0x1  }
0x7e: {  	v3 =	vadd.s32 v1, v3;
	_ =	sdelay $0x1  }
0x7f: {  	s8 =	simm.s32 $0x9480  }
0x80: {  	[tilespmem:s8], [sflag:$0x2] =	stream.indirect_vreg.gather [hbm4b:s1+s3], $0x80, v4, vm0, $0xb8;
	[tilespmem:$0x10480] =	vst v63  }
0x81: {  	s9 =	simm.s32 $0x9C80  }
0x82: {  	[tilespmem:s9], [sflag:$0x2] =	stream.indirect_vreg.gather [hbm4b:s1+s3], $0x80, v3, vm0, $0xb8;
	[tilespmem:$0x10480] =	vst v63  }
0x83: {  	v3 =	vld [tilespmem:$0xA0];
	_ =	sdelay $0x4  }
0x84: {  	v58 =	vshll.u32 v3, $0x1  }
0x85: {  	v3 =	vand.u32 $0x7, v3;
	v4 =	vand.u32 $0xFFFFFFF0, v58  }
0x86: {  	v3 =	vor.u32 v3, v4  }
0x87: {  	v4 =	vperm.xlane v3, v0;
	_ =	sdelay $0x1  }
0x88: {  	v3 =	vperm.xlane v3, v2;
	v4 =	vadd.s32 v1, v4;
	_ =	sdelay $0x1  }
0x89: {  	v3 =	vadd.s32 v1, v3;
	_ =	sdelay $0x1  }
0x8a: {  	s10 =	simm.s32 $0xA480  }
0x8b: {  	[tilespmem:s10], [sflag:$0x2] =	stream.indirect_vreg.gather [hbm4b:s1+s3], $0x80, v4, vm0, $0xb8;
	[tilespmem:$0x10480] =	vst v63  }
0x8c: {  	s11 =	simm.s32 $0xAC80  }
0x8d: {  	[tilespmem:s11], [sflag:$0x2] =	stream.indirect_vreg.gather [hbm4b:s1+s3], $0x80, v3, vm0, $0xb8;
	[tilespmem:$0x10480] =	vst v63  }
0x8e: {  	v3 =	vld [tilespmem:$0xB0];
	_ =	sdelay $0x4  }
0x8f: {  	v59 =	vshll.u32 v3, $0x1  }
0x90: {  	v3 =	vand.u32 $0x7, v3;
	v4 =	vand.u32 $0xFFFFFFF0, v59  }
0x91: {  	v3 =	vor.u32 v3, v4  }
0x92: {  	v4 =	vperm.xlane v3, v0;
	_ =	sdelay $0x1  }
0x93: {  	v3 =	vperm.xlane v3, v2;
	v4 =	vadd.s32 v1, v4;
	_ =	sdelay $0x1  }
0x94: {  	v3 =	vadd.s32 v1, v3;
	_ =	sdelay $0x1  }
0x95: {  	s13 =	simm.s32 $0xB480  }
0x96: {  	[tilespmem:s13], [sflag:$0x2] =	stream.indirect_vreg.gather [hbm4b:s1+s3], $0x80, v4, vm0, $0xb8;
	[tilespmem:$0x10480] =	vst v63  }
0x97: {  	s14 =	simm.s32 $0xBC80  }
0x98: {  	[tilespmem:s14], [sflag:$0x2] =	stream.indirect_vreg.gather [hbm4b:s1+s3], $0x80, v3, vm0, $0xb8;
	[tilespmem:$0x10480] =	vst v63  }
0x99: {  	v3 =	vld [tilespmem:$0xC0];
	_ =	sdelay $0x4  }
0x9a: {  	v60 =	vshll.u32 v3, $0x1  }
0x9b: {  	v3 =	vand.u32 $0x7, v3;
	v4 =	vand.u32 $0xFFFFFFF0, v60  }
0x9c: {  	v3 =	vor.u32 v3, v4  }
0x9d: {  	v4 =	vperm.xlane v3, v0;
	_ =	sdelay $0x1  }
0x9e: {  	v3 =	vperm.xlane v3, v2;
	v4 =	vadd.s32 v1, v4;
	_ =	sdelay $0x1  }
0x9f: {  	v3 =	vadd.s32 v1, v3;
	_ =	sdelay $0x1  }
0xa0: {  	s16 =	simm.s32 $0xC480  }
0xa1: {  	[tilespmem:s16], [sflag:$0x2] =	stream.indirect_vreg.gather [hbm4b:s1+s3], $0x80, v4, vm0, $0xb8;
	[tilespmem:$0x10480] =	vst v63  }
0xa2: {  	s22 =	simm.s32 $0xCC80  }
0xa3: {  	[tilespmem:s22], [sflag:$0x2] =	stream.indirect_vreg.gather [hbm4b:s1+s3], $0x80, v3, vm0, $0xb8;
	[tilespmem:$0x10480] =	vst v63  }
0xa4: {  	v3 =	vld [tilespmem:$0xD0];
	_ =	sdelay $0x4  }
0xa5: {  	v61 =	vshll.u32 v3, $0x1  }
0xa6: {  	v3 =	vand.u32 $0x7, v3;
	v4 =	vand.u32 $0xFFFFFFF0, v61  }
0xa7: {  	v3 =	vor.u32 v3, v4  }
0xa8: {  	v4 =	vperm.xlane v3, v0;
	_ =	sdelay $0x1  }
0xa9: {  	v3 =	vperm.xlane v3, v2;
	v4 =	vadd.s32 v1, v4;
	_ =	sdelay $0x1  }
0xaa: {  	v3 =	vadd.s32 v1, v3;
	_ =	sdelay $0x1  }
0xab: {  	s23 =	simm.s32 $0xD480  }
0xac: {  	[tilespmem:s23], [sflag:$0x2] =	stream.indirect_vreg.gather [hbm4b:s1+s3], $0x80, v4, vm0, $0xb8;
	[tilespmem:$0x10480] =	vst v63  }
0xad: {  	s24 =	simm.s32 $0xDC80  }
0xae: {  	[tilespmem:s24], [sflag:$0x2] =	stream.indirect_vreg.gather [hbm4b:s1+s3], $0x80, v3, vm0, $0xb8;
	[tilespmem:$0x10480] =	vst v63  }
0xaf: {  	v3 =	vld [tilespmem:$0xE0];
	_ =	sdelay $0x4  }
0xb0: {  	v62 =	vshll.u32 v3, $0x1  }
0xb1: {  	v3 =	vand.u32 $0x7, v3;
	v4 =	vand.u32 $0xFFFFFFF0, v62  }
0xb2: {  	v3 =	vor.u32 v3, v4  }
0xb3: {  	v4 =	vperm.xlane v3, v0;
	_ =	sdelay $0x1  }
0xb4: {  	v3 =	vperm.xlane v3, v2;
	v4 =	vadd.s32 v1, v4;
	_ =	sdelay $0x1  }
0xb5: {  	v3 =	vadd.s32 v1, v3;
	_ =	sdelay $0x1  }
0xb6: {  	s28 =	simm.s32 $0xE480  }
0xb7: {  	[tilespmem:s28], [sflag:$0x2] =	stream.indirect_vreg.gather [hbm4b:s1+s3], $0x80, v4, vm0, $0xb8;
	[tilespmem:$0x10480] =	vst v63  }
0xb8: {  	s31 =	simm.s32 $0xEC80  }
0xb9: {  	[tilespmem:s31], [sflag:$0x2] =	stream.indirect_vreg.gather [hbm4b:s1+s3], $0x80, v3, vm0, $0xb8;
	[tilespmem:$0x10480] =	vst v63  }
0xba: {  	v3 =	vld [tilespmem:$0xF0];
	_ =	sdelay $0x4  }
0xbb: {  	v63 =	vshll.u32 v3, $0x1  }
0xbc: {  	v3 =	vand.u32 $0x7, v3;
	v4 =	vand.u32 $0xFFFFFFF0, v63  }
0xbd: {  	v3 =	vor.u32 v3, v4  }
0xbe: {  	v4 =	vperm.xlane v3, v0;
	_ =	sdelay $0x1  }
0xbf: {  	v3 =	vperm.xlane v3, v2;
	v4 =	vadd.s32 v1, v4;
	_ =	sdelay $0x1  }
0xc0: {  	v3 =	vadd.s32 v1, v3;
	_ =	sdelay $0x1  }
0xc1: {  	s8 =	simm.s32 $0xF480  }
0xc2: {  	[tilespmem:s8], [sflag:$0x2] =	stream.indirect_vreg.gather [hbm4b:s1+s3], $0x80, v4, vm0, $0xb8;
	[tilespmem:$0x10480] =	vst v63  }
0xc3: {  	s9 =	simm.s32 $0xFC80  }
0xc4: {  	[tilespmem:s9], [sflag:$0x2] =	stream.indirect_vreg.gather [hbm4b:s1+s3], $0x80, v3, vm0, $0xb8;
	[tilespmem:$0x10480] =	vst v63  }
0xc5: {  	_ =	swait.ge [sflag:s29], $0x8000  }
0xc6: {  	[sflag:s29] =	ssyncset.done $0x0  }
0xc7: {  	s10 =	rddreg [dreg:$0x5];
	[sflag:s29] =	ssyncadd.s32 $0xFFFF8000  }
0xc8: {  	[hbm4b:s10+s3] =	stream.linear.scatter [tilespmem:s12], [sflag:$0x3], $0x8000, $0x38;
	[tilespmem:$0x10480] =	vst v63  }
0xc9: {  	_ =	swait.ge [sflag:s5], $0x8000  }
0xca: {  	[sflag:s5] =	ssyncset.done $0x0  }
0xcb: {  	[sflag:s5] =	ssyncadd.s32 $0xFFFF8000  }
0xcc: {  	v3 =	vld [tilespmem:$0x100];
	_ =	sdelay $0x4  }
0xcd: {  	v8 =	vshll.u32 v3, $0x1  }
0xce: {  	v3 =	vand.u32 $0x7, v3;
	v4 =	vand.u32 $0xFFFFFFF0, v8  }
0xcf: {  	v3 =	vor.u32 v3, v4  }
0xd0: {  	v4 =	vperm.xlane v3, v0;
	_ =	sdelay $0x1  }
0xd1: {  	v3 =	vperm.xlane v3, v2;
	v4 =	vadd.s32 v1, v4;
	_ =	sdelay $0x1  }
0xd2: {  	v3 =	vadd.s32 v1, v3;
	_ =	sdelay $0x2  }
0xd3: {  	[tilespmem:s12], [sflag:$0x1] =	stream.indirect_vreg.gather [hbm4b:s1+s3], $0x80, v4, vm0, $0xb8;
	[tilespmem:$0x10480] =	vst v63  }
0xd4: {  	s2 =	simm.s32 $0xC80  }
0xd5: {  	[tilespmem:s2], [sflag:$0x1] =	stream.indirect_vreg.gather [hbm4b:s1+s3], $0x80, v3, vm0, $0xb8;
	[tilespmem:$0x10480] =	vst v63  }
0xd6: {  	v3 =	vld [tilespmem:$0x110];
	_ =	sdelay $0x4  }
0xd7: {  	v9 =	vshll.u32 v3, $0x1  }
0xd8: {  	v3 =	vand.u32 $0x7, v3;
	v4 =	vand.u32 $0xFFFFFFF0, v9  }
0xd9: {  	v3 =	vor.u32 v3, v4  }
0xda: {  	v4 =	vperm.xlane v3, v0;
	_ =	sdelay $0x1  }
0xdb: {  	v3 =	vperm.xlane v3, v2;
	v4 =	vadd.s32 v1, v4;
	_ =	sdelay $0x1  }
0xdc: {  	v3 =	vadd.s32 v1, v3;
	_ =	sdelay $0x1  }
0xdd: {  	s0 =	simm.s32 $0x1480  }
0xde: {  	[tilespmem:s0], [sflag:$0x1] =	stream.indirect_vreg.gather [hbm4b:s1+s3], $0x80, v4, vm0, $0xb8;
	[tilespmem:$0x10480] =	vst v63  }
0xdf: {  	s17 =	simm.s32 $0x1C80  }
0xe0: {  	[tilespmem:s17], [sflag:$0x1] =	stream.indirect_vreg.gather [hbm4b:s1+s3], $0x80, v3, vm0, $0xb8;
	[tilespmem:$0x10480] =	vst v63  }
0xe1: {  	v3 =	vld [tilespmem:$0x120];
	_ =	sdelay $0x4  }
0xe2: {  	v10 =	vshll.u32 v3, $0x1  }
0xe3: {  	v3 =	vand.u32 $0x7, v3;
	v4 =	vand.u32 $0xFFFFFFF0, v10  }
0xe4: {  	v3 =	vor.u32 v3, v4  }
0xe5: {  	v4 =	vperm.xlane v3, v0;
	_ =	sdelay $0x1  }
0xe6: {  	v3 =	vperm.xlane v3, v2;
	v4 =	vadd.s32 v1, v4;
	_ =	sdelay $0x1  }
0xe7: {  	v3 =	vadd.s32 v1, v3;
	_ =	sdelay $0x1  }
0xe8: {  	s2 =	simm.s32 $0x2480  }
0xe9: {  	[tilespmem:s2], [sflag:$0x1] =	stream.indirect_vreg.gather [hbm4b:s1+s3], $0x80, v4, vm0, $0xb8;
	[tilespmem:$0x10480] =	vst v63  }
0xea: {  	s18 =	simm.s32 $0x2C80  }
0xeb: {  	[tilespmem:s18], [sflag:$0x1] =	stream.indirect_vreg.gather [hbm4b:s1+s3], $0x80, v3, vm0, $0xb8;
	[tilespmem:$0x10480] =	vst v63  }
0xec: {  	v3 =	vld [tilespmem:$0x130];
	_ =	sdelay $0x4  }
0xed: {  	v11 =	vshll.u32 v3, $0x1  }
0xee: {  	v3 =	vand.u32 $0x7, v3;
	v4 =	vand.u32 $0xFFFFFFF0, v11  }
0xef: {  	v3 =	vor.u32 v3, v4  }
0xf0: {  	v4 =	vperm.xlane v3, v0;
	_ =	sdelay $0x1  }
0xf1: {  	v3 =	vperm.xlane v3, v2;
	v4 =	vadd.s32 v1, v4;
	_ =	sdelay $0x1  }
0xf2: {  	v3 =	vadd.s32 v1, v3;
	_ =	sdelay $0x1  }
0xf3: {  	s22 =	simm.s32 $0x3480  }
0xf4: {  	[tilespmem:s22], [sflag:$0x1] =	stream.indirect_vreg.gather [hbm4b:s1+s3], $0x80, v4, vm0, $0xb8;
	[tilespmem:$0x10480] =	vst v63  }
0xf5: {  	s19 =	simm.s32 $0x3C80  }
0xf6: {  	[tilespmem:s19], [sflag:$0x1] =	stream.indirect_vreg.gather [hbm4b:s1+s3], $0x80, v3, vm0, $0xb8;
	[tilespmem:$0x10480] =	vst v63  }
0xf7: {  	v3 =	vld [tilespmem:$0x140];
	_ =	sdelay $0x4  }
0xf8: {  	v12 =	vshll.u32 v3, $0x1  }
0xf9: {  	v3 =	vand.u32 $0x7, v3;
	v4 =	vand.u32 $0xFFFFFFF0, v12  }
0xfa: {  	v3 =	vor.u32 v3, v4  }
0xfb: {  	v4 =	vperm.xlane v3, v0;
	_ =	sdelay $0x1  }
0xfc: {  	v3 =	vperm.xlane v3, v2;
	v4 =	vadd.s32 v1, v4;
	_ =	sdelay $0x1  }
0xfd: {  	v3 =	vadd.s32 v1, v3;
	_ =	sdelay $0x1  }
0xfe: {  	s17 =	simm.s32 $0x4480  }
0xff: {  	[tilespmem:s17], [sflag:$0x1] =	stream.indirect_vreg.gather [hbm4b:s1+s3], $0x80, v4, vm0, $0xb8;
	[tilespmem:$0x10480] =	vst v63  }
0x100: {  	s20 =	simm.s32 $0x4C80  }
0x101: {  	[tilespmem:s20], [sflag:$0x1] =	stream.indirect_vreg.gather [hbm4b:s1+s3], $0x80, v3, vm0, $0xb8;
	[tilespmem:$0x10480] =	vst v63  }
0x102: {  	v3 =	vld [tilespmem:$0x150];
	_ =	sdelay $0x4  }
0x103: {  	v13 =	vshll.u32 v3, $0x1  }
0x104: {  	v3 =	vand.u32 $0x7, v3;
	v4 =	vand.u32 $0xFFFFFFF0, v13  }
0x105: {  	v3 =	vor.u32 v3, v4  }
0x106: {  	v4 =	vperm.xlane v3, v0;
	_ =	sdelay $0x1  }
0x107: {  	v3 =	vperm.xlane v3, v2;
	v4 =	vadd.s32 v1, v4;
	_ =	sdelay $0x1  }
0x108: {  	v3 =	vadd.s32 v1, v3;
	_ =	sdelay $0x1  }
0x109: {  	s18 =	simm.s32 $0x5480  }
0x10a: {  	[tilespmem:s18], [sflag:$0x1] =	stream.indirect_vreg.gather [hbm4b:s1+s3], $0x80, v4, vm0, $0xb8;
	[tilespmem:$0x10480] =	vst v63  }
0x10b: {  	s8 =	simm.s32 $0x5C80  }
0x10c: {  	[tilespmem:s8], [sflag:$0x1] =	stream.indirect_vreg.gather [hbm4b:s1+s3], $0x80, v3, vm0, $0xb8;
	[tilespmem:$0x10480] =	vst v63  }
0x10d: {  	v3 =	vld [tilespmem:$0x160];
	_ =	sdelay $0x4  }
0x10e: {  	v14 =	vshll.u32 v3, $0x1  }
0x10f: {  	v3 =	vand.u32 $0x7, v3;
	v4 =	vand.u32 $0xFFFFFFF0, v14  }
0x110: {  	v3 =	vor.u32 v3, v4  }
0x111: {  	v4 =	vperm.xlane v3, v0;
	_ =	sdelay $0x1  }
0x112: {  	v3 =	vperm.xlane v3, v2;
	v4 =	vadd.s32 v1, v4;
	_ =	sdelay $0x1  }
0x113: {  	v3 =	vadd.s32 v1, v3;
	_ =	sdelay $0x1  }
0x114: {  	s19 =	simm.s32 $0x6480  }
0x115: {  	[tilespmem:s19], [sflag:$0x1] =	stream.indirect_vreg.gather [hbm4b:s1+s3], $0x80, v4, vm0, $0xb8;
	[tilespmem:$0x10480] =	vst v63  }
0x116: {  	s9 =	simm.s32 $0x6C80  }
0x117: {  	[tilespmem:s9], [sflag:$0x1] =	stream.indirect_vreg.gather [hbm4b:s1+s3], $0x80, v3, vm0, $0xb8;
	[tilespmem:$0x10480] =	vst v63  }
0x118: {  	v3 =	vld [tilespmem:$0x170];
	_ =	sdelay $0x4  }
0x119: {  	v15 =	vshll.u32 v3, $0x1  }
0x11a: {  	v3 =	vand.u32 $0x7, v3;
	v4 =	vand.u32 $0xFFFFFFF0, v15  }
0x11b: {  	v3 =	vor.u32 v3, v4  }
0x11c: {  	v4 =	vperm.xlane v3, v0;
	_ =	sdelay $0x1  }
0x11d: {  	v3 =	vperm.xlane v3, v2;
	v4 =	vadd.s32 v1, v4;
	_ =	sdelay $0x1  }
0x11e: {  	v3 =	vadd.s32 v1, v3;
	_ =	sdelay $0x1  }
0x11f: {  	s20 =	simm.s32 $0x7480  }
0x120: {  	[tilespmem:s20], [sflag:$0x1] =	stream.indirect_vreg.gather [hbm4b:s1+s3], $0x80, v4, vm0, $0xb8;
	[tilespmem:$0x10480] =	vst v63  }
0x121: {  	s7 =	simm.s32 $0x7C80  }
0x122: {  	[tilespmem:s7], [sflag:$0x1] =	stream.indirect_vreg.gather [hbm4b:s1+s3], $0x80, v3, vm0, $0xb8;
	[tilespmem:$0x10480] =	vst v63  }
0x123: {  	_ =	swait.ge [sflag:s30], $0x8000  }
0x124: {  	[sflag:s30] =	ssyncset.done $0x0  }
0x125: {  	s11 =	rddreg [dreg:$0x6];
	[sflag:s30] =	ssyncadd.s32 $0xFFFF8000  }
0x126: {  	[hbm4b:s11+s3] =	stream.linear.scatter [tilespmem:s6], [sflag:$0x3], $0x8000, $0x38;
	[tilespmem:$0x10480] =	vst v63  }
0x127: {  	_ =	swait.ge [sflag:s5], $0x8000  }
0x128: {  	[sflag:s5] =	ssyncset.done $0x0  }
0x129: {  	[sflag:s5] =	ssyncadd.s32 $0xFFFF8000  }
0x12a: {  	v3 =	vld [tilespmem:$0x180];
	_ =	sdelay $0x4  }
0x12b: {  	v16 =	vshll.u32 v3, $0x1  }
0x12c: {  	v3 =	vand.u32 $0x7, v3;
	v4 =	vand.u32 $0xFFFFFFF0, v16  }
0x12d: {  	v3 =	vor.u32 v3, v4  }
0x12e: {  	v4 =	vperm.xlane v3, v0;
	_ =	sdelay $0x1  }
0x12f: {  	v3 =	vperm.xlane v3, v2;
	v4 =	vadd.s32 v1, v4;
	_ =	sdelay $0x1  }
0x130: {  	v3 =	vadd.s32 v1, v3;
	_ =	sdelay $0x2  }
0x131: {  	[tilespmem:s6], [sflag:$0x2] =	stream.indirect_vreg.gather [hbm4b:s1+s3], $0x80, v4, vm0, $0xb8;
	[tilespmem:$0x10480] =	vst v63  }
0x132: {  	s15 =	simm.s32 $0x8C80  }
0x133: {  	[tilespmem:s15], [sflag:$0x2] =	stream.indirect_vreg.gather [hbm4b:s1+s3], $0x80, v3, vm0, $0xb8;
	[tilespmem:$0x10480] =	vst v63  }
0x134: {  	v3 =	vld [tilespmem:$0x190];
	_ =	sdelay $0x4  }
0x135: {  	v17 =	vshll.u32 v3, $0x1  }
0x136: {  	v3 =	vand.u32 $0x7, v3;
	v4 =	vand.u32 $0xFFFFFFF0, v17  }
0x137: {  	v3 =	vor.u32 v3, v4  }
0x138: {  	v4 =	vperm.xlane v3, v0;
	_ =	sdelay $0x1  }
0x139: {  	v3 =	vperm.xlane v3, v2;
	v4 =	vadd.s32 v1, v4;
	_ =	sdelay $0x1  }
0x13a: {  	v3 =	vadd.s32 v1, v3;
	_ =	sdelay $0x1  }
0x13b: {  	s15 =	simm.s32 $0x9480  }
0x13c: {  	[tilespmem:s15], [sflag:$0x2] =	stream.indirect_vreg.gather [hbm4b:s1+s3], $0x80, v4, vm0, $0xb8;
	[tilespmem:$0x10480] =	vst v63  }
0x13d: {  	s26 =	simm.s32 $0x9C80  }
0x13e: {  	[tilespmem:s26], [sflag:$0x2] =	stream.indirect_vreg.gather [hbm4b:s1+s3], $0x80, v3, vm0, $0xb8;
	[tilespmem:$0x10480] =	vst v63  }
0x13f: {  	v3 =	vld [tilespmem:$0x1A0];
	_ =	sdelay $0x4  }
0x140: {  	v18 =	vshll.u32 v3, $0x1  }
0x141: {  	v3 =	vand.u32 $0x7, v3;
	v4 =	vand.u32 $0xFFFFFFF0, v18  }
0x142: {  	v3 =	vor.u32 v3, v4  }
0x143: {  	v4 =	vperm.xlane v3, v0;
	_ =	sdelay $0x1  }
0x144: {  	v3 =	vperm.xlane v3, v2;
	v4 =	vadd.s32 v1, v4;
	_ =	sdelay $0x1  }
0x145: {  	v3 =	vadd.s32 v1, v3;
	_ =	sdelay $0x1  }
0x146: {  	s21 =	simm.s32 $0xA480  }
0x147: {  	[tilespmem:s21], [sflag:$0x2] =	stream.indirect_vreg.gather [hbm4b:s1+s3], $0x80, v4, vm0, $0xb8;
	[tilespmem:$0x10480] =	vst v63  }
0x148: {  	s11 =	simm.s32 $0xAC80  }
0x149: {  	[tilespmem:s11], [sflag:$0x2] =	stream.indirect_vreg.gather [hbm4b:s1+s3], $0x80, v3, vm0, $0xb8;
	[tilespmem:$0x10480] =	vst v63  }
0x14a: {  	v3 =	vld [tilespmem:$0x1B0];
	_ =	sdelay $0x4  }
0x14b: {  	v19 =	vshll.u32 v3, $0x1  }
0x14c: {  	v3 =	vand.u32 $0x7, v3;
	v4 =	vand.u32 $0xFFFFFFF0, v19  }
0x14d: {  	v3 =	vor.u32 v3, v4  }
0x14e: {  	v4 =	vperm.xlane v3, v0;
	_ =	sdelay $0x1  }
0x14f: {  	v3 =	vperm.xlane v3, v2;
	v4 =	vadd.s32 v1, v4;
	_ =	sdelay $0x1  }
0x150: {  	v3 =	vadd.s32 v1, v3;
	_ =	sdelay $0x1  }
0x151: {  	s25 =	simm.s32 $0xB480  }
0x152: {  	[tilespmem:s25], [sflag:$0x2] =	stream.indirect_vreg.gather [hbm4b:s1+s3], $0x80, v4, vm0, $0xb8;
	[tilespmem:$0x10480] =	vst v63  }
0x153: {  	s10 =	simm.s32 $0xBC80  }
0x154: {  	[tilespmem:s10], [sflag:$0x2] =	stream.indirect_vreg.gather [hbm4b:s1+s3], $0x80, v3, vm0, $0xb8;
	[tilespmem:$0x10480] =	vst v63  }
0x155: {  	v3 =	vld [tilespmem:$0x1C0];
	_ =	sdelay $0x4  }
0x156: {  	v20 =	vshll.u32 v3, $0x1  }
0x157: {  	v3 =	vand.u32 $0x7, v3;
	v4 =	vand.u32 $0xFFFFFFF0, v20  }
0x158: {  	v3 =	vor.u32 v3, v4  }
0x159: {  	v4 =	vperm.xlane v3, v0;
	_ =	sdelay $0x1  }
0x15a: {  	v3 =	vperm.xlane v3, v2;
	v4 =	vadd.s32 v1, v4;
	_ =	sdelay $0x1  }
0x15b: {  	v3 =	vadd.s32 v1, v3;
	_ =	sdelay $0x1  }
0x15c: {  	s21 =	simm.s32 $0xC480  }
0x15d: {  	[tilespmem:s21], [sflag:$0x2] =	stream.indirect_vreg.gather [hbm4b:s1+s3], $0x80, v4, vm0, $0xb8;
	[tilespmem:$0x10480] =	vst v63  }
0x15e: {  	s25 =	simm.s32 $0xCC80  }
0x15f: {  	[tilespmem:s25], [sflag:$0x2] =	stream.indirect_vreg.gather [hbm4b:s1+s3], $0x80, v3, vm0, $0xb8;
	[tilespmem:$0x10480] =	vst v63  }
0x160: {  	v3 =	vld [tilespmem:$0x1D0];
	_ =	sdelay $0x4  }
0x161: {  	v21 =	vshll.u32 v3, $0x1  }
0x162: {  	v3 =	vand.u32 $0x7, v3;
	v4 =	vand.u32 $0xFFFFFFF0, v21  }
0x163: {  	v3 =	vor.u32 v3, v4  }
0x164: {  	v4 =	vperm.xlane v3, v0;
	_ =	sdelay $0x1  }
0x165: {  	v3 =	vperm.xlane v3, v2;
	v4 =	vadd.s32 v1, v4;
	_ =	sdelay $0x1  }
0x166: {  	v3 =	vadd.s32 v1, v3;
	_ =	sdelay $0x1  }
0x167: {  	s7 =	simm.s32 $0xD480  }
0x168: {  	[tilespmem:s7], [sflag:$0x2] =	stream.indirect_vreg.gather [hbm4b:s1+s3], $0x80, v4, vm0, $0xb8;
	[tilespmem:$0x10480] =	vst v63  }
0x169: {  	s26 =	simm.s32 $0xDC80  }
0x16a: {  	[tilespmem:s26], [sflag:$0x2] =	stream.indirect_vreg.gather [hbm4b:s1+s3], $0x80, v3, vm0, $0xb8;
	[tilespmem:$0x10480] =	vst v63  }
0x16b: {  	v3 =	vld [tilespmem:$0x1E0];
	_ =	sdelay $0x4  }
0x16c: {  	v22 =	vshll.u32 v3, $0x1  }
0x16d: {  	v3 =	vand.u32 $0x7, v3;
	v4 =	vand.u32 $0xFFFFFFF0, v22  }
0x16e: {  	v3 =	vor.u32 v3, v4  }
0x16f: {  	v4 =	vperm.xlane v3, v0;
	_ =	sdelay $0x1  }
0x170: {  	v3 =	vperm.xlane v3, v2;
	v4 =	vadd.s32 v1, v4;
	_ =	sdelay $0x1  }
0x171: {  	v3 =	vadd.s32 v1, v3;
	_ =	sdelay $0x1  }
0x172: {  	s28 =	simm.s32 $0xE480  }
0x173: {  	[tilespmem:s28], [sflag:$0x2] =	stream.indirect_vreg.gather [hbm4b:s1+s3], $0x80, v4, vm0, $0xb8;
	[tilespmem:$0x10480] =	vst v63  }
0x174: {  	s28 =	simm.s32 $0xEC80  }
0x175: {  	[tilespmem:s28], [sflag:$0x2] =	stream.indirect_vreg.gather [hbm4b:s1+s3], $0x80, v3, vm0, $0xb8;
	[tilespmem:$0x10480] =	vst v63  }
0x176: {  	v3 =	vld [tilespmem:$0x1F0];
	_ =	sdelay $0x4  }
0x177: {  	v23 =	vshll.u32 v3, $0x1  }
0x178: {  	v3 =	vand.u32 $0x7, v3;
	v4 =	vand.u32 $0xFFFFFFF0, v23  }
0x179: {  	v3 =	vor.u32 v3, v4  }
0x17a: {  	v4 =	vperm.xlane v3, v0;
	_ =	sdelay $0x1  }
0x17b: {  	v3 =	vperm.xlane v3, v2;
	v4 =	vadd.s32 v1, v4;
	_ =	sdelay $0x1  }
0x17c: {  	v3 =	vadd.s32 v1, v3;
	_ =	sdelay $0x1  }
0x17d: {  	s31 =	simm.s32 $0xF480  }
0x17e: {  	[tilespmem:s31], [sflag:$0x2] =	stream.indirect_vreg.gather [hbm4b:s1+s3], $0x80, v4, vm0, $0xb8;
	[tilespmem:$0x10480] =	vst v63  }
0x17f: {  	s13 =	simm.s32 $0xFC80  }
0x180: {  	[tilespmem:s13], [sflag:$0x2] =	stream.indirect_vreg.gather [hbm4b:s1+s3], $0x80, v3, vm0, $0xb8;
	[tilespmem:$0x10480] =	vst v63  }
0x181: {  	_ =	swait.ge [sflag:s29], $0x8000  }
0x182: {  	[sflag:s29] =	ssyncset.done $0x0  }
0x183: {  	s13 =	rddreg [dreg:$0x7];
	[sflag:s29] =	ssyncadd.s32 $0xFFFF8000  }
0x184: {  	[hbm4b:s13+s3] =	stream.linear.scatter [tilespmem:s12], [sflag:$0x3], $0x8000, $0x38;
	[tilespmem:$0x10480] =	vst v63  }
0x185: {  	_ =	swait.ge [sflag:s5], $0x8000  }
0x186: {  	[sflag:s5] =	ssyncset.done $0x0  }
0x187: {  	[sflag:s5] =	ssyncadd.s32 $0xFFFF8000  }
0x188: {  	v3 =	vld [tilespmem:$0x200];
	_ =	sdelay $0x4  }
0x189: {  	v24 =	vshll.u32 v3, $0x1  }
0x18a: {  	v3 =	vand.u32 $0x7, v3;
	v4 =	vand.u32 $0xFFFFFFF0, v24  }
0x18b: {  	v3 =	vor.u32 v3, v4  }
0x18c: {  	v4 =	vperm.xlane v3, v0;
	_ =	sdelay $0x1  }
0x18d: {  	v3 =	vperm.xlane v3, v2;
	v4 =	vadd.s32 v1, v4;
	_ =	sdelay $0x1  }
0x18e: {  	v3 =	vadd.s32 v1, v3;
	_ =	sdelay $0x2  }
0x18f: {  	[tilespmem:s12], [sflag:$0x1] =	stream.indirect_vreg.gather [hbm4b:s1+s3], $0x80, v4, vm0, $0xb8;
	[tilespmem:$0x10480] =	vst v63  }
0x190: {  	s31 =	simm.s32 $0xC80  }
0x191: {  	[tilespmem:s31], [sflag:$0x1] =	stream.indirect_vreg.gather [hbm4b:s1+s3], $0x80, v3, vm0, $0xb8;
	[tilespmem:$0x10480] =	vst v63  }
0x192: {  	v3 =	vld [tilespmem:$0x210];
	_ =	sdelay $0x4  }
0x193: {  	v25 =	vshll.u32 v3, $0x1  }
0x194: {  	v3 =	vand.u32 $0x7, v3;
	v4 =	vand.u32 $0xFFFFFFF0, v25  }
0x195: {  	v3 =	vor.u32 v3, v4  }
0x196: {  	v4 =	vperm.xlane v3, v0;
	_ =	sdelay $0x1  }
0x197: {  	v3 =	vperm.xlane v3, v2;
	v4 =	vadd.s32 v1, v4;
	_ =	sdelay $0x1  }
0x198: {  	v3 =	vadd.s32 v1, v3;
	_ =	sdelay $0x2  }
0x199: {  	[tilespmem:s0], [sflag:$0x1] =	stream.indirect_vreg.gather [hbm4b:s1+s3], $0x80, v4, vm0, $0xb8;
	[tilespmem:$0x10480] =	vst v63  }
0x19a: {  	s31 =	simm.s32 $0x1C80  }
0x19b: {  	[tilespmem:s31], [sflag:$0x1] =	stream.indirect_vreg.gather [hbm4b:s1+s3], $0x80, v3, vm0, $0xb8;
	[tilespmem:$0x10480] =	vst v63  }
0x19c: {  	v3 =	vld [tilespmem:$0x220];
	_ =	sdelay $0x4  }
0x19d: {  	v26 =	vshll.u32 v3, $0x1  }
0x19e: {  	v3 =	vand.u32 $0x7, v3;
	v4 =	vand.u32 $0xFFFFFFF0, v26  }
0x19f: {  	v3 =	vor.u32 v3, v4  }
0x1a0: {  	v4 =	vperm.xlane v3, v0;
	_ =	sdelay $0x1  }
0x1a1: {  	v3 =	vperm.xlane v3, v2;
	v4 =	vadd.s32 v1, v4;
	_ =	sdelay $0x1  }
0x1a2: {  	v3 =	vadd.s32 v1, v3;
	_ =	sdelay $0x2  }
0x1a3: {  	[tilespmem:s2], [sflag:$0x1] =	stream.indirect_vreg.gather [hbm4b:s1+s3], $0x80, v4, vm0, $0xb8;
	[tilespmem:$0x10480] =	vst v63  }
0x1a4: {  	s14 =	simm.s32 $0x2C80  }
0x1a5: {  	[tilespmem:s14], [sflag:$0x1] =	stream.indirect_vreg.gather [hbm4b:s1+s3], $0x80, v3, vm0, $0xb8;
	[tilespmem:$0x10480] =	vst v63  }
0x1a6: {  	v3 =	vld [tilespmem:$0x230];
	_ =	sdelay $0x4  }
0x1a7: {  	v27 =	vshll.u32 v3, $0x1  }
0x1a8: {  	v3 =	vand.u32 $0x7, v3;
	v4 =	vand.u32 $0xFFFFFFF0, v27  }
0x1a9: {  	v3 =	vor.u32 v3, v4  }
0x1aa: {  	v4 =	vperm.xlane v3, v0;
	_ =	sdelay $0x1  }
0x1ab: {  	v3 =	vperm.xlane v3, v2;
	v4 =	vadd.s32 v1, v4;
	_ =	sdelay $0x1  }
0x1ac: {  	v3 =	vadd.s32 v1, v3;
	_ =	sdelay $0x2  }
0x1ad: {  	[tilespmem:s22], [sflag:$0x1] =	stream.indirect_vreg.gather [hbm4b:s1+s3], $0x80, v4, vm0, $0xb8;
	[tilespmem:$0x10480] =	vst v63  }
0x1ae: {  	s16 =	simm.s32 $0x3C80  }
0x1af: {  	[tilespmem:s16], [sflag:$0x1] =	stream.indirect_vreg.gather [hbm4b:s1+s3], $0x80, v3, vm0, $0xb8;
	[tilespmem:$0x10480] =	vst v63  }
0x1b0: {  	v3 =	vld [tilespmem:$0x240];
	_ =	sdelay $0x4  }
0x1b1: {  	v28 =	vshll.u32 v3, $0x1  }
0x1b2: {  	v3 =	vand.u32 $0x7, v3;
	v4 =	vand.u32 $0xFFFFFFF0, v28  }
0x1b3: {  	v3 =	vor.u32 v3, v4  }
0x1b4: {  	v4 =	vperm.xlane v3, v0;
	_ =	sdelay $0x1  }
0x1b5: {  	v3 =	vperm.xlane v3, v2;
	v4 =	vadd.s32 v1, v4;
	_ =	sdelay $0x1  }
0x1b6: {  	v3 =	vadd.s32 v1, v3;
	_ =	sdelay $0x2  }
0x1b7: {  	[tilespmem:s17], [sflag:$0x1] =	stream.indirect_vreg.gather [hbm4b:s1+s3], $0x80, v4, vm0, $0xb8;
	[tilespmem:$0x10480] =	vst v63  }
0x1b8: {  	s24 =	simm.s32 $0x4C80  }
0x1b9: {  	[tilespmem:s24], [sflag:$0x1] =	stream.indirect_vreg.gather [hbm4b:s1+s3], $0x80, v3, vm0, $0xb8;
	[tilespmem:$0x10480] =	vst v63  }
0x1ba: {  	v3 =	vld [tilespmem:$0x250];
	_ =	sdelay $0x4  }
0x1bb: {  	v29 =	vshll.u32 v3, $0x1  }
0x1bc: {  	v3 =	vand.u32 $0x7, v3;
	v4 =	vand.u32 $0xFFFFFFF0, v29  }
0x1bd: {  	v3 =	vor.u32 v3, v4  }
0x1be: {  	v4 =	vperm.xlane v3, v0;
	_ =	sdelay $0x1  }
0x1bf: {  	v3 =	vperm.xlane v3, v2;
	v4 =	vadd.s32 v1, v4;
	_ =	sdelay $0x1  }
0x1c0: {  	v3 =	vadd.s32 v1, v3;
	_ =	sdelay $0x2  }
0x1c1: {  	[tilespmem:s18], [sflag:$0x1] =	stream.indirect_vreg.gather [hbm4b:s1+s3], $0x80, v4, vm0, $0xb8;
	[tilespmem:$0x10480] =	vst v63  }
0x1c2: {  	_ = 	snop  }
0x1c3: {  	[tilespmem:s8], [sflag:$0x1] =	stream.indirect_vreg.gather [hbm4b:s1+s3], $0x80, v3, vm0, $0xb8;
	[tilespmem:$0x10480] =	vst v63  }
0x1c4: {  	v3 =	vld [tilespmem:$0x260];
	_ =	sdelay $0x4  }
0x1c5: {  	v30 =	vshll.u32 v3, $0x1  }
0x1c6: {  	v3 =	vand.u32 $0x7, v3;
	v4 =	vand.u32 $0xFFFFFFF0, v30  }
0x1c7: {  	v3 =	vor.u32 v3, v4  }
0x1c8: {  	v4 =	vperm.xlane v3, v0;
	_ =	sdelay $0x1  }
0x1c9: {  	v3 =	vperm.xlane v3, v2;
	v4 =	vadd.s32 v1, v4;
	_ =	sdelay $0x1  }
0x1ca: {  	v3 =	vadd.s32 v1, v3;
	_ =	sdelay $0x2  }
0x1cb: {  	[tilespmem:s19], [sflag:$0x1] =	stream.indirect_vreg.gather [hbm4b:s1+s3], $0x80, v4, vm0, $0xb8;
	[tilespmem:$0x10480] =	vst v63  }
0x1cc: {  	_ = 	snop  }
0x1cd: {  	[tilespmem:s9], [sflag:$0x1] =	stream.indirect_vreg.gather [hbm4b:s1+s3], $0x80, v3, vm0, $0xb8;
	[tilespmem:$0x10480] =	vst v63  }
0x1ce: {  	v3 =	vld [tilespmem:$0x270];
	_ =	sdelay $0x4  }
0x1cf: {  	v31 =	vshll.u32 v3, $0x1  }
0x1d0: {  	v3 =	vand.u32 $0x7, v3;
	v4 =	vand.u32 $0xFFFFFFF0, v31  }
0x1d1: {  	v3 =	vor.u32 v3, v4  }
0x1d2: {  	v4 =	vperm.xlane v3, v0;
	_ =	sdelay $0x1  }
0x1d3: {  	v3 =	vperm.xlane v3, v2;
	v4 =	vadd.s32 v1, v4;
	_ =	sdelay $0x1  }
0x1d4: {  	v3 =	vadd.s32 v1, v3;
	_ =	sdelay $0x2  }
0x1d5: {  	[tilespmem:s20], [sflag:$0x1] =	stream.indirect_vreg.gather [hbm4b:s1+s3], $0x80, v4, vm0, $0xb8;
	[tilespmem:$0x10480] =	vst v63  }
0x1d6: {  	s23 =	simm.s32 $0x7C80  }
0x1d7: {  	[tilespmem:s23], [sflag:$0x1] =	stream.indirect_vreg.gather [hbm4b:s1+s3], $0x80, v3, vm0, $0xb8;
	[tilespmem:$0x10480] =	vst v63  }
0x1d8: {  	_ =	swait.ge [sflag:s30], $0x8000  }
0x1d9: {  	[sflag:s30] =	ssyncset.done $0x0  }
0x1da: {  	s8 =	rddreg [dreg:$0x8];
	[sflag:s30] =	ssyncadd.s32 $0xFFFF8000  }
0x1db: {  	[hbm4b:s8+s3] =	stream.linear.scatter [tilespmem:s6], [sflag:$0x3], $0x8000, $0x38;
	[tilespmem:$0x10480] =	vst v63  }
0x1dc: {  	_ =	swait.ge [sflag:s5], $0x8000  }
0x1dd: {  	[sflag:s5] =	ssyncset.done $0x0  }
0x1de: {  	[sflag:s5] =	ssyncadd.s32 $0xFFFF8000  }
0x1df: {  	v3 =	vld [tilespmem:$0x280];
	_ =	sdelay $0x4  }
0x1e0: {  	v32 =	vshll.u32 v3, $0x1  }
0x1e1: {  	v3 =	vand.u32 $0x7, v3;
	v4 =	vand.u32 $0xFFFFFFF0, v32  }
0x1e2: {  	v3 =	vor.u32 v3, v4  }
0x1e3: {  	v4 =	vperm.xlane v3, v0;
	_ =	sdelay $0x1  }
0x1e4: {  	v3 =	vperm.xlane v3, v2;
	v4 =	vadd.s32 v1, v4;
	_ =	sdelay $0x1  }
0x1e5: {  	v3 =	vadd.s32 v1, v3;
	_ =	sdelay $0x2  }
0x1e6: {  	[tilespmem:s6], [sflag:$0x2] =	stream.indirect_vreg.gather [hbm4b:s1+s3], $0x80, v4, vm0, $0xb8;
	[tilespmem:$0x10480] =	vst v63  }
0x1e7: {  	s13 =	simm.s32 $0x8C80  }
0x1e8: {  	[tilespmem:s13], [sflag:$0x2] =	stream.indirect_vreg.gather [hbm4b:s1+s3], $0x80, v3, vm0, $0xb8;
	[tilespmem:$0x10480] =	vst v63  }
0x1e9: {  	v3 =	vld [tilespmem:$0x290];
	_ =	sdelay $0x4  }
0x1ea: {  	v33 =	vshll.u32 v3, $0x1  }
0x1eb: {  	v3 =	vand.u32 $0x7, v3;
	v4 =	vand.u32 $0xFFFFFFF0, v33  }
0x1ec: {  	v3 =	vor.u32 v3, v4  }
0x1ed: {  	v4 =	vperm.xlane v3, v0;
	_ =	sdelay $0x1  }
0x1ee: {  	v3 =	vperm.xlane v3, v2;
	v4 =	vadd.s32 v1, v4;
	_ =	sdelay $0x1  }
0x1ef: {  	v3 =	vadd.s32 v1, v3;
	_ =	sdelay $0x2  }
0x1f0: {  	[tilespmem:s15], [sflag:$0x2] =	stream.indirect_vreg.gather [hbm4b:s1+s3], $0x80, v4, vm0, $0xb8;
	[tilespmem:$0x10480] =	vst v63  }
0x1f1: {  	s17 =	simm.s32 $0x9C80  }
0x1f2: {  	[tilespmem:s17], [sflag:$0x2] =	stream.indirect_vreg.gather [hbm4b:s1+s3], $0x80, v3, vm0, $0xb8;
	[tilespmem:$0x10480] =	vst v63  }
0x1f3: {  	v3 =	vld [tilespmem:$0x2A0];
	_ =	sdelay $0x4  }
0x1f4: {  	v34 =	vshll.u32 v3, $0x1  }
0x1f5: {  	v3 =	vand.u32 $0x7, v3;
	v4 =	vand.u32 $0xFFFFFFF0, v34  }
0x1f6: {  	v3 =	vor.u32 v3, v4  }
0x1f7: {  	v4 =	vperm.xlane v3, v0;
	_ =	sdelay $0x1  }
0x1f8: {  	v3 =	vperm.xlane v3, v2;
	v4 =	vadd.s32 v1, v4;
	_ =	sdelay $0x1  }
0x1f9: {  	v3 =	vadd.s32 v1, v3;
	_ =	sdelay $0x1  }
0x1fa: {  	s19 =	simm.s32 $0xA480  }
0x1fb: {  	[tilespmem:s19], [sflag:$0x2] =	stream.indirect_vreg.gather [hbm4b:s1+s3], $0x80, v4, vm0, $0xb8;
	[tilespmem:$0x10480] =	vst v63  }
0x1fc: {  	_ = 	snop  }
0x1fd: {  	[tilespmem:s11], [sflag:$0x2] =	stream.indirect_vreg.gather [hbm4b:s1+s3], $0x80, v3, vm0, $0xb8;
	[tilespmem:$0x10480] =	vst v63  }
0x1fe: {  	v3 =	vld [tilespmem:$0x2B0];
	_ =	sdelay $0x4  }
0x1ff: {  	v35 =	vshll.u32 v3, $0x1  }
0x200: {  	v3 =	vand.u32 $0x7, v3;
	v4 =	vand.u32 $0xFFFFFFF0, v35  }
0x201: {  	v3 =	vor.u32 v3, v4  }
0x202: {  	v4 =	vperm.xlane v3, v0;
	_ =	sdelay $0x1  }
0x203: {  	v3 =	vperm.xlane v3, v2;
	v4 =	vadd.s32 v1, v4;
	_ =	sdelay $0x1  }
0x204: {  	v3 =	vadd.s32 v1, v3;
	_ =	sdelay $0x1  }
0x205: {  	s20 =	simm.s32 $0xB480  }
0x206: {  	[tilespmem:s20], [sflag:$0x2] =	stream.indirect_vreg.gather [hbm4b:s1+s3], $0x80, v4, vm0, $0xb8;
	[tilespmem:$0x10480] =	vst v63  }
0x207: {  	_ = 	snop  }
0x208: {  	[tilespmem:s10], [sflag:$0x2] =	stream.indirect_vreg.gather [hbm4b:s1+s3], $0x80, v3, vm0, $0xb8;
	[tilespmem:$0x10480] =	vst v63  }
0x209: {  	v3 =	vld [tilespmem:$0x2C0];
	_ =	sdelay $0x4  }
0x20a: {  	v36 =	vshll.u32 v3, $0x1  }
0x20b: {  	v3 =	vand.u32 $0x7, v3;
	v4 =	vand.u32 $0xFFFFFFF0, v36  }
0x20c: {  	v3 =	vor.u32 v3, v4  }
0x20d: {  	v4 =	vperm.xlane v3, v0;
	_ =	sdelay $0x1  }
0x20e: {  	v3 =	vperm.xlane v3, v2;
	v4 =	vadd.s32 v1, v4;
	_ =	sdelay $0x1  }
0x20f: {  	v3 =	vadd.s32 v1, v3;
	_ =	sdelay $0x2  }
0x210: {  	[tilespmem:s21], [sflag:$0x2] =	stream.indirect_vreg.gather [hbm4b:s1+s3], $0x80, v4, vm0, $0xb8;
	[tilespmem:$0x10480] =	vst v63  }
0x211: {  	_ = 	snop  }
0x212: {  	[tilespmem:s25], [sflag:$0x2] =	stream.indirect_vreg.gather [hbm4b:s1+s3], $0x80, v3, vm0, $0xb8;
	[tilespmem:$0x10480] =	vst v63  }
0x213: {  	v3 =	vld [tilespmem:$0x2D0];
	_ =	sdelay $0x4  }
0x214: {  	v37 =	vshll.u32 v3, $0x1  }
0x215: {  	v3 =	vand.u32 $0x7, v3;
	v4 =	vand.u32 $0xFFFFFFF0, v37  }
0x216: {  	v3 =	vor.u32 v3, v4  }
0x217: {  	v4 =	vperm.xlane v3, v0;
	_ =	sdelay $0x1  }
0x218: {  	v3 =	vperm.xlane v3, v2;
	v4 =	vadd.s32 v1, v4;
	_ =	sdelay $0x1  }
0x219: {  	v3 =	vadd.s32 v1, v3;
	_ =	sdelay $0x2  }
0x21a: {  	[tilespmem:s7], [sflag:$0x2] =	stream.indirect_vreg.gather [hbm4b:s1+s3], $0x80, v4, vm0, $0xb8;
	[tilespmem:$0x10480] =	vst v63  }
0x21b: {  	_ = 	snop  }
0x21c: {  	[tilespmem:s26], [sflag:$0x2] =	stream.indirect_vreg.gather [hbm4b:s1+s3], $0x80, v3, vm0, $0xb8;
	[tilespmem:$0x10480] =	vst v63  }
0x21d: {  	v3 =	vld [tilespmem:$0x2E0];
	_ =	sdelay $0x4  }
0x21e: {  	v38 =	vshll.u32 v3, $0x1  }
0x21f: {  	v3 =	vand.u32 $0x7, v3;
	v4 =	vand.u32 $0xFFFFFFF0, v38  }
0x220: {  	v3 =	vor.u32 v3, v4  }
0x221: {  	v4 =	vperm.xlane v3, v0;
	_ =	sdelay $0x1  }
0x222: {  	v3 =	vperm.xlane v3, v2;
	v4 =	vadd.s32 v1, v4;
	_ =	sdelay $0x1  }
0x223: {  	v3 =	vadd.s32 v1, v3;
	_ =	sdelay $0x1  }
0x224: {  	s23 =	simm.s32 $0xE480  }
0x225: {  	[tilespmem:s23], [sflag:$0x2] =	stream.indirect_vreg.gather [hbm4b:s1+s3], $0x80, v4, vm0, $0xb8;
	[tilespmem:$0x10480] =	vst v63  }
0x226: {  	_ = 	snop  }
0x227: {  	[tilespmem:s28], [sflag:$0x2] =	stream.indirect_vreg.gather [hbm4b:s1+s3], $0x80, v3, vm0, $0xb8;
	[tilespmem:$0x10480] =	vst v63  }
0x228: {  	v3 =	vld [tilespmem:$0x2F0];
	_ =	sdelay $0x4  }
0x229: {  	v39 =	vshll.u32 v3, $0x1  }
0x22a: {  	v3 =	vand.u32 $0x7, v3;
	v4 =	vand.u32 $0xFFFFFFF0, v39  }
0x22b: {  	v3 =	vor.u32 v3, v4  }
0x22c: {  	v4 =	vperm.xlane v3, v0;
	_ =	sdelay $0x1  }
0x22d: {  	v3 =	vperm.xlane v3, v2;
	v4 =	vadd.s32 v1, v4;
	_ =	sdelay $0x1  }
0x22e: {  	v3 =	vadd.s32 v1, v3;
	_ =	sdelay $0x1  }
0x22f: {  	s24 =	simm.s32 $0xF480  }
0x230: {  	[tilespmem:s24], [sflag:$0x2] =	stream.indirect_vreg.gather [hbm4b:s1+s3], $0x80, v4, vm0, $0xb8;
	[tilespmem:$0x10480] =	vst v63  }
0x231: {  	s25 =	simm.s32 $0xFC80  }
0x232: {  	[tilespmem:s25], [sflag:$0x2] =	stream.indirect_vreg.gather [hbm4b:s1+s3], $0x80, v3, vm0, $0xb8;
	[tilespmem:$0x10480] =	vst v63  }
0x233: {  	_ =	swait.ge [sflag:s29], $0x8000  }
0x234: {  	[sflag:s29] =	ssyncset.done $0x0  }
0x235: {  	s28 =	rddreg [dreg:$0x9];
	[sflag:s29] =	ssyncadd.s32 $0xFFFF8000  }
0x236: {  	[hbm4b:s28+s3] =	stream.linear.scatter [tilespmem:s12], [sflag:$0x3], $0x8000, $0x38;
	[tilespmem:$0x10480] =	vst v63  }
0x237: {  	_ =	swait.ge [sflag:s5], $0x8000  }
0x238: {  	[sflag:s5] =	ssyncset.done $0x0  }
0x239: {  	[sflag:s5] =	ssyncadd.s32 $0xFFFF8000  }
0x23a: {  	v3 =	vld [tilespmem:$0x300];
	_ =	sdelay $0x4  }
0x23b: {  	v40 =	vshll.u32 v3, $0x1  }
0x23c: {  	v3 =	vand.u32 $0x7, v3;
	v4 =	vand.u32 $0xFFFFFFF0, v40  }
0x23d: {  	v3 =	vor.u32 v3, v4  }
0x23e: {  	v4 =	vperm.xlane v3, v0;
	_ =	sdelay $0x1  }
0x23f: {  	v3 =	vperm.xlane v3, v2;
	v4 =	vadd.s32 v1, v4;
	_ =	sdelay $0x1  }
0x240: {  	v3 =	vadd.s32 v1, v3;
	_ =	sdelay $0x2  }
0x241: {  	[tilespmem:s12], [sflag:$0x1] =	stream.indirect_vreg.gather [hbm4b:s1+s3], $0x80, v4, vm0, $0xb8;
	[tilespmem:$0x10480] =	vst v63  }
0x242: {  	s31 =	simm.s32 $0xC80  }
0x243: {  	[tilespmem:s31], [sflag:$0x1] =	stream.indirect_vreg.gather [hbm4b:s1+s3], $0x80, v3, vm0, $0xb8;
	[tilespmem:$0x10480] =	vst v63  }
0x244: {  	v3 =	vld [tilespmem:$0x310];
	_ =	sdelay $0x4  }
0x245: {  	v41 =	vshll.u32 v3, $0x1  }
0x246: {  	v3 =	vand.u32 $0x7, v3;
	v4 =	vand.u32 $0xFFFFFFF0, v41  }
0x247: {  	v3 =	vor.u32 v3, v4  }
0x248: {  	v4 =	vperm.xlane v3, v0;
	_ =	sdelay $0x1  }
0x249: {  	v3 =	vperm.xlane v3, v2;
	v4 =	vadd.s32 v1, v4;
	_ =	sdelay $0x1  }
0x24a: {  	v3 =	vadd.s32 v1, v3;
	_ =	sdelay $0x1  }
0x24b: {  	s0 =	simm.s32 $0x1480  }
0x24c: {  	[tilespmem:s0], [sflag:$0x1] =	stream.indirect_vreg.gather [hbm4b:s1+s3], $0x80, v4, vm0, $0xb8;
	[tilespmem:$0x10480] =	vst v63  }
0x24d: {  	s17 =	simm.s32 $0x1C80  }
0x24e: {  	[tilespmem:s17], [sflag:$0x1] =	stream.indirect_vreg.gather [hbm4b:s1+s3], $0x80, v3, vm0, $0xb8;
	[tilespmem:$0x10480] =	vst v63  }
0x24f: {  	v3 =	vld [tilespmem:$0x320];
	_ =	sdelay $0x4  }
0x250: {  	v42 =	vshll.u32 v3, $0x1  }
0x251: {  	v3 =	vand.u32 $0x7, v3;
	v4 =	vand.u32 $0xFFFFFFF0, v42  }
0x252: {  	v3 =	vor.u32 v3, v4  }
0x253: {  	v4 =	vperm.xlane v3, v0;
	_ =	sdelay $0x1  }
0x254: {  	v3 =	vperm.xlane v3, v2;
	v4 =	vadd.s32 v1, v4;
	_ =	sdelay $0x1  }
0x255: {  	v3 =	vadd.s32 v1, v3;
	_ =	sdelay $0x1  }
0x256: {  	s2 =	simm.s32 $0x2480  }
0x257: {  	[tilespmem:s2], [sflag:$0x1] =	stream.indirect_vreg.gather [hbm4b:s1+s3], $0x80, v4, vm0, $0xb8;
	[tilespmem:$0x10480] =	vst v63  }
0x258: {  	s24 =	simm.s32 $0x2C80  }
0x259: {  	[tilespmem:s24], [sflag:$0x1] =	stream.indirect_vreg.gather [hbm4b:s1+s3], $0x80, v3, vm0, $0xb8;
	[tilespmem:$0x10480] =	vst v63  }
0x25a: {  	v3 =	vld [tilespmem:$0x330];
	_ =	sdelay $0x4  }
0x25b: {  	v43 =	vshll.u32 v3, $0x1  }
0x25c: {  	v3 =	vand.u32 $0x7, v3;
	v4 =	vand.u32 $0xFFFFFFF0, v43  }
0x25d: {  	v3 =	vor.u32 v3, v4  }
0x25e: {  	v4 =	vperm.xlane v3, v0;
	_ =	sdelay $0x1  }
0x25f: {  	v3 =	vperm.xlane v3, v2;
	v4 =	vadd.s32 v1, v4;
	_ =	sdelay $0x1  }
0x260: {  	v3 =	vadd.s32 v1, v3;
	_ =	sdelay $0x1  }
0x261: {  	s14 =	simm.s32 $0x3480  }
0x262: {  	[tilespmem:s14], [sflag:$0x1] =	stream.indirect_vreg.gather [hbm4b:s1+s3], $0x80, v4, vm0, $0xb8;
	[tilespmem:$0x10480] =	vst v63  }
0x263: {  	s31 =	simm.s32 $0x3C80  }
0x264: {  	[tilespmem:s31], [sflag:$0x1] =	stream.indirect_vreg.gather [hbm4b:s1+s3], $0x80, v3, vm0, $0xb8;
	[tilespmem:$0x10480] =	vst v63  }
0x265: {  	v3 =	vld [tilespmem:$0x340];
	_ =	sdelay $0x4  }
0x266: {  	v44 =	vshll.u32 v3, $0x1  }
0x267: {  	v3 =	vand.u32 $0x7, v3;
	v4 =	vand.u32 $0xFFFFFFF0, v44  }
0x268: {  	v3 =	vor.u32 v3, v4  }
0x269: {  	v4 =	vperm.xlane v3, v0;
	_ =	sdelay $0x1  }
0x26a: {  	v3 =	vperm.xlane v3, v2;
	v4 =	vadd.s32 v1, v4;
	_ =	sdelay $0x1  }
0x26b: {  	v3 =	vadd.s32 v1, v3;
	_ =	sdelay $0x1  }
0x26c: {  	s24 =	simm.s32 $0x4480  }
0x26d: {  	[tilespmem:s24], [sflag:$0x1] =	stream.indirect_vreg.gather [hbm4b:s1+s3], $0x80, v4, vm0, $0xb8;
	[tilespmem:$0x10480] =	vst v63  }
0x26e: {  	s31 =	simm.s32 $0x4C80  }
0x26f: {  	[tilespmem:s31], [sflag:$0x1] =	stream.indirect_vreg.gather [hbm4b:s1+s3], $0x80, v3, vm0, $0xb8;
	[tilespmem:$0x10480] =	vst v63  }
0x270: {  	v3 =	vld [tilespmem:$0x350];
	_ =	sdelay $0x4  }
0x271: {  	v45 =	vshll.u32 v3, $0x1  }
0x272: {  	v3 =	vand.u32 $0x7, v3;
	v4 =	vand.u32 $0xFFFFFFF0, v45  }
0x273: {  	v3 =	vor.u32 v3, v4  }
0x274: {  	v4 =	vperm.xlane v3, v0;
	_ =	sdelay $0x1  }
0x275: {  	v3 =	vperm.xlane v3, v2;
	v4 =	vadd.s32 v1, v4;
	_ =	sdelay $0x1  }
0x276: {  	v3 =	vadd.s32 v1, v3;
	_ =	sdelay $0x1  }
0x277: {  	s18 =	simm.s32 $0x5480  }
0x278: {  	[tilespmem:s18], [sflag:$0x1] =	stream.indirect_vreg.gather [hbm4b:s1+s3], $0x80, v4, vm0, $0xb8;
	[tilespmem:$0x10480] =	vst v63  }
0x279: {  	s31 =	simm.s32 $0x5C80  }
0x27a: {  	[tilespmem:s31], [sflag:$0x1] =	stream.indirect_vreg.gather [hbm4b:s1+s3], $0x80, v3, vm0, $0xb8;
	[tilespmem:$0x10480] =	vst v63  }
0x27b: {  	v3 =	vld [tilespmem:$0x360];
	_ =	sdelay $0x4  }
0x27c: {  	v46 =	vshll.u32 v3, $0x1  }
0x27d: {  	v3 =	vand.u32 $0x7, v3;
	v4 =	vand.u32 $0xFFFFFFF0, v46  }
0x27e: {  	v3 =	vor.u32 v3, v4  }
0x27f: {  	v4 =	vperm.xlane v3, v0;
	_ =	sdelay $0x1  }
0x280: {  	v3 =	vperm.xlane v3, v2;
	v4 =	vadd.s32 v1, v4;
	_ =	sdelay $0x1  }
0x281: {  	v3 =	vadd.s32 v1, v3;
	_ =	sdelay $0x1  }
0x282: {  	s22 =	simm.s32 $0x6480  }
0x283: {  	[tilespmem:s22], [sflag:$0x1] =	stream.indirect_vreg.gather [hbm4b:s1+s3], $0x80, v4, vm0, $0xb8;
	[tilespmem:$0x10480] =	vst v63  }
0x284: {  	s9 =	simm.s32 $0x6C80  }
0x285: {  	[tilespmem:s9], [sflag:$0x1] =	stream.indirect_vreg.gather [hbm4b:s1+s3], $0x80, v3, vm0, $0xb8;
	[tilespmem:$0x10480] =	vst v63  }
0x286: {  	v3 =	vld [tilespmem:$0x370];
	_ =	sdelay $0x4  }
0x287: {  	v47 =	vshll.u32 v3, $0x1  }
0x288: {  	v3 =	vand.u32 $0x7, v3;
	v4 =	vand.u32 $0xFFFFFFF0, v47  }
0x289: {  	v3 =	vor.u32 v3, v4  }
0x28a: {  	v4 =	vperm.xlane v3, v0;
	_ =	sdelay $0x1  }
0x28b: {  	v3 =	vperm.xlane v3, v2;
	v4 =	vadd.s32 v1, v4;
	_ =	sdelay $0x1  }
0x28c: {  	v3 =	vadd.s32 v1, v3;
	_ =	sdelay $0x1  }
0x28d: {  	s16 =	simm.s32 $0x7480  }
0x28e: {  	[tilespmem:s16], [sflag:$0x1] =	stream.indirect_vreg.gather [hbm4b:s1+s3], $0x80, v4, vm0, $0xb8;
	[tilespmem:$0x10480] =	vst v63  }
0x28f: {  	s31 =	simm.s32 $0x7C80  }
0x290: {  	[tilespmem:s31], [sflag:$0x1] =	stream.indirect_vreg.gather [hbm4b:s1+s3], $0x80, v3, vm0, $0xb8;
	[tilespmem:$0x10480] =	vst v63  }
0x291: {  	_ =	swait.ge [sflag:s30], $0x8000  }
0x292: {  	[sflag:s30] =	ssyncset.done $0x0  }
0x293: {  	s31 =	rddreg [dreg:$0xa];
	[sflag:s30] =	ssyncadd.s32 $0xFFFF8000  }
0x294: {  	[hbm4b:s31+s3] =	stream.linear.scatter [tilespmem:s6], [sflag:$0x3], $0x8000, $0x38;
	[tilespmem:$0x10480] =	vst v63  }
0x295: {  	_ =	swait.ge [sflag:s5], $0x8000  }
0x296: {  	[sflag:s5] =	ssyncset.done $0x0  }
0x297: {  	[sflag:s5] =	ssyncadd.s32 $0xFFFF8000  }
0x298: {  	v3 =	vld [tilespmem:$0x380];
	_ =	sdelay $0x4  }
0x299: {  	v48 =	vshll.u32 v3, $0x1  }
0x29a: {  	v3 =	vand.u32 $0x7, v3;
	v4 =	vand.u32 $0xFFFFFFF0, v48  }
0x29b: {  	v3 =	vor.u32 v3, v4  }
0x29c: {  	v4 =	vperm.xlane v3, v0;
	_ =	sdelay $0x1  }
0x29d: {  	v3 =	vperm.xlane v3, v2;
	v4 =	vadd.s32 v1, v4;
	_ =	sdelay $0x1  }
0x29e: {  	v3 =	vadd.s32 v1, v3;
	_ =	sdelay $0x2  }
0x29f: {  	[tilespmem:s6], [sflag:$0x2] =	stream.indirect_vreg.gather [hbm4b:s1+s3], $0x80, v4, vm0, $0xb8;
	[tilespmem:$0x10480] =	vst v63  }
0x2a0: {  	s31 =	simm.s32 $0x8C80  }
0x2a1: {  	[tilespmem:s31], [sflag:$0x2] =	stream.indirect_vreg.gather [hbm4b:s1+s3], $0x80, v3, vm0, $0xb8;
	[tilespmem:$0x10480] =	vst v63  }
0x2a2: {  	v3 =	vld [tilespmem:$0x390];
	_ =	sdelay $0x4  }
0x2a3: {  	v49 =	vshll.u32 v3, $0x1  }
0x2a4: {  	v3 =	vand.u32 $0x7, v3;
	v4 =	vand.u32 $0xFFFFFFF0, v49  }
0x2a5: {  	v3 =	vor.u32 v3, v4  }
0x2a6: {  	v4 =	vperm.xlane v3, v0;
	_ =	sdelay $0x1  }
0x2a7: {  	v3 =	vperm.xlane v3, v2;
	v4 =	vadd.s32 v1, v4;
	_ =	sdelay $0x1  }
0x2a8: {  	v3 =	vadd.s32 v1, v3;
	_ =	sdelay $0x1  }
0x2a9: {  	s13 =	simm.s32 $0x9480  }
0x2aa: {  	[tilespmem:s13], [sflag:$0x2] =	stream.indirect_vreg.gather [hbm4b:s1+s3], $0x80, v4, vm0, $0xb8;
	[tilespmem:$0x10480] =	vst v63  }
0x2ab: {  	s31 =	simm.s32 $0x9C80  }
0x2ac: {  	[tilespmem:s31], [sflag:$0x2] =	stream.indirect_vreg.gather [hbm4b:s1+s3], $0x80, v3, vm0, $0xb8;
	[tilespmem:$0x10480] =	vst v63  }
0x2ad: {  	v3 =	vld [tilespmem:$0x3A0];
	_ =	sdelay $0x4  }
0x2ae: {  	v50 =	vshll.u32 v3, $0x1  }
0x2af: {  	v3 =	vand.u32 $0x7, v3;
	v4 =	vand.u32 $0xFFFFFFF0, v50  }
0x2b0: {  	v3 =	vor.u32 v3, v4  }
0x2b1: {  	v4 =	vperm.xlane v3, v0;
	_ =	sdelay $0x1  }
0x2b2: {  	v3 =	vperm.xlane v3, v2;
	v4 =	vadd.s32 v1, v4;
	_ =	sdelay $0x1  }
0x2b3: {  	v3 =	vadd.s32 v1, v3;
	_ =	sdelay $0x1  }
0x2b4: {  	s31 =	simm.s32 $0xA480  }
0x2b5: {  	[tilespmem:s31], [sflag:$0x2] =	stream.indirect_vreg.gather [hbm4b:s1+s3], $0x80, v4, vm0, $0xb8;
	[tilespmem:$0x10480] =	vst v63  }
0x2b6: {  	s11 =	simm.s32 $0xAC80  }
0x2b7: {  	[tilespmem:s11], [sflag:$0x2] =	stream.indirect_vreg.gather [hbm4b:s1+s3], $0x80, v3, vm0, $0xb8;
	[tilespmem:$0x10480] =	vst v63  }
0x2b8: {  	v3 =	vld [tilespmem:$0x3B0];
	_ =	sdelay $0x4  }
0x2b9: {  	v51 =	vshll.u32 v3, $0x1  }
0x2ba: {  	v3 =	vand.u32 $0x7, v3;
	v4 =	vand.u32 $0xFFFFFFF0, v51  }
0x2bb: {  	v3 =	vor.u32 v3, v4  }
0x2bc: {  	v4 =	vperm.xlane v3, v0;
	_ =	sdelay $0x1  }
0x2bd: {  	v3 =	vperm.xlane v3, v2;
	v4 =	vadd.s32 v1, v4;
	_ =	sdelay $0x1  }
0x2be: {  	v3 =	vadd.s32 v1, v3;
	_ =	sdelay $0x1  }
0x2bf: {  	s13 =	simm.s32 $0xB480  }
0x2c0: {  	[tilespmem:s13], [sflag:$0x2] =	stream.indirect_vreg.gather [hbm4b:s1+s3], $0x80, v4, vm0, $0xb8;
	[tilespmem:$0x10480] =	vst v63  }
0x2c1: {  	s10 =	simm.s32 $0xBC80  }
0x2c2: {  	[tilespmem:s10], [sflag:$0x2] =	stream.indirect_vreg.gather [hbm4b:s1+s3], $0x80, v3, vm0, $0xb8;
	[tilespmem:$0x10480] =	vst v63  }
0x2c3: {  	v3 =	vld [tilespmem:$0x3C0];
	_ =	sdelay $0x4  }
0x2c4: {  	v52 =	vshll.u32 v3, $0x1  }
0x2c5: {  	v3 =	vand.u32 $0x7, v3;
	v4 =	vand.u32 $0xFFFFFFF0, v52  }
0x2c6: {  	v3 =	vor.u32 v3, v4  }
0x2c7: {  	v4 =	vperm.xlane v3, v0;
	_ =	sdelay $0x1  }
0x2c8: {  	v3 =	vperm.xlane v3, v2;
	v4 =	vadd.s32 v1, v4;
	_ =	sdelay $0x1  }
0x2c9: {  	v3 =	vadd.s32 v1, v3;
	_ =	sdelay $0x1  }
0x2ca: {  	s15 =	simm.s32 $0xC480  }
0x2cb: {  	[tilespmem:s15], [sflag:$0x2] =	stream.indirect_vreg.gather [hbm4b:s1+s3], $0x80, v4, vm0, $0xb8;
	[tilespmem:$0x10480] =	vst v63  }
0x2cc: {  	s19 =	simm.s32 $0xCC80  }
0x2cd: {  	[tilespmem:s19], [sflag:$0x2] =	stream.indirect_vreg.gather [hbm4b:s1+s3], $0x80, v3, vm0, $0xb8;
	[tilespmem:$0x10480] =	vst v63  }
0x2ce: {  	v3 =	vld [tilespmem:$0x3D0];
	_ =	sdelay $0x4  }
0x2cf: {  	v53 =	vshll.u32 v3, $0x1  }
0x2d0: {  	v3 =	vand.u32 $0x7, v3;
	v4 =	vand.u32 $0xFFFFFFF0, v53  }
0x2d1: {  	v3 =	vor.u32 v3, v4  }
0x2d2: {  	v4 =	vperm.xlane v3, v0;
	_ =	sdelay $0x1  }
0x2d3: {  	v3 =	vperm.xlane v3, v2;
	v4 =	vadd.s32 v1, v4;
	_ =	sdelay $0x1  }
0x2d4: {  	v3 =	vadd.s32 v1, v3;
	_ =	sdelay $0x1  }
0x2d5: {  	s7 =	simm.s32 $0xD480  }
0x2d6: {  	[tilespmem:s7], [sflag:$0x2] =	stream.indirect_vreg.gather [hbm4b:s1+s3], $0x80, v4, vm0, $0xb8;
	[tilespmem:$0x10480] =	vst v63  }
0x2d7: {  	s20 =	simm.s32 $0xDC80  }
0x2d8: {  	[tilespmem:s20], [sflag:$0x2] =	stream.indirect_vreg.gather [hbm4b:s1+s3], $0x80, v3, vm0, $0xb8;
	[tilespmem:$0x10480] =	vst v63  }
0x2d9: {  	v3 =	vld [tilespmem:$0x3E0];
	_ =	sdelay $0x4  }
0x2da: {  	v54 =	vshll.u32 v3, $0x1  }
0x2db: {  	v3 =	vand.u32 $0x7, v3;
	v4 =	vand.u32 $0xFFFFFFF0, v54  }
0x2dc: {  	v3 =	vor.u32 v3, v4  }
0x2dd: {  	v4 =	vperm.xlane v3, v0;
	_ =	sdelay $0x1  }
0x2de: {  	v3 =	vperm.xlane v3, v2;
	v4 =	vadd.s32 v1, v4;
	_ =	sdelay $0x1  }
0x2df: {  	v3 =	vadd.s32 v1, v3;
	_ =	sdelay $0x1  }
0x2e0: {  	s26 =	simm.s32 $0xE480  }
0x2e1: {  	[tilespmem:s26], [sflag:$0x2] =	stream.indirect_vreg.gather [hbm4b:s1+s3], $0x80, v4, vm0, $0xb8;
	[tilespmem:$0x10480] =	vst v63  }
0x2e2: {  	s21 =	simm.s32 $0xEC80  }
0x2e3: {  	[tilespmem:s21], [sflag:$0x2] =	stream.indirect_vreg.gather [hbm4b:s1+s3], $0x80, v3, vm0, $0xb8;
	[tilespmem:$0x10480] =	vst v63  }
0x2e4: {  	v3 =	vld [tilespmem:$0x3F0];
	_ =	sdelay $0x4  }
0x2e5: {  	v55 =	vshll.u32 v3, $0x1  }
0x2e6: {  	v3 =	vand.u32 $0x7, v3;
	v4 =	vand.u32 $0xFFFFFFF0, v55  }
0x2e7: {  	v3 =	vor.u32 v3, v4  }
0x2e8: {  	v4 =	vperm.xlane v3, v0;
	_ =	sdelay $0x1  }
0x2e9: {  	v3 =	vperm.xlane v3, v2;
	v4 =	vadd.s32 v1, v4;
	_ =	sdelay $0x1  }
0x2ea: {  	v3 =	vadd.s32 v1, v3;
	_ =	sdelay $0x1  }
0x2eb: {  	s8 =	simm.s32 $0xF480  }
0x2ec: {  	[tilespmem:s8], [sflag:$0x2] =	stream.indirect_vreg.gather [hbm4b:s1+s3], $0x80, v4, vm0, $0xb8;
	[tilespmem:$0x10480] =	vst v63  }
0x2ed: {  	s20 =	simm.s32 $0xFC80  }
0x2ee: {  	[tilespmem:s20], [sflag:$0x2] =	stream.indirect_vreg.gather [hbm4b:s1+s3], $0x80, v3, vm0, $0xb8;
	[tilespmem:$0x10480] =	vst v63  }
0x2ef: {  	_ =	swait.ge [sflag:s29], $0x8000  }
0x2f0: {  	[sflag:s29] =	ssyncset.done $0x0  }
0x2f1: {  	s21 =	rddreg [dreg:$0xb];
	[sflag:s29] =	ssyncadd.s32 $0xFFFF8000  }
0x2f2: {  	[hbm4b:s21+s3] =	stream.linear.scatter [tilespmem:s12], [sflag:$0x3], $0x8000, $0x38;
	[tilespmem:$0x10480] =	vst v63  }
0x2f3: {  	_ =	swait.ge [sflag:s5], $0x8000  }
0x2f4: {  	[sflag:s5] =	ssyncset.done $0x0  }
0x2f5: {  	[sflag:s5] =	ssyncadd.s32 $0xFFFF8000  }
0x2f6: {  	v3 =	vld [tilespmem:$0x400];
	_ =	sdelay $0x4  }
0x2f7: {  	v56 =	vshll.u32 v3, $0x1  }
0x2f8: {  	v3 =	vand.u32 $0x7, v3;
	v4 =	vand.u32 $0xFFFFFFF0, v56  }
0x2f9: {  	v3 =	vor.u32 v3, v4  }
0x2fa: {  	v4 =	vperm.xlane v3, v0;
	_ =	sdelay $0x1  }
0x2fb: {  	v3 =	vperm.xlane v3, v2;
	v4 =	vadd.s32 v1, v4;
	_ =	sdelay $0x1  }
0x2fc: {  	v3 =	vadd.s32 v1, v3;
	_ =	sdelay $0x2  }
0x2fd: {  	[tilespmem:s12], [sflag:$0x1] =	stream.indirect_vreg.gather [hbm4b:s1+s3], $0x80, v4, vm0, $0xb8;
	[tilespmem:$0x10480] =	vst v63  }
0x2fe: {  	s25 =	simm.s32 $0xC80  }
0x2ff: {  	[tilespmem:s25], [sflag:$0x1] =	stream.indirect_vreg.gather [hbm4b:s1+s3], $0x80, v3, vm0, $0xb8;
	[tilespmem:$0x10480] =	vst v63  }
0x300: {  	v3 =	vld [tilespmem:$0x410];
	_ =	sdelay $0x4  }
0x301: {  	v57 =	vshll.u32 v3, $0x1  }
0x302: {  	v3 =	vand.u32 $0x7, v3;
	v4 =	vand.u32 $0xFFFFFFF0, v57  }
0x303: {  	v3 =	vor.u32 v3, v4  }
0x304: {  	v4 =	vperm.xlane v3, v0;
	_ =	sdelay $0x1  }
0x305: {  	v3 =	vperm.xlane v3, v2;
	v4 =	vadd.s32 v1, v4;
	_ =	sdelay $0x1  }
0x306: {  	v3 =	vadd.s32 v1, v3;
	_ =	sdelay $0x1  }
0x307: {  	s23 =	simm.s32 $0x1480  }
0x308: {  	[tilespmem:s23], [sflag:$0x1] =	stream.indirect_vreg.gather [hbm4b:s1+s3], $0x80, v4, vm0, $0xb8;
	[tilespmem:$0x10480] =	vst v63  }
0x309: {  	s28 =	simm.s32 $0x1C80  }
0x30a: {  	[tilespmem:s28], [sflag:$0x1] =	stream.indirect_vreg.gather [hbm4b:s1+s3], $0x80, v3, vm0, $0xb8;
	[tilespmem:$0x10480] =	vst v63  }
0x30b: {  	v3 =	vld [tilespmem:$0x420];
	_ =	sdelay $0x4  }
0x30c: {  	v58 =	vshll.u32 v3, $0x1  }
0x30d: {  	v3 =	vand.u32 $0x7, v3;
	v4 =	vand.u32 $0xFFFFFFF0, v58  }
0x30e: {  	v3 =	vor.u32 v3, v4  }
0x30f: {  	v4 =	vperm.xlane v3, v0;
	_ =	sdelay $0x1  }
0x310: {  	v3 =	vperm.xlane v3, v2;
	v4 =	vadd.s32 v1, v4;
	_ =	sdelay $0x1  }
0x311: {  	v3 =	vadd.s32 v1, v3;
	_ =	sdelay $0x1  }
0x312: {  	s0 =	simm.s32 $0x2480  }
0x313: {  	[tilespmem:s0], [sflag:$0x1] =	stream.indirect_vreg.gather [hbm4b:s1+s3], $0x80, v4, vm0, $0xb8;
	[tilespmem:$0x10480] =	vst v63  }
0x314: {  	s17 =	simm.s32 $0x2C80  }
0x315: {  	[tilespmem:s17], [sflag:$0x1] =	stream.indirect_vreg.gather [hbm4b:s1+s3], $0x80, v3, vm0, $0xb8;
	[tilespmem:$0x10480] =	vst v63  }
0x316: {  	v3 =	vld [tilespmem:$0x430];
	_ =	sdelay $0x4  }
0x317: {  	v59 =	vshll.u32 v3, $0x1  }
0x318: {  	v3 =	vand.u32 $0x7, v3;
	v4 =	vand.u32 $0xFFFFFFF0, v59  }
0x319: {  	v3 =	vor.u32 v3, v4  }
0x31a: {  	v4 =	vperm.xlane v3, v0;
	_ =	sdelay $0x1  }
0x31b: {  	v3 =	vperm.xlane v3, v2;
	v4 =	vadd.s32 v1, v4;
	_ =	sdelay $0x1  }
0x31c: {  	v3 =	vadd.s32 v1, v3;
	_ =	sdelay $0x1  }
0x31d: {  	s2 =	simm.s32 $0x3480  }
0x31e: {  	[tilespmem:s2], [sflag:$0x1] =	stream.indirect_vreg.gather [hbm4b:s1+s3], $0x80, v4, vm0, $0xb8;
	[tilespmem:$0x10480] =	vst v63  }
0x31f: {  	s23 =	simm.s32 $0x3C80  }
0x320: {  	[tilespmem:s23], [sflag:$0x1] =	stream.indirect_vreg.gather [hbm4b:s1+s3], $0x80, v3, vm0, $0xb8;
	[tilespmem:$0x10480] =	vst v63  }
0x321: {  	v3 =	vld [tilespmem:$0x440];
	_ =	sdelay $0x4  }
0x322: {  	v60 =	vshll.u32 v3, $0x1  }
0x323: {  	v3 =	vand.u32 $0x7, v3;
	v4 =	vand.u32 $0xFFFFFFF0, v60  }
0x324: {  	v3 =	vor.u32 v3, v4  }
0x325: {  	v4 =	vperm.xlane v3, v0;
	_ =	sdelay $0x1  }
0x326: {  	v3 =	vperm.xlane v3, v2;
	v4 =	vadd.s32 v1, v4;
	_ =	sdelay $0x1  }
0x327: {  	v3 =	vadd.s32 v1, v3;
	_ =	sdelay $0x1  }
0x328: {  	s24 =	simm.s32 $0x4480  }
0x329: {  	[tilespmem:s24], [sflag:$0x1] =	stream.indirect_vreg.gather [hbm4b:s1+s3], $0x80, v4, vm0, $0xb8;
	[tilespmem:$0x10480] =	vst v63  }
0x32a: {  	s24 =	simm.s32 $0x4C80  }
0x32b: {  	[tilespmem:s24], [sflag:$0x1] =	stream.indirect_vreg.gather [hbm4b:s1+s3], $0x80, v3, vm0, $0xb8;
	[tilespmem:$0x10480] =	vst v63  }
0x32c: {  	v3 =	vld [tilespmem:$0x450];
	_ =	sdelay $0x4  }
0x32d: {  	v61 =	vshll.u32 v3, $0x1  }
0x32e: {  	v3 =	vand.u32 $0x7, v3;
	v4 =	vand.u32 $0xFFFFFFF0, v61  }
0x32f: {  	v3 =	vor.u32 v3, v4  }
0x330: {  	v4 =	vperm.xlane v3, v0;
	_ =	sdelay $0x1  }
0x331: {  	v3 =	vperm.xlane v3, v2;
	v4 =	vadd.s32 v1, v4;
	_ =	sdelay $0x1  }
0x332: {  	v3 =	vadd.s32 v1, v3;
	_ =	sdelay $0x1  }
0x333: {  	s18 =	simm.s32 $0x5480  }
0x334: {  	[tilespmem:s18], [sflag:$0x1] =	stream.indirect_vreg.gather [hbm4b:s1+s3], $0x80, v4, vm0, $0xb8;
	[tilespmem:$0x10480] =	vst v63  }
0x335: {  	s25 =	simm.s32 $0x5C80  }
0x336: {  	[tilespmem:s25], [sflag:$0x1] =	stream.indirect_vreg.gather [hbm4b:s1+s3], $0x80, v3, vm0, $0xb8;
	[tilespmem:$0x10480] =	vst v63  }
0x337: {  	v3 =	vld [tilespmem:$0x460];
	_ =	sdelay $0x4  }
0x338: {  	v62 =	vshll.u32 v3, $0x1  }
0x339: {  	v3 =	vand.u32 $0x7, v3;
	v4 =	vand.u32 $0xFFFFFFF0, v62  }
0x33a: {  	v3 =	vor.u32 v3, v4  }
0x33b: {  	v4 =	vperm.xlane v3, v0;
	_ =	sdelay $0x1  }
0x33c: {  	v3 =	vperm.xlane v3, v2;
	v4 =	vadd.s32 v1, v4;
	_ =	sdelay $0x1  }
0x33d: {  	v3 =	vadd.s32 v1, v3;
	_ =	sdelay $0x1  }
0x33e: {  	s22 =	simm.s32 $0x6480  }
0x33f: {  	[tilespmem:s22], [sflag:$0x1] =	stream.indirect_vreg.gather [hbm4b:s1+s3], $0x80, v4, vm0, $0xb8;
	[tilespmem:$0x10480] =	vst v63  }
0x340: {  	s14 =	simm.s32 $0x6C80  }
0x341: {  	[tilespmem:s14], [sflag:$0x1] =	stream.indirect_vreg.gather [hbm4b:s1+s3], $0x80, v3, vm0, $0xb8;
	[tilespmem:$0x10480] =	vst v63  }
0x342: {  	v3 =	vld [tilespmem:$0x470];
	_ =	sdelay $0x4  }
0x343: {  	v63 =	vshll.u32 v3, $0x1  }
0x344: {  	v3 =	vand.u32 $0x7, v3;
	v4 =	vand.u32 $0xFFFFFFF0, v63  }
0x345: {  	v3 =	vor.u32 v3, v4  }
0x346: {  	v4 =	vperm.xlane v3, v0;
	_ =	sdelay $0x1  }
0x347: {  	v3 =	vperm.xlane v3, v2;
	v4 =	vadd.s32 v1, v4;
	_ =	sdelay $0x1  }
0x348: {  	v3 =	vadd.s32 v1, v3;
	_ =	sdelay $0x1  }
0x349: {  	s9 =	simm.s32 $0x7480  }
0x34a: {  	[tilespmem:s9], [sflag:$0x1] =	stream.indirect_vreg.gather [hbm4b:s1+s3], $0x80, v4, vm0, $0xb8;
	[tilespmem:$0x10480] =	vst v63  }
0x34b: {  	s16 =	simm.s32 $0x7C80  }
0x34c: {  	[tilespmem:s16], [sflag:$0x1] =	stream.indirect_vreg.gather [hbm4b:s1+s3], $0x80, v3, vm0, $0xb8;
	[tilespmem:$0x10480] =	vst v63  }
0x34d: {  	_ =	swait.ge [sflag:s30], $0x8000  }
0x34e: {  	[sflag:s30] =	ssyncset.done $0x0  }
0x34f: {  	s26 =	rddreg [dreg:$0xc];
	[sflag:s30] =	ssyncadd.s32 $0xFFFF8000  }
0x350: {  	[hbm4b:s26+s3] =	stream.linear.scatter [tilespmem:s6], [sflag:$0x3], $0x8000, $0x38;
	[tilespmem:$0x10480] =	vst v63  }
0x351: {  	_ =	swait.ge [sflag:s5], $0x8000  }
0x352: {  	[sflag:s5] =	ssyncset.done $0x0  }
0x353: {  	[sflag:s5] =	ssyncadd.s32 $0xFFFF8000  }
0x354: {  	_ =	swait.ge [sflag:s29], $0x8000  }
0x355: {  	p0 =	sne.s32 s4, $0x1;
	[sflag:s29] =	ssyncset.done $0x0  }
.Ltmp0:
0x356: {  	s28 =	rddreg [dreg:$0xd];
	[sflag:s29] =	ssyncadd.s32 $0xFFFF8000;
	(pc) =	sbr.rel @p0 .LBB2_1-.Ltmp0, $4  }
0x357: {  	[hbm4b:s28+s3] =	stream.linear.scatter [tilespmem:s12], [sflag:$0x3], $0x8000, $0x38;
	[tilespmem:$0x10480] =	vst v63  }
0x358: {  	_ =	swait.ge [sflag:s5], $0x8000  }
0x359: {  	[sflag:s5] =	ssyncset.done $0x0  }
0x35a: {  	s4 =	sadd.s32 $0xFFFFFFFF, s4;
	[sflag:s5] =	ssyncadd.s32 $0xFFFF8000  }
0x35b: {  	_ =	sfence.sel $0x180000  }
0x35c: {  	[bflag:$0x0] =	sbarrier.arrive $0xFFFF  }
0x35d: {  	_ =	strace $0x90000047  }
0x35e: {  	s0 =	stileid.u32;
	[bflag:$0x2] =	sbarrier.arrive $0xFFFF  }
0x35f: {  	p0 =	sne.s32 s0, $0x0;
	s0 =	rddreg [dreg:$0x3]  }
0x360: {  	s0 =	sadd.s32 @!p0 $0x100000, s0  }
0x361: {  	[sflag:s0] =	ssyncadd.tile.s32 @!p0 $0x1;
	_ =	shalt  }
.Lfunc_end2:
_tile_overlayer_lowered:
.L_overlay_start_2:
0x362: {  	(tag) =	ssettag $0x2  }
0x363: {  	s0 =	rddreg [dreg:$0x0];
	s2 =	stileid.u32  }
0x364: {  	s1 =	rddreg [dreg:$0x1];
	p0 =	sne.s32 s2, $0x0  }
0x365: {  	s3 =	rddreg [dreg:$0x2];
	[bflag:$0x3] =	sbarrier.arrive $0xFFFF;
	s2 =	simm.s32 @!p0 $0x1C03  }
0x366: {  	[timem:s3], [sflag:s2] =	dma.local @!p0 [hbm:s0], s1  }
0x367: {  	s0 =	simm.s32 @!p0 $0x3  }
0x368: {  	_ =	swait.ge @!p0 [sflag:s0], s1  }
0x369: {  	s1 =	ssub.s32 @!p0 $0x0, s1;
	[sflag:s0] =	ssyncset.done @!p0 $0x0  }
0x36a: {  	[sflag:s0] =	ssyncadd.s32 @!p0 s1  }
0x36b: {  	[bflag:$0x3] =	sbarrier.arrive $0xFFFF  }
0x36c: {  	_ =	shalt  }

</sc_bundles>
